<compile_context>
chip_gen: v7x
topology: tpu7x:2x2x1
jax: 0.10.2.dev20260603
libtpu: 0.0.44.dev20260713+nightly
codegen_flags: <defaults>
</compile_context>

<pallas_src>
import functools

import jax
import jax.numpy as jnp
from jax import lax
from jax.experimental import pallas as pl
from jax.experimental.pallas import tpu as pltpu
from jax.experimental.pallas import tpu_sc as plsc

LS_MAX = 2.0
LS_MIN = -5.0

NC, NS = 2, 16
NW = NC * NS
L = 16
BLK = 512
XCH = 32


def _wid():
    return lax.axis_index("s") * NC + lax.axis_index("c")


def _mesh():
    return plsc.VectorSubcoreMesh(
        core_axis_name="c", subcore_axis_name="s",
        num_cores=NC, num_subcores=NS)


def _sc_count(o, B, E):
    TPW = B // NW

    @functools.partial(
        pl.kernel, mesh=_mesh(),
        compiler_params=pltpu.CompilerParams(needs_layout_passes=False),
        out_type=(jax.ShapeDtypeStruct((NW, E), jnp.int32),
                  jax.ShapeDtypeStruct((NW, TPW), jnp.int32)),
        scratch_types=[
            pltpu.VMEM((TPW,), jnp.int32),
            pltpu.VMEM((TPW,), jnp.int32),
            pltpu.VMEM((E,), jnp.int32),
        ],
    )
    def k(o_hbm, cnt_hbm, lpos_hbm, o_v, lp_v, c_v):
        w = _wid()
        pltpu.sync_copy(o_hbm.at[pl.ds(w * TPW, TPW)], o_v)
        lanes = lax.iota(jnp.int32, L)

        def sub(kk, cnt):
            ov = o_v[pl.ds(kk * L, L)]
            lp = jnp.zeros((L,), jnp.int32)
            for e in range(E):
                m = ov == e
                m32 = m.astype(jnp.int32)
                csum = plsc.cumsum(m32)
                lp = jnp.where(m, cnt[e] + csum - 1, lp)
                pc = plsc.all_reduce_population_count(m)
                cnt = cnt + jnp.where(lanes == e, pc,
                                      jnp.zeros((L,), jnp.int32))
            lp_v[pl.ds(kk * L, L)] = lp
            return cnt

        cnt = lax.fori_loop(0, TPW // L, sub, jnp.zeros((E,), jnp.int32))
        c_v[...] = cnt
        pltpu.sync_copy(lp_v, lpos_hbm.at[w])
        pltpu.sync_copy(c_v, cnt_hbm.at[w])

    return k(o)


def _sc_dispatch(o, counts, lpos, x, B, D, E, NBMAX):
    TPW = B // NW
    NCH = TPW // XCH
    B_pad = NBMAX * BLK

    @functools.partial(
        pl.kernel, mesh=_mesh(),
        compiler_params=pltpu.CompilerParams(needs_layout_passes=False),
        out_type=(jax.ShapeDtypeStruct((B_pad, D), jnp.float32),
                  jax.ShapeDtypeStruct((NW, NCH, XCH), jnp.int32),
                  jax.ShapeDtypeStruct((NBMAX,), jnp.int32),
                  jax.ShapeDtypeStruct((L,), jnp.int32)),
        scratch_types=[
            pltpu.VMEM((NW, E), jnp.int32),
            pltpu.VMEM((NCH, XCH), jnp.int32),
            pltpu.VMEM((NBMAX,), jnp.int32),
            pltpu.VMEM((L,), jnp.int32),
            pltpu.VMEM((XCH, D), jnp.float32),
            pltpu.VMEM((XCH, D), jnp.float32),
            pltpu.VMEM((TPW,), jnp.int32),
            pltpu.VMEM((TPW,), jnp.int32),
            pltpu.VMEM((E,), jnp.int32),
            pltpu.SemaphoreType.DMA,
            pltpu.SemaphoreType.DMA,
            pltpu.SemaphoreType.DMA,
            pltpu.SemaphoreType.DMA,
        ],
    )
    def k(o_hbm, cnt_hbm, lpos_hbm, x_hbm,
          xs_hbm, tts_hbm, be_hbm, nb_hbm,
          cv, ts_v, be_v, nb_v, xb0, xb1, o_v, lp_v, off_v,
          sem0, sem1, lsem0, lsem1):
        w = _wid()
        pltpu.sync_copy(cnt_hbm, cv)
        pltpu.sync_copy(o_hbm.at[pl.ds(w * TPW, TPW)], o_v)
        pltpu.sync_copy(lpos_hbm.at[w], lp_v)

        def tsum(t, acc):
            return acc + cv[t]
        tot = lax.fori_loop(0, NW, tsum, jnp.zeros((E,), jnp.int32))
        nblk = (tot + (BLK - 1)) // BLK
        sizes = nblk * BLK
        base = plsc.cumsum(sizes) - sizes

        def osum(t, acc):
            return acc + cv[t]
        off = base + lax.fori_loop(0, w, osum, jnp.zeros((E,), jnp.int32))
        off_v[...] = off

        for kk in range(TPW // L):
            ov = o_v[pl.ds(kk * L, L)]
            lp = lp_v[pl.ds(kk * L, L)]
            ts = plsc.load_gather(off_v, [ov]) + lp
            ts_v[kk // 2, pl.ds((kk % 2) * L, L)] = ts
        pltpu.sync_copy(ts_v, tts_hbm.at[w])

        @pl.when(w == 0)
        def _():
            nb_used = jnp.sum(nblk)
            for g in range(NBMAX // L):
                starts = (lax.iota(jnp.int32, L) + g * L) * BLK
                acc = jnp.zeros((L,), jnp.int32)
                for e in range(E):
                    acc = acc + (base[e] <= starts).astype(jnp.int32)
                be_v[pl.ds(g * L, L)] = acc - 1
            nb_v[...] = jnp.full((L,), nb_used, jnp.int32)
            pltpu.sync_copy(be_v, be_hbm)
            pltpu.sync_copy(nb_v, nb_hbm)

        bufs = (xb0, xb1)
        lsems = (lsem0, lsem1)
        ssems = (sem0, sem1)

        def load(j, buf, sem):
            cp = pltpu.make_async_copy(
                x_hbm.at[pl.ds(w * TPW + j * XCH, XCH)], buf, sem)
            cp.start()
            return cp

        pend_load = [load(0, bufs[0], lsems[0]), None]
        pend_scat = [None, None]
        for j in range(NCH):
            p = j % 2
            q = (j + 1) % 2
            if j + 1 < NCH:
                if pend_scat[q] is not None:
                    pend_scat[q].wait()
                pend_load[q] = load(j + 1, bufs[q], lsems[q])
            pend_load[p].wait()
            cp = pltpu.make_async_copy(bufs[p], xs_hbm.at[ts_v.at[j]],
                                       ssems[p])
            cp.start()
            pend_scat[p] = cp
        pend_scat[0].wait()
        pend_scat[1].wait()

    return k(o, counts, lpos, x)


def _tc_mlp(be, nbv, xs, W1, b1r, W2, b2r, Wm, bmr, Ws, bsr,
            NBMAX, D, H, A):

    def body(be_ref, nb_ref, xs_ref, W1_ref, b1_ref, W2_ref, b2_ref,
             Wm_ref, bm_ref, Ws_ref, bs_ref, out_ref):
        i = pl.program_id(0)

        @pl.when(i < nb_ref[0])
        def _():
            hi = lax.Precision.DEFAULT
            xb = xs_ref[...]
            h1 = jnp.maximum(
                jnp.dot(xb, W1_ref[0], precision=hi,
                        preferred_element_type=jnp.float32) + b1_ref[0, 0], 0.0)
            h2 = jnp.maximum(
                jnp.dot(h1, W2_ref[0], precision=hi,
                        preferred_element_type=jnp.float32) + b2_ref[0, 0], 0.0)
            mean = jnp.dot(h2, Wm_ref[0], precision=hi,
                           preferred_element_type=jnp.float32) + bm_ref[0, 0]
            ls = jnp.dot(h2, Ws_ref[0], precision=hi,
                         preferred_element_type=jnp.float32) + bs_ref[0, 0]
            ls = LS_MIN + 0.5 * (LS_MAX - LS_MIN) * (jnp.tanh(ls) + 1.0)
            out_ref[...] = jnp.concatenate([mean, ls], axis=1)

    def xmap(i, be_r, nb_r):
        return (jnp.where(i < nb_r[0], i, nb_r[0] - 1), 0)

    def emap(i, be_r, nb_r):
        return (be_r[i], 0, 0)

    grid_spec = pltpu.PrefetchScalarGridSpec(
        num_scalar_prefetch=2,
        grid=(NBMAX,),
        in_specs=[
            pl.BlockSpec((BLK, D), xmap),
            pl.BlockSpec((1, D, H), emap),
            pl.BlockSpec((1, 1, H), emap),
            pl.BlockSpec((1, H, H), emap),
            pl.BlockSpec((1, 1, H), emap),
            pl.BlockSpec((1, H, A), emap),
            pl.BlockSpec((1, 1, A), emap),
            pl.BlockSpec((1, H, A), emap),
            pl.BlockSpec((1, 1, A), emap),
        ],
        out_specs=pl.BlockSpec((BLK, 2 * A), lambda i, be_r, nb_r: (i, 0)),
    )
    return pl.pallas_call(
        body,
        grid_spec=grid_spec,
        out_shape=jax.ShapeDtypeStruct((NBMAX * BLK, 2 * A), jnp.float32),
    )(be, nbv, xs, W1, b1r, W2, b2r, Wm, bmr, Ws, bsr)


def _sc_unsort(tts, comb, B, W2A):
    TPW = B // NW
    NCH = TPW // XCH

    @functools.partial(
        pl.kernel, mesh=_mesh(),
        compiler_params=pltpu.CompilerParams(needs_layout_passes=False),
        out_type=jax.ShapeDtypeStruct((B, W2A), jnp.float32),
        scratch_types=[
            pltpu.VMEM((NCH, XCH), jnp.int32),
            pltpu.VMEM((XCH, W2A), jnp.float32),
            pltpu.VMEM((XCH, W2A), jnp.float32),
            pltpu.SemaphoreType.DMA,
            pltpu.SemaphoreType.DMA,
        ],
    )
    def k(tts_hbm, comb_hbm, out_hbm, ts_v, g0, g1, sem0, sem1):
        w = _wid()
        pltpu.sync_copy(tts_hbm.at[w], ts_v)
        bufs = (g0, g1)
        sems = (sem0, sem1)
        pending = [None, None]
        pending[0] = pltpu.make_async_copy(comb_hbm.at[ts_v.at[0]],
                                           bufs[0], sems[0])
        pending[0].start()
        for j in range(NCH):
            if j + 1 < NCH:
                nxt = pltpu.make_async_copy(comb_hbm.at[ts_v.at[j + 1]],
                                            bufs[(j + 1) % 2], sems[(j + 1) % 2])
                nxt.start()
                pending[(j + 1) % 2] = nxt
            pending[j % 2].wait()
            pltpu.sync_copy(bufs[j % 2],
                            out_hbm.at[pl.ds(w * TPW + j * XCH, XCH)])

    return k(tts, comb)


def kernel(x, o, W1, b1, W2, b2, Wm, bm, Ws, bs):
    B, D = x.shape
    E, _, H = W1.shape
    A = Wm.shape[2]
    NBMAX = (-(-B // BLK) + E + L - 1) // L * L

    o32 = o.astype(jnp.int32)
    counts, lpos = _sc_count(o32, B, E)
    xs, tts, be, nbv = _sc_dispatch(o32, counts, lpos, x, B, D, E, NBMAX)
    comb = _tc_mlp(be, nbv, xs, W1, b1[:, None, :], W2, b2[:, None, :],
                   Wm, bm[:, None, :], Ws, bs[:, None, :], NBMAX, D, H, A)
    out = _sc_unsort(tts, comb, B, 2 * A)
    return out[:, :A], out[:, A:]

# --- scband reference (transcript-rebuilt; emitter-appended) ---
"""Pipeline reference for scband-actor-5188320494285 (READ-ONLY COPY).

The authoritative reference and input builder live on the scoring server;
editing this copy changes nothing except your own understanding.
"""

import jax, jax.numpy as jnp
import numpy as np

LOG_STD_MAX = 2.0
LOG_STD_MIN = -5.0

B, D, H, A, E = 8192, 1024, 256, 64, 16

def setup_inputs(seed: int = 0) -> dict:
    key = jax.random.key(seed)
    ks = jax.random.split(key, 12)
    x = jax.random.normal(ks[0], (B, D), dtype=jnp.float32)
    o = jax.random.randint(ks[1], (B,), 0, E, dtype=jnp.int64 if jax.config.jax_enable_x64 else jnp.int32)
    W1 = jax.random.normal(ks[2], (E, D, H), dtype=jnp.float32) * (1.0 / np.sqrt(D))
    b1 = jnp.zeros((E, H), dtype=jnp.float32)
    W2 = jax.random.normal(ks[3], (E, H, H), dtype=jnp.float32) * (1.0 / np.sqrt(H))
    b2 = jnp.zeros((E, H), dtype=jnp.float32)
    Wm = jax.random.normal(ks[4], (E, H, A), dtype=jnp.float32) * (1.0 / np.sqrt(H))
    bm = jnp.zeros((E, A), dtype=jnp.float32)
    Ws = jax.random.normal(ks[5], (E, H, A), dtype=jnp.float32) * (1.0 / np.sqrt(H))
    bs = jnp.zeros((E, A), dtype=jnp.float32)
    return {"x": x, "o": o, "W1": W1, "b1": b1, "W2": W2, "b2": b2,
            "Wm": Wm, "bm": bm, "Ws": Ws, "bs": bs}

def reference(x, o, W1, b1, W2, b2, Wm, bm, Ws, bs):
    # Per-option (expert) MLP routing: each row of x is processed by expert o[i].
    # Dense formulation: compute all experts, then gather by option id.
    h1 = jax.nn.relu(jnp.einsum('bd,edh->ebh', x, W1) + b1[:, None, :])
    h2 = jax.nn.relu(jnp.einsum('ebh,ehk->ebk', h1, W2) + b2[:, None, :])
    mean_all = jnp.einsum('ebh,eha->eba', h2, Wm) + bm[:, None, :]
    logstd_all = jnp.einsum('ebh,eha->eba', h2, Ws) + bs[:, None, :]
    rows = jnp.arange(x.shape[0])
    mean_y = mean_all[o, rows]          # gather: [B, A]
    log_std_y = logstd_all[o, rows]     # gather: [B, A]
    log_std_y = jnp.tanh(log_std_y)
    log_std_y = LOG_STD_MIN + 0.5 * (LOG_STD_MAX - LOG_STD_MIN) * (log_std_y + 1.0)
    return (mean_y, log_std_y)

if __name__ == "__main__":
    import jax
    _d = setup_inputs()
    print(jax.jit(kernel)(*tuple(_d.values())))

</pallas_src>

<mosaic_0001>
#map = affine_map<(d0, d1) -> (0)>
#map1 = affine_map<(d0, d1) -> (0, 0)>
#map2 = affine_map<(d0, d1) -> (0, 0, 0)>
module attributes {stable_mosaic.version = 14 : i64} {
  func.func @k(%arg0: i32, %arg1: i32, %arg2: memref<8192xi32, #tpu.memory_space<hbm>>, %arg3: memref<32x16xi32, #tpu.memory_space<hbm>>, %arg4: memref<32x256xi32, #tpu.memory_space<hbm>>, %arg5: memref<8192x1024xf32, #tpu.memory_space<hbm>>, %arg6: memref<16384x1024xf32, #tpu.memory_space<hbm>>, %arg7: memref<32x8x32xi32, #tpu.memory_space<hbm>>, %arg8: memref<32xi32, #tpu.memory_space<hbm>>, %arg9: memref<16xi32, #tpu.memory_space<hbm>>, %arg10: memref<32x16xi32, #tpu.memory_space<vmem>>, %arg11: memref<8x32xi32, #tpu.memory_space<vmem>>, %arg12: memref<32xi32, #tpu.memory_space<vmem>>, %arg13: memref<16xi32, #tpu.memory_space<vmem>>, %arg14: memref<32x1024xf32, #tpu.memory_space<vmem>>, %arg15: memref<32x1024xf32, #tpu.memory_space<vmem>>, %arg16: memref<256xi32, #tpu.memory_space<vmem>>, %arg17: memref<256xi32, #tpu.memory_space<vmem>>, %arg18: memref<16xi32, #tpu.memory_space<vmem>>, %arg19: memref<!tpu.dma_semaphore, #tpu.memory_space<semaphore_mem>>, %arg20: memref<!tpu.dma_semaphore, #tpu.memory_space<semaphore_mem>>, %arg21: memref<!tpu.dma_semaphore, #tpu.memory_space<semaphore_mem>>, %arg22: memref<!tpu.dma_semaphore, #tpu.memory_space<semaphore_mem>>) attributes {dimension_semantics = [#tpu.dimension_semantics<core_parallel>, #tpu.dimension_semantics<subcore_parallel>], iteration_bounds = array<i64: 2, 16>, scalar_prefetch = 0 : i64, scratch_operands = 13 : i64, tpu.core_type = #tpu.core_type<sc_vector_subcore>, window_params = [{transform_indices = #map}, {transform_indices = #map1}, {transform_indices = #map1}, {transform_indices = #map1}, {transform_indices = #map1}, {transform_indices = #map2}, {transform_indices = #map}, {transform_indices = #map}]} {
    %mul3A = arith.constant 2 : i32
    %mul3A_0 = arith.muli %arg1, %mul3A : i32
    %add3A = arith.addi %mul3A_0, %arg0 : i32
    "tpu.region"() ({
      %run_scoped3A = tpu.sem_alloc : memref<!tpu.dma_semaphore, #tpu.memory_space<semaphore_mem>>
      tpu.enqueue_dma source(%arg3 : memref<32x16xi32, #tpu.memory_space<hbm>>) target(%arg10 : memref<32x16xi32, #tpu.memory_space<vmem>>) target_semaphore(%run_scoped3A : memref<!tpu.dma_semaphore, #tpu.memory_space<semaphore_mem>>)
      tpu.wait_dma2 semaphore(%run_scoped3A : memref<!tpu.dma_semaphore, #tpu.memory_space<semaphore_mem>>) src(%arg3 : memref<32x16xi32, #tpu.memory_space<hbm>>) dst(%arg10 : memref<32x16xi32, #tpu.memory_space<vmem>>)
      tpu.yield
    }) : () -> ()
    %mul3A_1 = arith.constant 256 : i32
    %mul3A_2 = arith.muli %add3A, %mul3A_1 : i32
    "tpu.region"() ({
      %run_scoped3A = tpu.sem_alloc : memref<!tpu.dma_semaphore, #tpu.memory_space<semaphore_mem>>
      %dma_start3A_421 = tpu.memref_slice %arg2[%mul3A_2] : memref<8192xi32, #tpu.memory_space<hbm>> -> memref<256xi32, #tpu.memory_space<hbm>>
      %dma_start3A_422 = tpu.memref_slice %arg2[%mul3A_2] : memref<8192xi32, #tpu.memory_space<hbm>> -> memref<256xi32, #tpu.memory_space<hbm>>
      tpu.enqueue_dma source(%dma_start3A_422 : memref<256xi32, #tpu.memory_space<hbm>>) target(%arg16 : memref<256xi32, #tpu.memory_space<vmem>>) target_semaphore(%run_scoped3A : memref<!tpu.dma_semaphore, #tpu.memory_space<semaphore_mem>>)
      %dma_wait3A_423 = tpu.memref_slice %arg2[%mul3A_2] : memref<8192xi32, #tpu.memory_space<hbm>> -> memref<256xi32, #tpu.memory_space<hbm>>
      %dma_wait3A_424 = tpu.memref_slice %arg2[%mul3A_2] : memref<8192xi32, #tpu.memory_space<hbm>> -> memref<256xi32, #tpu.memory_space<hbm>>
      tpu.wait_dma2 semaphore(%run_scoped3A : memref<!tpu.dma_semaphore, #tpu.memory_space<semaphore_mem>>) src(%dma_wait3A_424 : memref<256xi32, #tpu.memory_space<hbm>>) dst(%arg16 : memref<256xi32, #tpu.memory_space<vmem>>)
      tpu.yield
    }) : () -> ()
    "tpu.region"() ({
      %run_scoped3A = tpu.sem_alloc : memref<!tpu.dma_semaphore, #tpu.memory_space<semaphore_mem>>
      %dma_start3A_421 = arith.constant 0 : i32
      %dma_start3A_422 = tpu.memref_slice %arg4[%add3A, %dma_start3A_421] : memref<32x256xi32, #tpu.memory_space<hbm>> -> memref<1x256xi32, #tpu.memory_space<hbm>>
      %dma_start3A_423 = tpu.memref_squeeze %dma_start3A_422 : memref<1x256xi32, #tpu.memory_space<hbm>> -> memref<256xi32, #tpu.memory_space<hbm>>
      %dma_start3A_424 = arith.constant 0 : i32
      %dma_start3A_425 = tpu.memref_slice %arg4[%add3A, %dma_start3A_424] : memref<32x256xi32, #tpu.memory_space<hbm>> -> memref<1x256xi32, #tpu.memory_space<hbm>>
      %dma_start3A_426 = tpu.memref_squeeze %dma_start3A_425 : memref<1x256xi32, #tpu.memory_space<hbm>> -> memref<256xi32, #tpu.memory_space<hbm>>
      tpu.enqueue_dma source(%dma_start3A_426 : memref<256xi32, #tpu.memory_space<hbm>>) target(%arg17 : memref<256xi32, #tpu.memory_space<vmem>>) target_semaphore(%run_scoped3A : memref<!tpu.dma_semaphore, #tpu.memory_space<semaphore_mem>>)
      %dma_wait3A_427 = arith.constant 0 : i32
      %dma_wait3A_428 = tpu.memref_slice %arg4[%add3A, %dma_wait3A_427] : memref<32x256xi32, #tpu.memory_space<hbm>> -> memref<1x256xi32, #tpu.memory_space<hbm>>
      %dma_wait3A_429 = tpu.memref_squeeze %dma_wait3A_428 : memref<1x256xi32, #tpu.memory_space<hbm>> -> memref<256xi32, #tpu.memory_space<hbm>>
      %dma_wait3A_430 = arith.constant 0 : i32
      %dma_wait3A_431 = tpu.memref_slice %arg4[%add3A, %dma_wait3A_430] : memref<32x256xi32, #tpu.memory_space<hbm>> -> memref<1x256xi32, #tpu.memory_space<hbm>>
      %dma_wait3A_432 = tpu.memref_squeeze %dma_wait3A_431 : memref<1x256xi32, #tpu.memory_space<hbm>> -> memref<256xi32, #tpu.memory_space<hbm>>
      tpu.wait_dma2 semaphore(%run_scoped3A : memref<!tpu.dma_semaphore, #tpu.memory_space<semaphore_mem>>) src(%dma_wait3A_432 : memref<256xi32, #tpu.memory_space<hbm>>) dst(%arg17 : memref<256xi32, #tpu.memory_space<vmem>>)
      tpu.yield
    }) : () -> ()
    %broadcast_in_dim3A = arith.constant 0 : i32
    %broadcast_in_dim3A_3 = vector.broadcast %broadcast_in_dim3A : i32 to vector<16xi32>
    %scan3A = arith.constant 0 : i32
    %scan3A_4 = arith.constant 32 : i32
    %scan3A_5 = arith.addi %scan3A, %scan3A_4 : i32
    %scan3A_6 = arith.constant 1 : i32
    %scan3A_7 = scf.for %scan3A_421 = %scan3A to %scan3A_5 step %scan3A_6 iter_args(%scan3A_422 = %broadcast_in_dim3A_3) -> (vector<16xi32>)  : i32 {
      %get3A_423 = arith.index_cast %scan3A_421 : i32 to index
      %get3A_424 = arith.constant 0 : index
      %get3A_425 = tpu.vector_load %arg10[%get3A_423, %get3A_424] {strides = array<i32>} : memref<32x16xi32, #tpu.memory_space<vmem>>, vector<16xi32>,
      %add3A_426 = arith.addi %scan3A_422, %get3A_425 : vector<16xi32>
      scf.yield %add3A_426 : vector<16xi32>
    }
    %scan3A_8 = arith.constant 32 : i32
    %add3A_9 = arith.constant 511 : i32
    %add3A_10 = vector.broadcast %add3A_9 : i32 to vector<16xi32>
    %add3A_11 = arith.addi %scan3A_7, %add3A_10 : vector<16xi32>
    %jit3A = arith.constant 512 : i32
    %div3A = vector.broadcast %jit3A : i32 to vector<16xi32>
    %div3A_12 = arith.divsi %add3A_11, %div3A : vector<16xi32>
    %sign3A = arith.constant 0 : i32
    %sign3A_13 = vector.broadcast %sign3A : i32 to vector<16xi32>
    %sign3A_14 = arith.cmpi sgt, %add3A_11, %sign3A_13 : vector<16xi32>
    %sign3A_15 = arith.extui %sign3A_14 : vector<16xi1> to vector<16xi32>
    %sign3A_16 = arith.constant 0 : i32
    %sign3A_17 = vector.broadcast %sign3A_16 : i32 to vector<16xi32>
    %sign3A_18 = arith.cmpi slt, %add3A_11, %sign3A_17 : vector<16xi32>
    %sign3A_19 = arith.extui %sign3A_18 : vector<16xi1> to vector<16xi32>
    %sign3A_20 = arith.subi %sign3A_15, %sign3A_19 : vector<16xi32>
    %sign3A_21 = arith.constant 0 : i32
    %sign3A_22 = arith.cmpi sgt, %jit3A, %sign3A_21 : i32
    %sign3A_23 = arith.extui %sign3A_22 : i1 to i32
    %sign3A_24 = arith.constant 0 : i32
    %sign3A_25 = arith.cmpi slt, %jit3A, %sign3A_24 : i32
    %sign3A_26 = arith.extui %sign3A_25 : i1 to i32
    %sign3A_27 = arith.subi %sign3A_23, %sign3A_26 : i32
    %ne3A = vector.broadcast %sign3A_27 : i32 to vector<16xi32>
    %ne3A_28 = arith.cmpi ne, %sign3A_20, %ne3A : vector<16xi32>
    %rem3A = vector.broadcast %jit3A : i32 to vector<16xi32>
    %rem3A_29 = arith.remsi %add3A_11, %rem3A : vector<16xi32>
    %ne3A_30 = arith.constant 0 : i32
    %ne3A_31 = vector.broadcast %ne3A_30 : i32 to vector<16xi32>
    %ne3A_32 = arith.cmpi ne, %rem3A_29, %ne3A_31 : vector<16xi32>
    %and3A = arith.andi %ne3A_28, %ne3A_32 : vector<16xi1>
    %sub3A = arith.constant 1 : i32
    %sub3A_33 = vector.broadcast %sub3A : i32 to vector<16xi32>
    %sub3A_34 = arith.subi %div3A_12, %sub3A_33 : vector<16xi32>
    %select_n3A = arith.select %and3A, %sub3A_34, %div3A_12 : vector<16xi1>, vector<16xi32>
    %mul3A_35 = arith.constant 512 : i32
    %mul3A_36 = vector.broadcast %mul3A_35 : i32 to vector<16xi32>
    %mul3A_37 = arith.muli %select_n3A, %mul3A_36 : vector<16xi32>
    %broadcast_in_dim3A_38 = arith.constant true
    %broadcast_in_dim3A_39 = vector.broadcast %broadcast_in_dim3A_38 : i1 to vector<16xi1>
    %masked_cumsum3A = tpu.scan <sum>, %mul3A_37 masked %broadcast_in_dim3A_39 : vector<16xi32>, vector<16xi1> -> vector<16xi32>
    %sub3A_40 = arith.subi %masked_cumsum3A, %mul3A_37 : vector<16xi32>
    %broadcast_in_dim3A_41 = arith.constant 0 : i32
    %broadcast_in_dim3A_42 = vector.broadcast %broadcast_in_dim3A_41 : i32 to vector<16xi32>
    %while3A = arith.constant 0 : i32
    %while3A_43 = arith.subi %add3A, %while3A : i32
    %while3A_44 = arith.addi %while3A, %while3A_43 : i32
    %while3A_45 = arith.constant 1 : i32
    %while3A_46 = arith.divsi %while3A_43, %while3A_45 : i32
    %while3A_47 = arith.muli %while3A_46, %while3A_45 : i32
    %while3A_48 = arith.addi %while3A, %while3A_47 : i32
    %while3A_49 = arith.constant 1 : i32
    %while3A_50 = scf.for %while3A_421 = %while3A to %while3A_48 step %while3A_49 iter_args(%while3A_422 = %broadcast_in_dim3A_42) -> (vector<16xi32>)  : i32 {
      %get3A_423 = arith.index_cast %while3A_421 : i32 to index
      %get3A_424 = arith.constant 0 : index
      %get3A_425 = tpu.vector_load %arg10[%get3A_423, %get3A_424] {strides = array<i32>} : memref<32x16xi32, #tpu.memory_space<vmem>>, vector<16xi32>,
      %add3A_426 = arith.addi %while3A_422, %get3A_425 : vector<16xi32>
      scf.yield %add3A_426 : vector<16xi32>
    }
    %while3A_51 = arith.constant 1 : i32
    %while3A_52 = scf.for %while3A_421 = %while3A_48 to %while3A_44 step %while3A_51 iter_args(%while3A_422 = %while3A_50) -> (vector<16xi32>)  : i32 {
      %get3A_423 = arith.index_cast %while3A_421 : i32 to index
      %get3A_424 = arith.constant 0 : index
      %get3A_425 = tpu.vector_load %arg10[%get3A_423, %get3A_424] {strides = array<i32>} : memref<32x16xi32, #tpu.memory_space<vmem>>, vector<16xi32>,
      %add3A_426 = arith.addi %while3A_422, %get3A_425 : vector<16xi32>
      scf.yield %add3A_426 : vector<16xi32>
    }
    %add3A_53 = arith.addi %sub3A_40, %while3A_52 : vector<16xi32>
    %swap3A = arith.constant 0 : index
    %swap3A_54 = tpu.vector_load %arg18[%swap3A] {strides = array<i32>} : memref<16xi32, #tpu.memory_space<vmem>>, vector<16xi32>,
    tpu.vector_store %arg18[%swap3A], %add3A_53 {strides = array<i32>} : memref<16xi32, #tpu.memory_space<vmem>>, vector<16xi32>,
    %get3A = arith.constant 0 : index
    %get3A_55 = tpu.vector_load %arg16[%get3A] {strides = array<i32>} : memref<256xi32, #tpu.memory_space<vmem>>, vector<16xi32>,
    %get3A_56 = arith.constant 0 : index
    %get3A_57 = tpu.vector_load %arg17[%get3A_56] {strides = array<i32>} : memref<256xi32, #tpu.memory_space<vmem>>, vector<16xi32>,
    %gather3A = tpu.vector_load_idx %arg18[%get3A_55] : memref<16xi32, #tpu.memory_space<vmem>>[vector<16xi32>], vector<16xi32>,
    %add3A_58 = arith.addi %gather3A, %get3A_57 : vector<16xi32>
    %swap3A_59 = arith.constant 0 : i32
    %swap3A_60 = arith.index_cast %swap3A_59 : i32 to index
    %swap3A_61 = arith.constant 0 : index
    %swap3A_62 = tpu.vector_load %arg11[%swap3A_60, %swap3A_61] {strides = array<i32>} : memref<8x32xi32, #tpu.memory_space<vmem>>, vector<16xi32>,
    tpu.vector_store %arg11[%swap3A_60, %swap3A_61], %add3A_58 {strides = array<i32>} : memref<8x32xi32, #tpu.memory_space<vmem>>, vector<16xi32>,
    %get3A_63 = arith.constant 16 : index
    %get3A_64 = tpu.vector_load %arg16[%get3A_63] {strides = array<i32>} : memref<256xi32, #tpu.memory_space<vmem>>, vector<16xi32>,
    %get3A_65 = arith.constant 16 : index
    %get3A_66 = tpu.vector_load %arg17[%get3A_65] {strides = array<i32>} : memref<256xi32, #tpu.memory_space<vmem>>, vector<16xi32>,
    %gather3A_67 = tpu.vector_load_idx %arg18[%get3A_64] : memref<16xi32, #tpu.memory_space<vmem>>[vector<16xi32>], vector<16xi32>,
    %add3A_68 = arith.addi %gather3A_67, %get3A_66 : vector<16xi32>
    %swap3A_69 = arith.constant 0 : i32
    %swap3A_70 = arith.index_cast %swap3A_69 : i32 to index
    %swap3A_71 = arith.constant 16 : index
    %swap3A_72 = tpu.vector_load %arg11[%swap3A_70, %swap3A_71] {strides = array<i32>} : memref<8x32xi32, #tpu.memory_space<vmem>>, vector<16xi32>,
    tpu.vector_store %arg11[%swap3A_70, %swap3A_71], %add3A_68 {strides = array<i32>} : memref<8x32xi32, #tpu.memory_space<vmem>>, vector<16xi32>,
    %get3A_73 = arith.constant 32 : index
    %get3A_74 = tpu.vector_load %arg16[%get3A_73] {strides = array<i32>} : memref<256xi32, #tpu.memory_space<vmem>>, vector<16xi32>,
    %get3A_75 = arith.constant 32 : index
    %get3A_76 = tpu.vector_load %arg17[%get3A_75] {strides = array<i32>} : memref<256xi32, #tpu.memory_space<vmem>>, vector<16xi32>,
    %gather3A_77 = tpu.vector_load_idx %arg18[%get3A_74] : memref<16xi32, #tpu.memory_space<vmem>>[vector<16xi32>], vector<16xi32>,
    %add3A_78 = arith.addi %gather3A_77, %get3A_76 : vector<16xi32>
    %swap3A_79 = arith.constant 1 : i32
    %swap3A_80 = arith.index_cast %swap3A_79 : i32 to index
    %swap3A_81 = arith.constant 0 : index
    %swap3A_82 = tpu.vector_load %arg11[%swap3A_80, %swap3A_81] {strides = array<i32>} : memref<8x32xi32, #tpu.memory_space<vmem>>, vector<16xi32>,
    tpu.vector_store %arg11[%swap3A_80, %swap3A_81], %add3A_78 {strides = array<i32>} : memref<8x32xi32, #tpu.memory_space<vmem>>, vector<16xi32>,
    %get3A_83 = arith.constant 48 : index
    %get3A_84 = tpu.vector_load %arg16[%get3A_83] {strides = array<i32>} : memref<256xi32, #tpu.memory_space<vmem>>, vector<16xi32>,
    %get3A_85 = arith.constant 48 : index
    %get3A_86 = tpu.vector_load %arg17[%get3A_85] {strides = array<i32>} : memref<256xi32, #tpu.memory_space<vmem>>, vector<16xi32>,
    %gather3A_87 = tpu.vector_load_idx %arg18[%get3A_84] : memref<16xi32, #tpu.memory_space<vmem>>[vector<16xi32>], vector<16xi32>,
    %add3A_88 = arith.addi %gather3A_87, %get3A_86 : vector<16xi32>
    %swap3A_89 = arith.constant 1 : i32
    %swap3A_90 = arith.index_cast %swap3A_89 : i32 to index
    %swap3A_91 = arith.constant 16 : index
    %swap3A_92 = tpu.vector_load %arg11[%swap3A_90, %swap3A_91] {strides = array<i32>} : memref<8x32xi32, #tpu.memory_space<vmem>>, vector<16xi32>,
    tpu.vector_store %arg11[%swap3A_90, %swap3A_91], %add3A_88 {strides = array<i32>} : memref<8x32xi32, #tpu.memory_space<vmem>>, vector<16xi32>,
    %get3A_93 = arith.constant 64 : index
    %get3A_94 = tpu.vector_load %arg16[%get3A_93] {strides = array<i32>} : memref<256xi32, #tpu.memory_space<vmem>>, vector<16xi32>,
    %get3A_95 = arith.constant 64 : index
    %get3A_96 = tpu.vector_load %arg17[%get3A_95] {strides = array<i32>} : memref<256xi32, #tpu.memory_space<vmem>>, vector<16xi32>,
    %gather3A_97 = tpu.vector_load_idx %arg18[%get3A_94] : memref<16xi32, #tpu.memory_space<vmem>>[vector<16xi32>], vector<16xi32>,
    %add3A_98 = arith.addi %gather3A_97, %get3A_96 : vector<16xi32>
    %swap3A_99 = arith.constant 2 : i32
    %swap3A_100 = arith.index_cast %swap3A_99 : i32 to index
    %swap3A_101 = arith.constant 0 : index
    %swap3A_102 = tpu.vector_load %arg11[%swap3A_100, %swap3A_101] {strides = array<i32>} : memref<8x32xi32, #tpu.memory_space<vmem>>, vector<16xi32>,
    tpu.vector_store %arg11[%swap3A_100, %swap3A_101], %add3A_98 {strides = array<i32>} : memref<8x32xi32, #tpu.memory_space<vmem>>, vector<16xi32>,
    %get3A_103 = arith.constant 80 : index
    %get3A_104 = tpu.vector_load %arg16[%get3A_103] {strides = array<i32>} : memref<256xi32, #tpu.memory_space<vmem>>, vector<16xi32>,
    %get3A_105 = arith.constant 80 : index
    %get3A_106 = tpu.vector_load %arg17[%get3A_105] {strides = array<i32>} : memref<256xi32, #tpu.memory_space<vmem>>, vector<16xi32>,
    %gather3A_107 = tpu.vector_load_idx %arg18[%get3A_104] : memref<16xi32, #tpu.memory_space<vmem>>[vector<16xi32>], vector<16xi32>,
    %add3A_108 = arith.addi %gather3A_107, %get3A_106 : vector<16xi32>
    %swap3A_109 = arith.constant 2 : i32
    %swap3A_110 = arith.index_cast %swap3A_109 : i32 to index
    %swap3A_111 = arith.constant 16 : index
    %swap3A_112 = tpu.vector_load %arg11[%swap3A_110, %swap3A_111] {strides = array<i32>} : memref<8x32xi32, #tpu.memory_space<vmem>>, vector<16xi32>,
    tpu.vector_store %arg11[%swap3A_110, %swap3A_111], %add3A_108 {strides = array<i32>} : memref<8x32xi32, #tpu.memory_space<vmem>>, vector<16xi32>,
    %get3A_113 = arith.constant 96 : index
    %get3A_114 = tpu.vector_load %arg16[%get3A_113] {strides = array<i32>} : memref<256xi32, #tpu.memory_space<vmem>>, vector<16xi32>,
    %get3A_115 = arith.constant 96 : index
    %get3A_116 = tpu.vector_load %arg17[%get3A_115] {strides = array<i32>} : memref<256xi32, #tpu.memory_space<vmem>>, vector<16xi32>,
    %gather3A_117 = tpu.vector_load_idx %arg18[%get3A_114] : memref<16xi32, #tpu.memory_space<vmem>>[vector<16xi32>], vector<16xi32>,
    %add3A_118 = arith.addi %gather3A_117, %get3A_116 : vector<16xi32>
    %swap3A_119 = arith.constant 3 : i32
    %swap3A_120 = arith.index_cast %swap3A_119 : i32 to index
    %swap3A_121 = arith.constant 0 : index
    %swap3A_122 = tpu.vector_load %arg11[%swap3A_120, %swap3A_121] {strides = array<i32>} : memref<8x32xi32, #tpu.memory_space<vmem>>, vector<16xi32>,
    tpu.vector_store %arg11[%swap3A_120, %swap3A_121], %add3A_118 {strides = array<i32>} : memref<8x32xi32, #tpu.memory_space<vmem>>, vector<16xi32>,
    %get3A_123 = arith.constant 112 : index
    %get3A_124 = tpu.vector_load %arg16[%get3A_123] {strides = array<i32>} : memref<256xi32, #tpu.memory_space<vmem>>, vector<16xi32>,
    %get3A_125 = arith.constant 112 : index
    %get3A_126 = tpu.vector_load %arg17[%get3A_125] {strides = array<i32>} : memref<256xi32, #tpu.memory_space<vmem>>, vector<16xi32>,
    %gather3A_127 = tpu.vector_load_idx %arg18[%get3A_124] : memref<16xi32, #tpu.memory_space<vmem>>[vector<16xi32>], vector<16xi32>,
    %add3A_128 = arith.addi %gather3A_127, %get3A_126 : vector<16xi32>
    %swap3A_129 = arith.constant 3 : i32
    %swap3A_130 = arith.index_cast %swap3A_129 : i32 to index
    %swap3A_131 = arith.constant 16 : index
    %swap3A_132 = tpu.vector_load %arg11[%swap3A_130, %swap3A_131] {strides = array<i32>} : memref<8x32xi32, #tpu.memory_space<vmem>>, vector<16xi32>,
    tpu.vector_store %arg11[%swap3A_130, %swap3A_131], %add3A_128 {strides = array<i32>} : memref<8x32xi32, #tpu.memory_space<vmem>>, vector<16xi32>,
    %get3A_133 = arith.constant 128 : index
    %get3A_134 = tpu.vector_load %arg16[%get3A_133] {strides = array<i32>} : memref<256xi32, #tpu.memory_space<vmem>>, vector<16xi32>,
    %get3A_135 = arith.constant 128 : index
    %get3A_136 = tpu.vector_load %arg17[%get3A_135] {strides = array<i32>} : memref<256xi32, #tpu.memory_space<vmem>>, vector<16xi32>,
    %gather3A_137 = tpu.vector_load_idx %arg18[%get3A_134] : memref<16xi32, #tpu.memory_space<vmem>>[vector<16xi32>], vector<16xi32>,
    %add3A_138 = arith.addi %gather3A_137, %get3A_136 : vector<16xi32>
    %swap3A_139 = arith.constant 4 : i32
    %swap3A_140 = arith.index_cast %swap3A_139 : i32 to index
    %swap3A_141 = arith.constant 0 : index
    %swap3A_142 = tpu.vector_load %arg11[%swap3A_140, %swap3A_141] {strides = array<i32>} : memref<8x32xi32, #tpu.memory_space<vmem>>, vector<16xi32>,
    tpu.vector_store %arg11[%swap3A_140, %swap3A_141], %add3A_138 {strides = array<i32>} : memref<8x32xi32, #tpu.memory_space<vmem>>, vector<16xi32>,
    %get3A_143 = arith.constant 144 : index
    %get3A_144 = tpu.vector_load %arg16[%get3A_143] {strides = array<i32>} : memref<256xi32, #tpu.memory_space<vmem>>, vector<16xi32>,
    %get3A_145 = arith.constant 144 : index
    %get3A_146 = tpu.vector_load %arg17[%get3A_145] {strides = array<i32>} : memref<256xi32, #tpu.memory_space<vmem>>, vector<16xi32>,
    %gather3A_147 = tpu.vector_load_idx %arg18[%get3A_144] : memref<16xi32, #tpu.memory_space<vmem>>[vector<16xi32>], vector<16xi32>,
    %add3A_148 = arith.addi %gather3A_147, %get3A_146 : vector<16xi32>
    %swap3A_149 = arith.constant 4 : i32
    %swap3A_150 = arith.index_cast %swap3A_149 : i32 to index
    %swap3A_151 = arith.constant 16 : index
    %swap3A_152 = tpu.vector_load %arg11[%swap3A_150, %swap3A_151] {strides = array<i32>} : memref<8x32xi32, #tpu.memory_space<vmem>>, vector<16xi32>,
    tpu.vector_store %arg11[%swap3A_150, %swap3A_151], %add3A_148 {strides = array<i32>} : memref<8x32xi32, #tpu.memory_space<vmem>>, vector<16xi32>,
    %get3A_153 = arith.constant 160 : index
    %get3A_154 = tpu.vector_load %arg16[%get3A_153] {strides = array<i32>} : memref<256xi32, #tpu.memory_space<vmem>>, vector<16xi32>,
    %get3A_155 = arith.constant 160 : index
    %get3A_156 = tpu.vector_load %arg17[%get3A_155] {strides = array<i32>} : memref<256xi32, #tpu.memory_space<vmem>>, vector<16xi32>,
    %gather3A_157 = tpu.vector_load_idx %arg18[%get3A_154] : memref<16xi32, #tpu.memory_space<vmem>>[vector<16xi32>], vector<16xi32>,
    %add3A_158 = arith.addi %gather3A_157, %get3A_156 : vector<16xi32>
    %swap3A_159 = arith.constant 5 : i32
    %swap3A_160 = arith.index_cast %swap3A_159 : i32 to index
    %swap3A_161 = arith.constant 0 : index
    %swap3A_162 = tpu.vector_load %arg11[%swap3A_160, %swap3A_161] {strides = array<i32>} : memref<8x32xi32, #tpu.memory_space<vmem>>, vector<16xi32>,
    tpu.vector_store %arg11[%swap3A_160, %swap3A_161], %add3A_158 {strides = array<i32>} : memref<8x32xi32, #tpu.memory_space<vmem>>, vector<16xi32>,
    %get3A_163 = arith.constant 176 : index
    %get3A_164 = tpu.vector_load %arg16[%get3A_163] {strides = array<i32>} : memref<256xi32, #tpu.memory_space<vmem>>, vector<16xi32>,
    %get3A_165 = arith.constant 176 : index
    %get3A_166 = tpu.vector_load %arg17[%get3A_165] {strides = array<i32>} : memref<256xi32, #tpu.memory_space<vmem>>, vector<16xi32>,
    %gather3A_167 = tpu.vector_load_idx %arg18[%get3A_164] : memref<16xi32, #tpu.memory_space<vmem>>[vector<16xi32>], vector<16xi32>,
    %add3A_168 = arith.addi %gather3A_167, %get3A_166 : vector<16xi32>
    %swap3A_169 = arith.constant 5 : i32
    %swap3A_170 = arith.index_cast %swap3A_169 : i32 to index
    %swap3A_171 = arith.constant 16 : index
    %swap3A_172 = tpu.vector_load %arg11[%swap3A_170, %swap3A_171] {strides = array<i32>} : memref<8x32xi32, #tpu.memory_space<vmem>>, vector<16xi32>,
    tpu.vector_store %arg11[%swap3A_170, %swap3A_171], %add3A_168 {strides = array<i32>} : memref<8x32xi32, #tpu.memory_space<vmem>>, vector<16xi32>,
    %get3A_173 = arith.constant 192 : index
    %get3A_174 = tpu.vector_load %arg16[%get3A_173] {strides = array<i32>} : memref<256xi32, #tpu.memory_space<vmem>>, vector<16xi32>,
    %get3A_175 = arith.constant 192 : index
    %get3A_176 = tpu.vector_load %arg17[%get3A_175] {strides = array<i32>} : memref<256xi32, #tpu.memory_space<vmem>>, vector<16xi32>,
    %gather3A_177 = tpu.vector_load_idx %arg18[%get3A_174] : memref<16xi32, #tpu.memory_space<vmem>>[vector<16xi32>], vector<16xi32>,
    %add3A_178 = arith.addi %gather3A_177, %get3A_176 : vector<16xi32>
    %swap3A_179 = arith.constant 6 : i32
    %swap3A_180 = arith.index_cast %swap3A_179 : i32 to index
    %swap3A_181 = arith.constant 0 : index
    %swap3A_182 = tpu.vector_load %arg11[%swap3A_180, %swap3A_181] {strides = array<i32>} : memref<8x32xi32, #tpu.memory_space<vmem>>, vector<16xi32>,
    tpu.vector_store %arg11[%swap3A_180, %swap3A_181], %add3A_178 {strides = array<i32>} : memref<8x32xi32, #tpu.memory_space<vmem>>, vector<16xi32>,
    %get3A_183 = arith.constant 208 : index
    %get3A_184 = tpu.vector_load %arg16[%get3A_183] {strides = array<i32>} : memref<256xi32, #tpu.memory_space<vmem>>, vector<16xi32>,
    %get3A_185 = arith.constant 208 : index
    %get3A_186 = tpu.vector_load %arg17[%get3A_185] {strides = array<i32>} : memref<256xi32, #tpu.memory_space<vmem>>, vector<16xi32>,
    %gather3A_187 = tpu.vector_load_idx %arg18[%get3A_184] : memref<16xi32, #tpu.memory_space<vmem>>[vector<16xi32>], vector<16xi32>,
    %add3A_188 = arith.addi %gather3A_187, %get3A_186 : vector<16xi32>
    %swap3A_189 = arith.constant 6 : i32
    %swap3A_190 = arith.index_cast %swap3A_189 : i32 to index
    %swap3A_191 = arith.constant 16 : index
    %swap3A_192 = tpu.vector_load %arg11[%swap3A_190, %swap3A_191] {strides = array<i32>} : memref<8x32xi32, #tpu.memory_space<vmem>>, vector<16xi32>,
    tpu.vector_store %arg11[%swap3A_190, %swap3A_191], %add3A_188 {strides = array<i32>} : memref<8x32xi32, #tpu.memory_space<vmem>>, vector<16xi32>,
    %get3A_193 = arith.constant 224 : index
    %get3A_194 = tpu.vector_load %arg16[%get3A_193] {strides = array<i32>} : memref<256xi32, #tpu.memory_space<vmem>>, vector<16xi32>,
    %get3A_195 = arith.constant 224 : index
    %get3A_196 = tpu.vector_load %arg17[%get3A_195] {strides = array<i32>} : memref<256xi32, #tpu.memory_space<vmem>>, vector<16xi32>,
    %gather3A_197 = tpu.vector_load_idx %arg18[%get3A_194] : memref<16xi32, #tpu.memory_space<vmem>>[vector<16xi32>], vector<16xi32>,
    %add3A_198 = arith.addi %gather3A_197, %get3A_196 : vector<16xi32>
    %swap3A_199 = arith.constant 7 : i32
    %swap3A_200 = arith.index_cast %swap3A_199 : i32 to index
    %swap3A_201 = arith.constant 0 : index
    %swap3A_202 = tpu.vector_load %arg11[%swap3A_200, %swap3A_201] {strides = array<i32>} : memref<8x32xi32, #tpu.memory_space<vmem>>, vector<16xi32>,
    tpu.vector_store %arg11[%swap3A_200, %swap3A_201], %add3A_198 {strides = array<i32>} : memref<8x32xi32, #tpu.memory_space<vmem>>, vector<16xi32>,
    %get3A_203 = arith.constant 240 : index
    %get3A_204 = tpu.vector_load %arg16[%get3A_203] {strides = array<i32>} : memref<256xi32, #tpu.memory_space<vmem>>, vector<16xi32>,
    %get3A_205 = arith.constant 240 : index
    %get3A_206 = tpu.vector_load %arg17[%get3A_205] {strides = array<i32>} : memref<256xi32, #tpu.memory_space<vmem>>, vector<16xi32>,
    %gather3A_207 = tpu.vector_load_idx %arg18[%get3A_204] : memref<16xi32, #tpu.memory_space<vmem>>[vector<16xi32>], vector<16xi32>,
    %add3A_208 = arith.addi %gather3A_207, %get3A_206 : vector<16xi32>
    %swap3A_209 = arith.constant 7 : i32
    %swap3A_210 = arith.index_cast %swap3A_209 : i32 to index
    %swap3A_211 = arith.constant 16 : index
    %swap3A_212 = tpu.vector_load %arg11[%swap3A_210, %swap3A_211] {strides = array<i32>} : memref<8x32xi32, #tpu.memory_space<vmem>>, vector<16xi32>,
    tpu.vector_store %arg11[%swap3A_210, %swap3A_211], %add3A_208 {strides = array<i32>} : memref<8x32xi32, #tpu.memory_space<vmem>>, vector<16xi32>,
    "tpu.region"() ({
      %run_scoped3A = tpu.sem_alloc : memref<!tpu.dma_semaphore, #tpu.memory_space<semaphore_mem>>
      %dma_start3A_421 = arith.constant 0 : i32
      %dma_start3A_422 = arith.constant 0 : i32
      %dma_start3A_423 = tpu.memref_slice %arg7[%add3A, %dma_start3A_421, %dma_start3A_422] : memref<32x8x32xi32, #tpu.memory_space<hbm>> -> memref<1x8x32xi32, #tpu.memory_space<hbm>>
      %dma_start3A_424 = tpu.memref_squeeze %dma_start3A_423 : memref<1x8x32xi32, #tpu.memory_space<hbm>> -> memref<8x32xi32, #tpu.memory_space<hbm>>
      %dma_start3A_425 = arith.constant 0 : i32
      %dma_start3A_426 = arith.constant 0 : i32
      %dma_start3A_427 = tpu.memref_slice %arg7[%add3A, %dma_start3A_425, %dma_start3A_426] : memref<32x8x32xi32, #tpu.memory_space<hbm>> -> memref<1x8x32xi32, #tpu.memory_space<hbm>>
      %dma_start3A_428 = tpu.memref_squeeze %dma_start3A_427 : memref<1x8x32xi32, #tpu.memory_space<hbm>> -> memref<8x32xi32, #tpu.memory_space<hbm>>
      tpu.enqueue_dma source(%arg11 : memref<8x32xi32, #tpu.memory_space<vmem>>) target(%dma_start3A_428 : memref<8x32xi32, #tpu.memory_space<hbm>>) target_semaphore(%run_scoped3A : memref<!tpu.dma_semaphore, #tpu.memory_space<semaphore_mem>>)
      %dma_wait3A_429 = arith.constant 0 : i32
      %dma_wait3A_430 = arith.constant 0 : i32
      %dma_wait3A_431 = tpu.memref_slice %arg7[%add3A, %dma_wait3A_429, %dma_wait3A_430] : memref<32x8x32xi32, #tpu.memory_space<hbm>> -> memref<1x8x32xi32, #tpu.memory_space<hbm>>
      %dma_wait3A_432 = tpu.memref_squeeze %dma_wait3A_431 : memref<1x8x32xi32, #tpu.memory_space<hbm>> -> memref<8x32xi32, #tpu.memory_space<hbm>>
      %dma_wait3A_433 = arith.constant 0 : i32
      %dma_wait3A_434 = arith.constant 0 : i32
      %dma_wait3A_435 = tpu.memref_slice %arg7[%add3A, %dma_wait3A_433, %dma_wait3A_434] : memref<32x8x32xi32, #tpu.memory_space<hbm>> -> memref<1x8x32xi32, #tpu.memory_space<hbm>>
      %dma_wait3A_436 = tpu.memref_squeeze %dma_wait3A_435 : memref<1x8x32xi32, #tpu.memory_space<hbm>> -> memref<8x32xi32, #tpu.memory_space<hbm>>
      tpu.wait_dma2 semaphore(%run_scoped3A : memref<!tpu.dma_semaphore, #tpu.memory_space<semaphore_mem>>) src(%arg11 : memref<8x32xi32, #tpu.memory_space<vmem>>) dst(%dma_wait3A_436 : memref<8x32xi32, #tpu.memory_space<hbm>>)
      tpu.yield
    }) : () -> ()
    %eq3A = arith.constant 0 : i32
    %eq3A_213 = arith.cmpi eq, %add3A, %eq3A : i32
    %convert_element_type3A = arith.extui %eq3A_213 : i1 to i32
    %cond3A = arith.constant 0 : i32
    %cond3A_214 = arith.cmpi ne, %convert_element_type3A, %cond3A : i32
    scf.if %cond3A_214 {
      %reduce_sum3A = arith.constant true
      %reduce_sum3A_421 = vector.broadcast %reduce_sum3A : i1 to vector<16xi1>
      %reduce_sum3A_422 = tpu.scan <sum>, %select_n3A masked %reduce_sum3A_421 : vector<16xi32>, vector<16xi1> -> vector<16xi32>
      %reduce_sum3A_423 = vector.extract %reduce_sum3A_422[15] : i32 from vector<16xi32>
      %iota3A = tpu.iota {dimensions = array<i32: 0>} : vector<16xi32>
      %add3A_424 = arith.constant 0 : i32
      %add3A_425 = vector.broadcast %add3A_424 : i32 to vector<16xi32>
      %add3A_426 = arith.addi %iota3A, %add3A_425 : vector<16xi32>
      %mul3A_427 = arith.constant 512 : i32
      %mul3A_428 = vector.broadcast %mul3A_427 : i32 to vector<16xi32>
      %mul3A_429 = arith.muli %add3A_426, %mul3A_428 : vector<16xi32>
      %broadcast_in_dim3A_430 = arith.constant 0 : i32
      %broadcast_in_dim3A_431 = vector.broadcast %broadcast_in_dim3A_430 : i32 to vector<16xi32>
      %slice3A = vector.extract_strided_slice %sub3A_40 {offsets = [0], sizes = [1], strides = [1]} : vector<16xi32> to vector<1xi32>
      %squeeze3A = vector.extract %slice3A[0] : i32 from vector<1xi32>
      %le3A = vector.broadcast %squeeze3A : i32 to vector<16xi32>
      %le3A_432 = arith.cmpi sle, %le3A, %mul3A_429 : vector<16xi32>
      %convert_element_type3A_433 = arith.extui %le3A_432 : vector<16xi1> to vector<16xi32>
      %add3A_434 = arith.addi %broadcast_in_dim3A_431, %convert_element_type3A_433 : vector<16xi32>
      %slice3A_435 = vector.extract_strided_slice %sub3A_40 {offsets = [1], sizes = [1], strides = [1]} : vector<16xi32> to vector<1xi32>
      %squeeze3A_436 = vector.extract %slice3A_435[0] : i32 from vector<1xi32>
      %le3A_437 = vector.broadcast %squeeze3A_436 : i32 to vector<16xi32>
      %le3A_438 = arith.cmpi sle, %le3A_437, %mul3A_429 : vector<16xi32>
      %convert_element_type3A_439 = arith.extui %le3A_438 : vector<16xi1> to vector<16xi32>
      %add3A_440 = arith.addi %add3A_434, %convert_element_type3A_439 : vector<16xi32>
      %slice3A_441 = vector.extract_strided_slice %sub3A_40 {offsets = [2], sizes = [1], strides = [1]} : vector<16xi32> to vector<1xi32>
      %squeeze3A_442 = vector.extract %slice3A_441[0] : i32 from vector<1xi32>
      %le3A_443 = vector.broadcast %squeeze3A_442 : i32 to vector<16xi32>
      %le3A_444 = arith.cmpi sle, %le3A_443, %mul3A_429 : vector<16xi32>
      %convert_element_type3A_445 = arith.extui %le3A_444 : vector<16xi1> to vector<16xi32>
      %add3A_446 = arith.addi %add3A_440, %convert_element_type3A_445 : vector<16xi32>
      %slice3A_447 = vector.extract_strided_slice %sub3A_40 {offsets = [3], sizes = [1], strides = [1]} : vector<16xi32> to vector<1xi32>
      %squeeze3A_448 = vector.extract %slice3A_447[0] : i32 from vector<1xi32>
      %le3A_449 = vector.broadcast %squeeze3A_448 : i32 to vector<16xi32>
      %le3A_450 = arith.cmpi sle, %le3A_449, %mul3A_429 : vector<16xi32>
      %convert_element_type3A_451 = arith.extui %le3A_450 : vector<16xi1> to vector<16xi32>
      %add3A_452 = arith.addi %add3A_446, %convert_element_type3A_451 : vector<16xi32>
      %slice3A_453 = vector.extract_strided_slice %sub3A_40 {offsets = [4], sizes = [1], strides = [1]} : vector<16xi32> to vector<1xi32>
      %squeeze3A_454 = vector.extract %slice3A_453[0] : i32 from vector<1xi32>
      %le3A_455 = vector.broadcast %squeeze3A_454 : i32 to vector<16xi32>
      %le3A_456 = arith.cmpi sle, %le3A_455, %mul3A_429 : vector<16xi32>
      %convert_element_type3A_457 = arith.extui %le3A_456 : vector<16xi1> to vector<16xi32>
      %add3A_458 = arith.addi %add3A_452, %convert_element_type3A_457 : vector<16xi32>
      %slice3A_459 = vector.extract_strided_slice %sub3A_40 {offsets = [5], sizes = [1], strides = [1]} : vector<16xi32> to vector<1xi32>
      %squeeze3A_460 = vector.extract %slice3A_459[0] : i32 from vector<1xi32>
      %le3A_461 = vector.broadcast %squeeze3A_460 : i32 to vector<16xi32>
      %le3A_462 = arith.cmpi sle, %le3A_461, %mul3A_429 : vector<16xi32>
      %convert_element_type3A_463 = arith.extui %le3A_462 : vector<16xi1> to vector<16xi32>
      %add3A_464 = arith.addi %add3A_458, %convert_element_type3A_463 : vector<16xi32>
      %slice3A_465 = vector.extract_strided_slice %sub3A_40 {offsets = [6], sizes = [1], strides = [1]} : vector<16xi32> to vector<1xi32>
      %squeeze3A_466 = vector.extract %slice3A_465[0] : i32 from vector<1xi32>
      %le3A_467 = vector.broadcast %squeeze3A_466 : i32 to vector<16xi32>
      %le3A_468 = arith.cmpi sle, %le3A_467, %mul3A_429 : vector<16xi32>
      %convert_element_type3A_469 = arith.extui %le3A_468 : vector<16xi1> to vector<16xi32>
      %add3A_470 = arith.addi %add3A_464, %convert_element_type3A_469 : vector<16xi32>
      %slice3A_471 = vector.extract_strided_slice %sub3A_40 {offsets = [7], sizes = [1], strides = [1]} : vector<16xi32> to vector<1xi32>
      %squeeze3A_472 = vector.extract %slice3A_471[0] : i32 from vector<1xi32>
      %le3A_473 = vector.broadcast %squeeze3A_472 : i32 to vector<16xi32>
      %le3A_474 = arith.cmpi sle, %le3A_473, %mul3A_429 : vector<16xi32>
      %convert_element_type3A_475 = arith.extui %le3A_474 : vector<16xi1> to vector<16xi32>
      %add3A_476 = arith.addi %add3A_470, %convert_element_type3A_475 : vector<16xi32>
      %slice3A_477 = vector.extract_strided_slice %sub3A_40 {offsets = [8], sizes = [1], strides = [1]} : vector<16xi32> to vector<1xi32>
      %squeeze3A_478 = vector.extract %slice3A_477[0] : i32 from vector<1xi32>
      %le3A_479 = vector.broadcast %squeeze3A_478 : i32 to vector<16xi32>
      %le3A_480 = arith.cmpi sle, %le3A_479, %mul3A_429 : vector<16xi32>
      %convert_element_type3A_481 = arith.extui %le3A_480 : vector<16xi1> to vector<16xi32>
      %add3A_482 = arith.addi %add3A_476, %convert_element_type3A_481 : vector<16xi32>
      %slice3A_483 = vector.extract_strided_slice %sub3A_40 {offsets = [9], sizes = [1], strides = [1]} : vector<16xi32> to vector<1xi32>
      %squeeze3A_484 = vector.extract %slice3A_483[0] : i32 from vector<1xi32>
      %le3A_485 = vector.broadcast %squeeze3A_484 : i32 to vector<16xi32>
      %le3A_486 = arith.cmpi sle, %le3A_485, %mul3A_429 : vector<16xi32>
      %convert_element_type3A_487 = arith.extui %le3A_486 : vector<16xi1> to vector<16xi32>
      %add3A_488 = arith.addi %add3A_482, %convert_element_type3A_487 : vector<16xi32>
      %slice3A_489 = vector.extract_strided_slice %sub3A_40 {offsets = [10], sizes = [1], strides = [1]} : vector<16xi32> to vector<1xi32>
      %squeeze3A_490 = vector.extract %slice3A_489[0] : i32 from vector<1xi32>
      %le3A_491 = vector.broadcast %squeeze3A_490 : i32 to vector<16xi32>
      %le3A_492 = arith.cmpi sle, %le3A_491, %mul3A_429 : vector<16xi32>
      %convert_element_type3A_493 = arith.extui %le3A_492 : vector<16xi1> to vector<16xi32>
      %add3A_494 = arith.addi %add3A_488, %convert_element_type3A_493 : vector<16xi32>
      %slice3A_495 = vector.extract_strided_slice %sub3A_40 {offsets = [11], sizes = [1], strides = [1]} : vector<16xi32> to vector<1xi32>
      %squeeze3A_496 = vector.extract %slice3A_495[0] : i32 from vector<1xi32>
      %le3A_497 = vector.broadcast %squeeze3A_496 : i32 to vector<16xi32>
      %le3A_498 = arith.cmpi sle, %le3A_497, %mul3A_429 : vector<16xi32>
      %convert_element_type3A_499 = arith.extui %le3A_498 : vector<16xi1> to vector<16xi32>
      %add3A_500 = arith.addi %add3A_494, %convert_element_type3A_499 : vector<16xi32>
      %slice3A_501 = vector.extract_strided_slice %sub3A_40 {offsets = [12], sizes = [1], strides = [1]} : vector<16xi32> to vector<1xi32>
      %squeeze3A_502 = vector.extract %slice3A_501[0] : i32 from vector<1xi32>
      %le3A_503 = vector.broadcast %squeeze3A_502 : i32 to vector<16xi32>
      %le3A_504 = arith.cmpi sle, %le3A_503, %mul3A_429 : vector<16xi32>
      %convert_element_type3A_505 = arith.extui %le3A_504 : vector<16xi1> to vector<16xi32>
      %add3A_506 = arith.addi %add3A_500, %convert_element_type3A_505 : vector<16xi32>
      %slice3A_507 = vector.extract_strided_slice %sub3A_40 {offsets = [13], sizes = [1], strides = [1]} : vector<16xi32> to vector<1xi32>
      %squeeze3A_508 = vector.extract %slice3A_507[0] : i32 from vector<1xi32>
      %le3A_509 = vector.broadcast %squeeze3A_508 : i32 to vector<16xi32>
      %le3A_510 = arith.cmpi sle, %le3A_509, %mul3A_429 : vector<16xi32>
      %convert_element_type3A_511 = arith.extui %le3A_510 : vector<16xi1> to vector<16xi32>
      %add3A_512 = arith.addi %add3A_506, %convert_element_type3A_511 : vector<16xi32>
      %slice3A_513 = vector.extract_strided_slice %sub3A_40 {offsets = [14], sizes = [1], strides = [1]} : vector<16xi32> to vector<1xi32>
      %squeeze3A_514 = vector.extract %slice3A_513[0] : i32 from vector<1xi32>
      %le3A_515 = vector.broadcast %squeeze3A_514 : i32 to vector<16xi32>
      %le3A_516 = arith.cmpi sle, %le3A_515, %mul3A_429 : vector<16xi32>
      %convert_element_type3A_517 = arith.extui %le3A_516 : vector<16xi1> to vector<16xi32>
      %add3A_518 = arith.addi %add3A_512, %convert_element_type3A_517 : vector<16xi32>
      %slice3A_519 = vector.extract_strided_slice %sub3A_40 {offsets = [15], sizes = [1], strides = [1]} : vector<16xi32> to vector<1xi32>
      %squeeze3A_520 = vector.extract %slice3A_519[0] : i32 from vector<1xi32>
      %le3A_521 = vector.broadcast %squeeze3A_520 : i32 to vector<16xi32>
      %le3A_522 = arith.cmpi sle, %le3A_521, %mul3A_429 : vector<16xi32>
      %convert_element_type3A_523 = arith.extui %le3A_522 : vector<16xi1> to vector<16xi32>
      %add3A_524 = arith.addi %add3A_518, %convert_element_type3A_523 : vector<16xi32>
      %sub3A_525 = arith.constant 1 : i32
      %sub3A_526 = vector.broadcast %sub3A_525 : i32 to vector<16xi32>
      %sub3A_527 = arith.subi %add3A_524, %sub3A_526 : vector<16xi32>
      %swap3A_528 = arith.constant 0 : index
      %swap3A_529 = tpu.vector_load %arg12[%swap3A_528] {strides = array<i32>} : memref<32xi32, #tpu.memory_space<vmem>>, vector<16xi32>,
      tpu.vector_store %arg12[%swap3A_528], %sub3A_527 {strides = array<i32>} : memref<32xi32, #tpu.memory_space<vmem>>, vector<16xi32>,
      %iota3A_530 = tpu.iota {dimensions = array<i32: 0>} : vector<16xi32>
      %add3A_531 = arith.constant 16 : i32
      %add3A_532 = vector.broadcast %add3A_531 : i32 to vector<16xi32>
      %add3A_533 = arith.addi %iota3A_530, %add3A_532 : vector<16xi32>
      %mul3A_534 = arith.constant 512 : i32
      %mul3A_535 = vector.broadcast %mul3A_534 : i32 to vector<16xi32>
      %mul3A_536 = arith.muli %add3A_533, %mul3A_535 : vector<16xi32>
      %broadcast_in_dim3A_537 = arith.constant 0 : i32
      %broadcast_in_dim3A_538 = vector.broadcast %broadcast_in_dim3A_537 : i32 to vector<16xi32>
      %slice3A_539 = vector.extract_strided_slice %sub3A_40 {offsets = [0], sizes = [1], strides = [1]} : vector<16xi32> to vector<1xi32>
      %squeeze3A_540 = vector.extract %slice3A_539[0] : i32 from vector<1xi32>
      %le3A_541 = vector.broadcast %squeeze3A_540 : i32 to vector<16xi32>
      %le3A_542 = arith.cmpi sle, %le3A_541, %mul3A_536 : vector<16xi32>
      %convert_element_type3A_543 = arith.extui %le3A_542 : vector<16xi1> to vector<16xi32>
      %add3A_544 = arith.addi %broadcast_in_dim3A_538, %convert_element_type3A_543 : vector<16xi32>
      %slice3A_545 = vector.extract_strided_slice %sub3A_40 {offsets = [1], sizes = [1], strides = [1]} : vector<16xi32> to vector<1xi32>
      %squeeze3A_546 = vector.extract %slice3A_545[0] : i32 from vector<1xi32>
      %le3A_547 = vector.broadcast %squeeze3A_546 : i32 to vector<16xi32>
      %le3A_548 = arith.cmpi sle, %le3A_547, %mul3A_536 : vector<16xi32>
      %convert_element_type3A_549 = arith.extui %le3A_548 : vector<16xi1> to vector<16xi32>
      %add3A_550 = arith.addi %add3A_544, %convert_element_type3A_549 : vector<16xi32>
      %slice3A_551 = vector.extract_strided_slice %sub3A_40 {offsets = [2], sizes = [1], strides = [1]} : vector<16xi32> to vector<1xi32>
      %squeeze3A_552 = vector.extract %slice3A_551[0] : i32 from vector<1xi32>
      %le3A_553 = vector.broadcast %squeeze3A_552 : i32 to vector<16xi32>
      %le3A_554 = arith.cmpi sle, %le3A_553, %mul3A_536 : vector<16xi32>
      %convert_element_type3A_555 = arith.extui %le3A_554 : vector<16xi1> to vector<16xi32>
      %add3A_556 = arith.addi %add3A_550, %convert_element_type3A_555 : vector<16xi32>
      %slice3A_557 = vector.extract_strided_slice %sub3A_40 {offsets = [3], sizes = [1], strides = [1]} : vector<16xi32> to vector<1xi32>
      %squeeze3A_558 = vector.extract %slice3A_557[0] : i32 from vector<1xi32>
      %le3A_559 = vector.broadcast %squeeze3A_558 : i32 to vector<16xi32>
      %le3A_560 = arith.cmpi sle, %le3A_559, %mul3A_536 : vector<16xi32>
      %convert_element_type3A_561 = arith.extui %le3A_560 : vector<16xi1> to vector<16xi32>
      %add3A_562 = arith.addi %add3A_556, %convert_element_type3A_561 : vector<16xi32>
      %slice3A_563 = vector.extract_strided_slice %sub3A_40 {offsets = [4], sizes = [1], strides = [1]} : vector<16xi32> to vector<1xi32>
      %squeeze3A_564 = vector.extract %slice3A_563[0] : i32 from vector<1xi32>
      %le3A_565 = vector.broadcast %squeeze3A_564 : i32 to vector<16xi32>
      %le3A_566 = arith.cmpi sle, %le3A_565, %mul3A_536 : vector<16xi32>
      %convert_element_type3A_567 = arith.extui %le3A_566 : vector<16xi1> to vector<16xi32>
      %add3A_568 = arith.addi %add3A_562, %convert_element_type3A_567 : vector<16xi32>
      %slice3A_569 = vector.extract_strided_slice %sub3A_40 {offsets = [5], sizes = [1], strides = [1]} : vector<16xi32> to vector<1xi32>
      %squeeze3A_570 = vector.extract %slice3A_569[0] : i32 from vector<1xi32>
      %le3A_571 = vector.broadcast %squeeze3A_570 : i32 to vector<16xi32>
      %le3A_572 = arith.cmpi sle, %le3A_571, %mul3A_536 : vector<16xi32>
      %convert_element_type3A_573 = arith.extui %le3A_572 : vector<16xi1> to vector<16xi32>
      %add3A_574 = arith.addi %add3A_568, %convert_element_type3A_573 : vector<16xi32>
      %slice3A_575 = vector.extract_strided_slice %sub3A_40 {offsets = [6], sizes = [1], strides = [1]} : vector<16xi32> to vector<1xi32>
      %squeeze3A_576 = vector.extract %slice3A_575[0] : i32 from vector<1xi32>
      %le3A_577 = vector.broadcast %squeeze3A_576 : i32 to vector<16xi32>
      %le3A_578 = arith.cmpi sle, %le3A_577, %mul3A_536 : vector<16xi32>
      %convert_element_type3A_579 = arith.extui %le3A_578 : vector<16xi1> to vector<16xi32>
      %add3A_580 = arith.addi %add3A_574, %convert_element_type3A_579 : vector<16xi32>
      %slice3A_581 = vector.extract_strided_slice %sub3A_40 {offsets = [7], sizes = [1], strides = [1]} : vector<16xi32> to vector<1xi32>
      %squeeze3A_582 = vector.extract %slice3A_581[0] : i32 from vector<1xi32>
      %le3A_583 = vector.broadcast %squeeze3A_582 : i32 to vector<16xi32>
      %le3A_584 = arith.cmpi sle, %le3A_583, %mul3A_536 : vector<16xi32>
      %convert_element_type3A_585 = arith.extui %le3A_584 : vector<16xi1> to vector<16xi32>
      %add3A_586 = arith.addi %add3A_580, %convert_element_type3A_585 : vector<16xi32>
      %slice3A_587 = vector.extract_strided_slice %sub3A_40 {offsets = [8], sizes = [1], strides = [1]} : vector<16xi32> to vector<1xi32>
      %squeeze3A_588 = vector.extract %slice3A_587[0] : i32 from vector<1xi32>
      %le3A_589 = vector.broadcast %squeeze3A_588 : i32 to vector<16xi32>
      %le3A_590 = arith.cmpi sle, %le3A_589, %mul3A_536 : vector<16xi32>
      %convert_element_type3A_591 = arith.extui %le3A_590 : vector<16xi1> to vector<16xi32>
      %add3A_592 = arith.addi %add3A_586, %convert_element_type3A_591 : vector<16xi32>
      %slice3A_593 = vector.extract_strided_slice %sub3A_40 {offsets = [9], sizes = [1], strides = [1]} : vector<16xi32> to vector<1xi32>
      %squeeze3A_594 = vector.extract %slice3A_593[0] : i32 from vector<1xi32>
      %le3A_595 = vector.broadcast %squeeze3A_594 : i32 to vector<16xi32>
      %le3A_596 = arith.cmpi sle, %le3A_595, %mul3A_536 : vector<16xi32>
      %convert_element_type3A_597 = arith.extui %le3A_596 : vector<16xi1> to vector<16xi32>
      %add3A_598 = arith.addi %add3A_592, %convert_element_type3A_597 : vector<16xi32>
      %slice3A_599 = vector.extract_strided_slice %sub3A_40 {offsets = [10], sizes = [1], strides = [1]} : vector<16xi32> to vector<1xi32>
      %squeeze3A_600 = vector.extract %slice3A_599[0] : i32 from vector<1xi32>
      %le3A_601 = vector.broadcast %squeeze3A_600 : i32 to vector<16xi32>
      %le3A_602 = arith.cmpi sle, %le3A_601, %mul3A_536 : vector<16xi32>
      %convert_element_type3A_603 = arith.extui %le3A_602 : vector<16xi1> to vector<16xi32>
      %add3A_604 = arith.addi %add3A_598, %convert_element_type3A_603 : vector<16xi32>
      %slice3A_605 = vector.extract_strided_slice %sub3A_40 {offsets = [11], sizes = [1], strides = [1]} : vector<16xi32> to vector<1xi32>
      %squeeze3A_606 = vector.extract %slice3A_605[0] : i32 from vector<1xi32>
      %le3A_607 = vector.broadcast %squeeze3A_606 : i32 to vector<16xi32>
      %le3A_608 = arith.cmpi sle, %le3A_607, %mul3A_536 : vector<16xi32>
      %convert_element_type3A_609 = arith.extui %le3A_608 : vector<16xi1> to vector<16xi32>
      %add3A_610 = arith.addi %add3A_604, %convert_element_type3A_609 : vector<16xi32>
      %slice3A_611 = vector.extract_strided_slice %sub3A_40 {offsets = [12], sizes = [1], strides = [1]} : vector<16xi32> to vector<1xi32>
      %squeeze3A_612 = vector.extract %slice3A_611[0] : i32 from vector<1xi32>
      %le3A_613 = vector.broadcast %squeeze3A_612 : i32 to vector<16xi32>
      %le3A_614 = arith.cmpi sle, %le3A_613, %mul3A_536 : vector<16xi32>
      %convert_element_type3A_615 = arith.extui %le3A_614 : vector<16xi1> to vector<16xi32>
      %add3A_616 = arith.addi %add3A_610, %convert_element_type3A_615 : vector<16xi32>
      %slice3A_617 = vector.extract_strided_slice %sub3A_40 {offsets = [13], sizes = [1], strides = [1]} : vector<16xi32> to vector<1xi32>
      %squeeze3A_618 = vector.extract %slice3A_617[0] : i32 from vector<1xi32>
      %le3A_619 = vector.broadcast %squeeze3A_618 : i32 to vector<16xi32>
      %le3A_620 = arith.cmpi sle, %le3A_619, %mul3A_536 : vector<16xi32>
      %convert_element_type3A_621 = arith.extui %le3A_620 : vector<16xi1> to vector<16xi32>
      %add3A_622 = arith.addi %add3A_616, %convert_element_type3A_621 : vector<16xi32>
      %slice3A_623 = vector.extract_strided_slice %sub3A_40 {offsets = [14], sizes = [1], strides = [1]} : vector<16xi32> to vector<1xi32>
      %squeeze3A_624 = vector.extract %slice3A_623[0] : i32 from vector<1xi32>
      %le3A_625 = vector.broadcast %squeeze3A_624 : i32 to vector<16xi32>
      %le3A_626 = arith.cmpi sle, %le3A_625, %mul3A_536 : vector<16xi32>
      %convert_element_type3A_627 = arith.extui %le3A_626 : vector<16xi1> to vector<16xi32>
      %add3A_628 = arith.addi %add3A_622, %convert_element_type3A_627 : vector<16xi32>
      %slice3A_629 = vector.extract_strided_slice %sub3A_40 {offsets = [15], sizes = [1], strides = [1]} : vector<16xi32> to vector<1xi32>
      %squeeze3A_630 = vector.extract %slice3A_629[0] : i32 from vector<1xi32>
      %le3A_631 = vector.broadcast %squeeze3A_630 : i32 to vector<16xi32>
      %le3A_632 = arith.cmpi sle, %le3A_631, %mul3A_536 : vector<16xi32>
      %convert_element_type3A_633 = arith.extui %le3A_632 : vector<16xi1> to vector<16xi32>
      %add3A_634 = arith.addi %add3A_628, %convert_element_type3A_633 : vector<16xi32>
      %sub3A_635 = arith.constant 1 : i32
      %sub3A_636 = vector.broadcast %sub3A_635 : i32 to vector<16xi32>
      %sub3A_637 = arith.subi %add3A_634, %sub3A_636 : vector<16xi32>
      %swap3A_638 = arith.constant 16 : index
      %swap3A_639 = tpu.vector_load %arg12[%swap3A_638] {strides = array<i32>} : memref<32xi32, #tpu.memory_space<vmem>>, vector<16xi32>,
      tpu.vector_store %arg12[%swap3A_638], %sub3A_637 {strides = array<i32>} : memref<32xi32, #tpu.memory_space<vmem>>, vector<16xi32>,
      %broadcast_in_dim3A_640 = vector.broadcast %reduce_sum3A_423 : i32 to vector<16xi32>
      %swap3A_641 = arith.constant 0 : index
      %swap3A_642 = tpu.vector_load %arg13[%swap3A_641] {strides = array<i32>} : memref<16xi32, #tpu.memory_space<vmem>>, vector<16xi32>,
      tpu.vector_store %arg13[%swap3A_641], %broadcast_in_dim3A_640 {strides = array<i32>} : memref<16xi32, #tpu.memory_space<vmem>>, vector<16xi32>,
      "tpu.region"() ({
        %run_scoped3A = tpu.sem_alloc : memref<!tpu.dma_semaphore, #tpu.memory_space<semaphore_mem>>
        tpu.enqueue_dma source(%arg12 : memref<32xi32, #tpu.memory_space<vmem>>) target(%arg8 : memref<32xi32, #tpu.memory_space<hbm>>) target_semaphore(%run_scoped3A : memref<!tpu.dma_semaphore, #tpu.memory_space<semaphore_mem>>)
        tpu.wait_dma2 semaphore(%run_scoped3A : memref<!tpu.dma_semaphore, #tpu.memory_space<semaphore_mem>>) src(%arg12 : memref<32xi32, #tpu.memory_space<vmem>>) dst(%arg8 : memref<32xi32, #tpu.memory_space<hbm>>)
        tpu.yield
      }) : () -> ()
      "tpu.region"() ({
        %run_scoped3A = tpu.sem_alloc : memref<!tpu.dma_semaphore, #tpu.memory_space<semaphore_mem>>
        tpu.enqueue_dma source(%arg13 : memref<16xi32, #tpu.memory_space<vmem>>) target(%arg9 : memref<16xi32, #tpu.memory_space<hbm>>) target_semaphore(%run_scoped3A : memref<!tpu.dma_semaphore, #tpu.memory_space<semaphore_mem>>)
        tpu.wait_dma2 semaphore(%run_scoped3A : memref<!tpu.dma_semaphore, #tpu.memory_space<semaphore_mem>>) src(%arg13 : memref<16xi32, #tpu.memory_space<vmem>>) dst(%arg9 : memref<16xi32, #tpu.memory_space<hbm>>)
        tpu.yield
      }) : () -> ()
    } else {
    }
    %mul3A_215 = arith.constant 256 : i32
    %mul3A_216 = arith.muli %add3A, %mul3A_215 : i32
    %add3A_217 = arith.constant 0 : i32
    %add3A_218 = arith.addi %mul3A_216, %add3A_217 : i32
    %dma_start3A = arith.constant 0 : i32
    %dma_start3A_219 = tpu.memref_slice %arg5[%add3A_218, %dma_start3A] : memref<8192x1024xf32, #tpu.memory_space<hbm>> -> memref<32x1024xf32, #tpu.memory_space<hbm>>
    %dma_start3A_220 = arith.constant 0 : i32
    %dma_start3A_221 = tpu.memref_slice %arg5[%add3A_218, %dma_start3A_220] : memref<8192x1024xf32, #tpu.memory_space<hbm>> -> memref<32x1024xf32, #tpu.memory_space<hbm>>
    tpu.enqueue_dma source(%dma_start3A_221 : memref<32x1024xf32, #tpu.memory_space<hbm>>) target(%arg14 : memref<32x1024xf32, #tpu.memory_space<vmem>>) target_semaphore(%arg21 : memref<!tpu.dma_semaphore, #tpu.memory_space<semaphore_mem>>)
    %mul3A_222 = arith.constant 256 : i32
    %mul3A_223 = arith.muli %add3A, %mul3A_222 : i32
    %add3A_224 = arith.constant 32 : i32
    %add3A_225 = arith.addi %mul3A_223, %add3A_224 : i32
    %dma_start3A_226 = arith.constant 0 : i32
    %dma_start3A_227 = tpu.memref_slice %arg5[%add3A_225, %dma_start3A_226] : memref<8192x1024xf32, #tpu.memory_space<hbm>> -> memref<32x1024xf32, #tpu.memory_space<hbm>>
    %dma_start3A_228 = arith.constant 0 : i32
    %dma_start3A_229 = tpu.memref_slice %arg5[%add3A_225, %dma_start3A_228] : memref<8192x1024xf32, #tpu.memory_space<hbm>> -> memref<32x1024xf32, #tpu.memory_space<hbm>>
    tpu.enqueue_dma source(%dma_start3A_229 : memref<32x1024xf32, #tpu.memory_space<hbm>>) target(%arg15 : memref<32x1024xf32, #tpu.memory_space<vmem>>) target_semaphore(%arg22 : memref<!tpu.dma_semaphore, #tpu.memory_space<semaphore_mem>>)
    %dma_wait3A = arith.constant 0 : i32
    %dma_wait3A_230 = tpu.memref_slice %arg5[%add3A_218, %dma_wait3A] : memref<8192x1024xf32, #tpu.memory_space<hbm>> -> memref<32x1024xf32, #tpu.memory_space<hbm>>
    %dma_wait3A_231 = arith.constant 0 : i32
    %dma_wait3A_232 = tpu.memref_slice %arg5[%add3A_218, %dma_wait3A_231] : memref<8192x1024xf32, #tpu.memory_space<hbm>> -> memref<32x1024xf32, #tpu.memory_space<hbm>>
    tpu.wait_dma2 semaphore(%arg21 : memref<!tpu.dma_semaphore, #tpu.memory_space<semaphore_mem>>) src(%dma_wait3A_232 : memref<32x1024xf32, #tpu.memory_space<hbm>>) dst(%arg14 : memref<32x1024xf32, #tpu.memory_space<vmem>>)
    %dma_start3A_233 = arith.constant 0 : i32
    %dma_start3A_234 = arith.constant 0 : i32
    %dma_start3A_235 = tpu.memref_slice %arg11[%dma_start3A_233, %dma_start3A_234] : memref<8x32xi32, #tpu.memory_space<vmem>> -> memref<1x32xi32, #tpu.memory_space<vmem>>
    %dma_start3A_236 = tpu.memref_squeeze %dma_start3A_235 : memref<1x32xi32, #tpu.memory_space<vmem>> -> memref<32xi32, #tpu.memory_space<vmem>>
    %dma_start3A_237 = arith.constant 0 : i32
    %dma_start3A_238 = arith.constant 0 : i32
    %dma_start3A_239 = tpu.memref_slice %arg6[%dma_start3A_237, %dma_start3A_238] : memref<16384x1024xf32, #tpu.memory_space<hbm>> -> memref<16384x1024xf32, #tpu.memory_space<hbm>>
    tpu.enqueue_indirect_dma source(%arg14 : memref<32x1024xf32, #tpu.memory_space<vmem>>) target(%dma_start3A_239 : memref<16384x1024xf32, #tpu.memory_space<hbm>>) offsets(%dma_start3A_236 : memref<32xi32, #tpu.memory_space<vmem>>) semaphore(%arg19 : memref<!tpu.dma_semaphore, #tpu.memory_space<semaphore_mem>>)
    %dma_wait3A_240 = arith.constant 0 : i32
    %dma_wait3A_241 = arith.constant 0 : i32
    %dma_wait3A_242 = tpu.memref_slice %arg11[%dma_wait3A_240, %dma_wait3A_241] : memref<8x32xi32, #tpu.memory_space<vmem>> -> memref<1x32xi32, #tpu.memory_space<vmem>>
    %dma_wait3A_243 = tpu.memref_squeeze %dma_wait3A_242 : memref<1x32xi32, #tpu.memory_space<vmem>> -> memref<32xi32, #tpu.memory_space<vmem>>
    %dma_wait3A_244 = arith.constant 0 : i32
    %dma_wait3A_245 = arith.constant 0 : i32
    %dma_wait3A_246 = tpu.memref_slice %arg6[%dma_wait3A_244, %dma_wait3A_245] : memref<16384x1024xf32, #tpu.memory_space<hbm>> -> memref<16384x1024xf32, #tpu.memory_space<hbm>>
    tpu.wait_indirect_dma semaphore(%arg19 : memref<!tpu.dma_semaphore, #tpu.memory_space<semaphore_mem>>) src(%arg14 : memref<32x1024xf32, #tpu.memory_space<vmem>>) dst(%dma_wait3A_246 : memref<16384x1024xf32, #tpu.memory_space<hbm>>)
    %mul3A_247 = arith.constant 256 : i32
    %mul3A_248 = arith.muli %add3A, %mul3A_247 : i32
    %add3A_249 = arith.constant 64 : i32
    %add3A_250 = arith.addi %mul3A_248, %add3A_249 : i32
    %dma_start3A_251 = arith.constant 0 : i32
    %dma_start3A_252 = tpu.memref_slice %arg5[%add3A_250, %dma_start3A_251] : memref<8192x1024xf32, #tpu.memory_space<hbm>> -> memref<32x1024xf32, #tpu.memory_space<hbm>>
    %dma_start3A_253 = arith.constant 0 : i32
    %dma_start3A_254 = tpu.memref_slice %arg5[%add3A_250, %dma_start3A_253] : memref<8192x1024xf32, #tpu.memory_space<hbm>> -> memref<32x1024xf32, #tpu.memory_space<hbm>>
    tpu.enqueue_dma source(%dma_start3A_254 : memref<32x1024xf32, #tpu.memory_space<hbm>>) target(%arg14 : memref<32x1024xf32, #tpu.memory_space<vmem>>) target_semaphore(%arg21 : memref<!tpu.dma_semaphore, #tpu.memory_space<semaphore_mem>>)
    %dma_wait3A_255 = arith.constant 0 : i32
    %dma_wait3A_256 = tpu.memref_slice %arg5[%add3A_225, %dma_wait3A_255] : memref<8192x1024xf32, #tpu.memory_space<hbm>> -> memref<32x1024xf32, #tpu.memory_space<hbm>>
    %dma_wait3A_257 = arith.constant 0 : i32
    %dma_wait3A_258 = tpu.memref_slice %arg5[%add3A_225, %dma_wait3A_257] : memref<8192x1024xf32, #tpu.memory_space<hbm>> -> memref<32x1024xf32, #tpu.memory_space<hbm>>
    tpu.wait_dma2 semaphore(%arg22 : memref<!tpu.dma_semaphore, #tpu.memory_space<semaphore_mem>>) src(%dma_wait3A_258 : memref<32x1024xf32, #tpu.memory_space<hbm>>) dst(%arg15 : memref<32x1024xf32, #tpu.memory_space<vmem>>)
    %dma_start3A_259 = arith.constant 1 : i32
    %dma_start3A_260 = arith.constant 0 : i32
    %dma_start3A_261 = tpu.memref_slice %arg11[%dma_start3A_259, %dma_start3A_260] : memref<8x32xi32, #tpu.memory_space<vmem>> -> memref<1x32xi32, #tpu.memory_space<vmem>>
    %dma_start3A_262 = tpu.memref_squeeze %dma_start3A_261 : memref<1x32xi32, #tpu.memory_space<vmem>> -> memref<32xi32, #tpu.memory_space<vmem>>
    %dma_start3A_263 = arith.constant 0 : i32
    %dma_start3A_264 = arith.constant 0 : i32
    %dma_start3A_265 = tpu.memref_slice %arg6[%dma_start3A_263, %dma_start3A_264] : memref<16384x1024xf32, #tpu.memory_space<hbm>> -> memref<16384x1024xf32, #tpu.memory_space<hbm>>
    tpu.enqueue_indirect_dma source(%arg15 : memref<32x1024xf32, #tpu.memory_space<vmem>>) target(%dma_start3A_265 : memref<16384x1024xf32, #tpu.memory_space<hbm>>) offsets(%dma_start3A_262 : memref<32xi32, #tpu.memory_space<vmem>>) semaphore(%arg20 : memref<!tpu.dma_semaphore, #tpu.memory_space<semaphore_mem>>)
    %dma_wait3A_266 = arith.constant 1 : i32
    %dma_wait3A_267 = arith.constant 0 : i32
    %dma_wait3A_268 = tpu.memref_slice %arg11[%dma_wait3A_266, %dma_wait3A_267] : memref<8x32xi32, #tpu.memory_space<vmem>> -> memref<1x32xi32, #tpu.memory_space<vmem>>
    %dma_wait3A_269 = tpu.memref_squeeze %dma_wait3A_268 : memref<1x32xi32, #tpu.memory_space<vmem>> -> memref<32xi32, #tpu.memory_space<vmem>>
    %dma_wait3A_270 = arith.constant 0 : i32
    %dma_wait3A_271 = arith.constant 0 : i32
    %dma_wait3A_272 = tpu.memref_slice %arg6[%dma_wait3A_270, %dma_wait3A_271] : memref<16384x1024xf32, #tpu.memory_space<hbm>> -> memref<16384x1024xf32, #tpu.memory_space<hbm>>
    tpu.wait_indirect_dma semaphore(%arg20 : memref<!tpu.dma_semaphore, #tpu.memory_space<semaphore_mem>>) src(%arg15 : memref<32x1024xf32, #tpu.memory_space<vmem>>) dst(%dma_wait3A_272 : memref<16384x1024xf32, #tpu.memory_space<hbm>>)
    %mul3A_273 = arith.constant 256 : i32
    %mul3A_274 = arith.muli %add3A, %mul3A_273 : i32
    %add3A_275 = arith.constant 96 : i32
    %add3A_276 = arith.addi %mul3A_274, %add3A_275 : i32
    %dma_start3A_277 = arith.constant 0 : i32
    %dma_start3A_278 = tpu.memref_slice %arg5[%add3A_276, %dma_start3A_277] : memref<8192x1024xf32, #tpu.memory_space<hbm>> -> memref<32x1024xf32, #tpu.memory_space<hbm>>
    %dma_start3A_279 = arith.constant 0 : i32
    %dma_start3A_280 = tpu.memref_slice %arg5[%add3A_276, %dma_start3A_279] : memref<8192x1024xf32, #tpu.memory_space<hbm>> -> memref<32x1024xf32, #tpu.memory_space<hbm>>
    tpu.enqueue_dma source(%dma_start3A_280 : memref<32x1024xf32, #tpu.memory_space<hbm>>) target(%arg15 : memref<32x1024xf32, #tpu.memory_space<vmem>>) target_semaphore(%arg22 : memref<!tpu.dma_semaphore, #tpu.memory_space<semaphore_mem>>)
    %dma_wait3A_281 = arith.constant 0 : i32
    %dma_wait3A_282 = tpu.memref_slice %arg5[%add3A_250, %dma_wait3A_281] : memref<8192x1024xf32, #tpu.memory_space<hbm>> -> memref<32x1024xf32, #tpu.memory_space<hbm>>
    %dma_wait3A_283 = arith.constant 0 : i32
    %dma_wait3A_284 = tpu.memref_slice %arg5[%add3A_250, %dma_wait3A_283] : memref<8192x1024xf32, #tpu.memory_space<hbm>> -> memref<32x1024xf32, #tpu.memory_space<hbm>>
    tpu.wait_dma2 semaphore(%arg21 : memref<!tpu.dma_semaphore, #tpu.memory_space<semaphore_mem>>) src(%dma_wait3A_284 : memref<32x1024xf32, #tpu.memory_space<hbm>>) dst(%arg14 : memref<32x1024xf32, #tpu.memory_space<vmem>>)
    %dma_start3A_285 = arith.constant 2 : i32
    %dma_start3A_286 = arith.constant 0 : i32
    %dma_start3A_287 = tpu.memref_slice %arg11[%dma_start3A_285, %dma_start3A_286] : memref<8x32xi32, #tpu.memory_space<vmem>> -> memref<1x32xi32, #tpu.memory_space<vmem>>
    %dma_start3A_288 = tpu.memref_squeeze %dma_start3A_287 : memref<1x32xi32, #tpu.memory_space<vmem>> -> memref<32xi32, #tpu.memory_space<vmem>>
    %dma_start3A_289 = arith.constant 0 : i32
    %dma_start3A_290 = arith.constant 0 : i32
    %dma_start3A_291 = tpu.memref_slice %arg6[%dma_start3A_289, %dma_start3A_290] : memref<16384x1024xf32, #tpu.memory_space<hbm>> -> memref<16384x1024xf32, #tpu.memory_space<hbm>>
    tpu.enqueue_indirect_dma source(%arg14 : memref<32x1024xf32, #tpu.memory_space<vmem>>) target(%dma_start3A_291 : memref<16384x1024xf32, #tpu.memory_space<hbm>>) offsets(%dma_start3A_288 : memref<32xi32, #tpu.memory_space<vmem>>) semaphore(%arg19 : memref<!tpu.dma_semaphore, #tpu.memory_space<semaphore_mem>>)
    %dma_wait3A_292 = arith.constant 2 : i32
    %dma_wait3A_293 = arith.constant 0 : i32
    %dma_wait3A_294 = tpu.memref_slice %arg11[%dma_wait3A_292, %dma_wait3A_293] : memref<8x32xi32, #tpu.memory_space<vmem>> -> memref<1x32xi32, #tpu.memory_space<vmem>>
    %dma_wait3A_295 = tpu.memref_squeeze %dma_wait3A_294 : memref<1x32xi32, #tpu.memory_space<vmem>> -> memref<32xi32, #tpu.memory_space<vmem>>
    %dma_wait3A_296 = arith.constant 0 : i32
    %dma_wait3A_297 = arith.constant 0 : i32
    %dma_wait3A_298 = tpu.memref_slice %arg6[%dma_wait3A_296, %dma_wait3A_297] : memref<16384x1024xf32, #tpu.memory_space<hbm>> -> memref<16384x1024xf32, #tpu.memory_space<hbm>>
    tpu.wait_indirect_dma semaphore(%arg19 : memref<!tpu.dma_semaphore, #tpu.memory_space<semaphore_mem>>) src(%arg14 : memref<32x1024xf32, #tpu.memory_space<vmem>>) dst(%dma_wait3A_298 : memref<16384x1024xf32, #tpu.memory_space<hbm>>)
    %mul3A_299 = arith.constant 256 : i32
    %mul3A_300 = arith.muli %add3A, %mul3A_299 : i32
    %add3A_301 = arith.constant 128 : i32
    %add3A_302 = arith.addi %mul3A_300, %add3A_301 : i32
    %dma_start3A_303 = arith.constant 0 : i32
    %dma_start3A_304 = tpu.memref_slice %arg5[%add3A_302, %dma_start3A_303] : memref<8192x1024xf32, #tpu.memory_space<hbm>> -> memref<32x1024xf32, #tpu.memory_space<hbm>>
    %dma_start3A_305 = arith.constant 0 : i32
    %dma_start3A_306 = tpu.memref_slice %arg5[%add3A_302, %dma_start3A_305] : memref<8192x1024xf32, #tpu.memory_space<hbm>> -> memref<32x1024xf32, #tpu.memory_space<hbm>>
    tpu.enqueue_dma source(%dma_start3A_306 : memref<32x1024xf32, #tpu.memory_space<hbm>>) target(%arg14 : memref<32x1024xf32, #tpu.memory_space<vmem>>) target_semaphore(%arg21 : memref<!tpu.dma_semaphore, #tpu.memory_space<semaphore_mem>>)
    %dma_wait3A_307 = arith.constant 0 : i32
    %dma_wait3A_308 = tpu.memref_slice %arg5[%add3A_276, %dma_wait3A_307] : memref<8192x1024xf32, #tpu.memory_space<hbm>> -> memref<32x1024xf32, #tpu.memory_space<hbm>>
    %dma_wait3A_309 = arith.constant 0 : i32
    %dma_wait3A_310 = tpu.memref_slice %arg5[%add3A_276, %dma_wait3A_309] : memref<8192x1024xf32, #tpu.memory_space<hbm>> -> memref<32x1024xf32, #tpu.memory_space<hbm>>
    tpu.wait_dma2 semaphore(%arg22 : memref<!tpu.dma_semaphore, #tpu.memory_space<semaphore_mem>>) src(%dma_wait3A_310 : memref<32x1024xf32, #tpu.memory_space<hbm>>) dst(%arg15 : memref<32x1024xf32, #tpu.memory_space<vmem>>)
    %dma_start3A_311 = arith.constant 3 : i32
    %dma_start3A_312 = arith.constant 0 : i32
    %dma_start3A_313 = tpu.memref_slice %arg11[%dma_start3A_311, %dma_start3A_312] : memref<8x32xi32, #tpu.memory_space<vmem>> -> memref<1x32xi32, #tpu.memory_space<vmem>>
    %dma_start3A_314 = tpu.memref_squeeze %dma_start3A_313 : memref<1x32xi32, #tpu.memory_space<vmem>> -> memref<32xi32, #tpu.memory_space<vmem>>
    %dma_start3A_315 = arith.constant 0 : i32
    %dma_start3A_316 = arith.constant 0 : i32
    %dma_start3A_317 = tpu.memref_slice %arg6[%dma_start3A_315, %dma_start3A_316] : memref<16384x1024xf32, #tpu.memory_space<hbm>> -> memref<16384x1024xf32, #tpu.memory_space<hbm>>
    tpu.enqueue_indirect_dma source(%arg15 : memref<32x1024xf32, #tpu.memory_space<vmem>>) target(%dma_start3A_317 : memref<16384x1024xf32, #tpu.memory_space<hbm>>) offsets(%dma_start3A_314 : memref<32xi32, #tpu.memory_space<vmem>>) semaphore(%arg20 : memref<!tpu.dma_semaphore, #tpu.memory_space<semaphore_mem>>)
    %dma_wait3A_318 = arith.constant 3 : i32
    %dma_wait3A_319 = arith.constant 0 : i32
    %dma_wait3A_320 = tpu.memref_slice %arg11[%dma_wait3A_318, %dma_wait3A_319] : memref<8x32xi32, #tpu.memory_space<vmem>> -> memref<1x32xi32, #tpu.memory_space<vmem>>
    %dma_wait3A_321 = tpu.memref_squeeze %dma_wait3A_320 : memref<1x32xi32, #tpu.memory_space<vmem>> -> memref<32xi32, #tpu.memory_space<vmem>>
    %dma_wait3A_322 = arith.constant 0 : i32
    %dma_wait3A_323 = arith.constant 0 : i32
    %dma_wait3A_324 = tpu.memref_slice %arg6[%dma_wait3A_322, %dma_wait3A_323] : memref<16384x1024xf32, #tpu.memory_space<hbm>> -> memref<16384x1024xf32, #tpu.memory_space<hbm>>
    tpu.wait_indirect_dma semaphore(%arg20 : memref<!tpu.dma_semaphore, #tpu.memory_space<semaphore_mem>>) src(%arg15 : memref<32x1024xf32, #tpu.memory_space<vmem>>) dst(%dma_wait3A_324 : memref<16384x1024xf32, #tpu.memory_space<hbm>>)
    %mul3A_325 = arith.constant 256 : i32
    %mul3A_326 = arith.muli %add3A, %mul3A_325 : i32
    %add3A_327 = arith.constant 160 : i32
    %add3A_328 = arith.addi %mul3A_326, %add3A_327 : i32
    %dma_start3A_329 = arith.constant 0 : i32
    %dma_start3A_330 = tpu.memref_slice %arg5[%add3A_328, %dma_start3A_329] : memref<8192x1024xf32, #tpu.memory_space<hbm>> -> memref<32x1024xf32, #tpu.memory_space<hbm>>
    %dma_start3A_331 = arith.constant 0 : i32
    %dma_start3A_332 = tpu.memref_slice %arg5[%add3A_328, %dma_start3A_331] : memref<8192x1024xf32, #tpu.memory_space<hbm>> -> memref<32x1024xf32, #tpu.memory_space<hbm>>
    tpu.enqueue_dma source(%dma_start3A_332 : memref<32x1024xf32, #tpu.memory_space<hbm>>) target(%arg15 : memref<32x1024xf32, #tpu.memory_space<vmem>>) target_semaphore(%arg22 : memref<!tpu.dma_semaphore, #tpu.memory_space<semaphore_mem>>)
    %dma_wait3A_333 = arith.constant 0 : i32
    %dma_wait3A_334 = tpu.memref_slice %arg5[%add3A_302, %dma_wait3A_333] : memref<8192x1024xf32, #tpu.memory_space<hbm>> -> memref<32x1024xf32, #tpu.memory_space<hbm>>
    %dma_wait3A_335 = arith.constant 0 : i32
    %dma_wait3A_336 = tpu.memref_slice %arg5[%add3A_302, %dma_wait3A_335] : memref<8192x1024xf32, #tpu.memory_space<hbm>> -> memref<32x1024xf32, #tpu.memory_space<hbm>>
    tpu.wait_dma2 semaphore(%arg21 : memref<!tpu.dma_semaphore, #tpu.memory_space<semaphore_mem>>) src(%dma_wait3A_336 : memref<32x1024xf32, #tpu.memory_space<hbm>>) dst(%arg14 : memref<32x1024xf32, #tpu.memory_space<vmem>>)
    %dma_start3A_337 = arith.constant 4 : i32
    %dma_start3A_338 = arith.constant 0 : i32
    %dma_start3A_339 = tpu.memref_slice %arg11[%dma_start3A_337, %dma_start3A_338] : memref<8x32xi32, #tpu.memory_space<vmem>> -> memref<1x32xi32, #tpu.memory_space<vmem>>
    %dma_start3A_340 = tpu.memref_squeeze %dma_start3A_339 : memref<1x32xi32, #tpu.memory_space<vmem>> -> memref<32xi32, #tpu.memory_space<vmem>>
    %dma_start3A_341 = arith.constant 0 : i32
    %dma_start3A_342 = arith.constant 0 : i32
    %dma_start3A_343 = tpu.memref_slice %arg6[%dma_start3A_341, %dma_start3A_342] : memref<16384x1024xf32, #tpu.memory_space<hbm>> -> memref<16384x1024xf32, #tpu.memory_space<hbm>>
    tpu.enqueue_indirect_dma source(%arg14 : memref<32x1024xf32, #tpu.memory_space<vmem>>) target(%dma_start3A_343 : memref<16384x1024xf32, #tpu.memory_space<hbm>>) offsets(%dma_start3A_340 : memref<32xi32, #tpu.memory_space<vmem>>) semaphore(%arg19 : memref<!tpu.dma_semaphore, #tpu.memory_space<semaphore_mem>>)
    %dma_wait3A_344 = arith.constant 4 : i32
    %dma_wait3A_345 = arith.constant 0 : i32
    %dma_wait3A_346 = tpu.memref_slice %arg11[%dma_wait3A_344, %dma_wait3A_345] : memref<8x32xi32, #tpu.memory_space<vmem>> -> memref<1x32xi32, #tpu.memory_space<vmem>>
    %dma_wait3A_347 = tpu.memref_squeeze %dma_wait3A_346 : memref<1x32xi32, #tpu.memory_space<vmem>> -> memref<32xi32, #tpu.memory_space<vmem>>
    %dma_wait3A_348 = arith.constant 0 : i32
    %dma_wait3A_349 = arith.constant 0 : i32
    %dma_wait3A_350 = tpu.memref_slice %arg6[%dma_wait3A_348, %dma_wait3A_349] : memref<16384x1024xf32, #tpu.memory_space<hbm>> -> memref<16384x1024xf32, #tpu.memory_space<hbm>>
    tpu.wait_indirect_dma semaphore(%arg19 : memref<!tpu.dma_semaphore, #tpu.memory_space<semaphore_mem>>) src(%arg14 : memref<32x1024xf32, #tpu.memory_space<vmem>>) dst(%dma_wait3A_350 : memref<16384x1024xf32, #tpu.memory_space<hbm>>)
    %mul3A_351 = arith.constant 256 : i32
    %mul3A_352 = arith.muli %add3A, %mul3A_351 : i32
    %add3A_353 = arith.constant 192 : i32
    %add3A_354 = arith.addi %mul3A_352, %add3A_353 : i32
    %dma_start3A_355 = arith.constant 0 : i32
    %dma_start3A_356 = tpu.memref_slice %arg5[%add3A_354, %dma_start3A_355] : memref<8192x1024xf32, #tpu.memory_space<hbm>> -> memref<32x1024xf32, #tpu.memory_space<hbm>>
    %dma_start3A_357 = arith.constant 0 : i32
    %dma_start3A_358 = tpu.memref_slice %arg5[%add3A_354, %dma_start3A_357] : memref<8192x1024xf32, #tpu.memory_space<hbm>> -> memref<32x1024xf32, #tpu.memory_space<hbm>>
    tpu.enqueue_dma source(%dma_start3A_358 : memref<32x1024xf32, #tpu.memory_space<hbm>>) target(%arg14 : memref<32x1024xf32, #tpu.memory_space<vmem>>) target_semaphore(%arg21 : memref<!tpu.dma_semaphore, #tpu.memory_space<semaphore_mem>>)
    %dma_wait3A_359 = arith.constant 0 : i32
    %dma_wait3A_360 = tpu.memref_slice %arg5[%add3A_328, %dma_wait3A_359] : memref<8192x1024xf32, #tpu.memory_space<hbm>> -> memref<32x1024xf32, #tpu.memory_space<hbm>>
    %dma_wait3A_361 = arith.constant 0 : i32
    %dma_wait3A_362 = tpu.memref_slice %arg5[%add3A_328, %dma_wait3A_361] : memref<8192x1024xf32, #tpu.memory_space<hbm>> -> memref<32x1024xf32, #tpu.memory_space<hbm>>
    tpu.wait_dma2 semaphore(%arg22 : memref<!tpu.dma_semaphore, #tpu.memory_space<semaphore_mem>>) src(%dma_wait3A_362 : memref<32x1024xf32, #tpu.memory_space<hbm>>) dst(%arg15 : memref<32x1024xf32, #tpu.memory_space<vmem>>)
    %dma_start3A_363 = arith.constant 5 : i32
    %dma_start3A_364 = arith.constant 0 : i32
    %dma_start3A_365 = tpu.memref_slice %arg11[%dma_start3A_363, %dma_start3A_364] : memref<8x32xi32, #tpu.memory_space<vmem>> -> memref<1x32xi32, #tpu.memory_space<vmem>>
    %dma_start3A_366 = tpu.memref_squeeze %dma_start3A_365 : memref<1x32xi32, #tpu.memory_space<vmem>> -> memref<32xi32, #tpu.memory_space<vmem>>
    %dma_start3A_367 = arith.constant 0 : i32
    %dma_start3A_368 = arith.constant 0 : i32
    %dma_start3A_369 = tpu.memref_slice %arg6[%dma_start3A_367, %dma_start3A_368] : memref<16384x1024xf32, #tpu.memory_space<hbm>> -> memref<16384x1024xf32, #tpu.memory_space<hbm>>
    tpu.enqueue_indirect_dma source(%arg15 : memref<32x1024xf32, #tpu.memory_space<vmem>>) target(%dma_start3A_369 : memref<16384x1024xf32, #tpu.memory_space<hbm>>) offsets(%dma_start3A_366 : memref<32xi32, #tpu.memory_space<vmem>>) semaphore(%arg20 : memref<!tpu.dma_semaphore, #tpu.memory_space<semaphore_mem>>)
    %dma_wait3A_370 = arith.constant 5 : i32
    %dma_wait3A_371 = arith.constant 0 : i32
    %dma_wait3A_372 = tpu.memref_slice %arg11[%dma_wait3A_370, %dma_wait3A_371] : memref<8x32xi32, #tpu.memory_space<vmem>> -> memref<1x32xi32, #tpu.memory_space<vmem>>
    %dma_wait3A_373 = tpu.memref_squeeze %dma_wait3A_372 : memref<1x32xi32, #tpu.memory_space<vmem>> -> memref<32xi32, #tpu.memory_space<vmem>>
    %dma_wait3A_374 = arith.constant 0 : i32
    %dma_wait3A_375 = arith.constant 0 : i32
    %dma_wait3A_376 = tpu.memref_slice %arg6[%dma_wait3A_374, %dma_wait3A_375] : memref<16384x1024xf32, #tpu.memory_space<hbm>> -> memref<16384x1024xf32, #tpu.memory_space<hbm>>
    tpu.wait_indirect_dma semaphore(%arg20 : memref<!tpu.dma_semaphore, #tpu.memory_space<semaphore_mem>>) src(%arg15 : memref<32x1024xf32, #tpu.memory_space<vmem>>) dst(%dma_wait3A_376 : memref<16384x1024xf32, #tpu.memory_space<hbm>>)
    %mul3A_377 = arith.constant 256 : i32
    %mul3A_378 = arith.muli %add3A, %mul3A_377 : i32
    %add3A_379 = arith.constant 224 : i32
    %add3A_380 = arith.addi %mul3A_378, %add3A_379 : i32
    %dma_start3A_381 = arith.constant 0 : i32
    %dma_start3A_382 = tpu.memref_slice %arg5[%add3A_380, %dma_start3A_381] : memref<8192x1024xf32, #tpu.memory_space<hbm>> -> memref<32x1024xf32, #tpu.memory_space<hbm>>
    %dma_start3A_383 = arith.constant 0 : i32
    %dma_start3A_384 = tpu.memref_slice %arg5[%add3A_380, %dma_start3A_383] : memref<8192x1024xf32, #tpu.memory_space<hbm>> -> memref<32x1024xf32, #tpu.memory_space<hbm>>
    tpu.enqueue_dma source(%dma_start3A_384 : memref<32x1024xf32, #tpu.memory_space<hbm>>) target(%arg15 : memref<32x1024xf32, #tpu.memory_space<vmem>>) target_semaphore(%arg22 : memref<!tpu.dma_semaphore, #tpu.memory_space<semaphore_mem>>)
    %dma_wait3A_385 = arith.constant 0 : i32
    %dma_wait3A_386 = tpu.memref_slice %arg5[%add3A_354, %dma_wait3A_385] : memref<8192x1024xf32, #tpu.memory_space<hbm>> -> memref<32x1024xf32, #tpu.memory_space<hbm>>
    %dma_wait3A_387 = arith.constant 0 : i32
    %dma_wait3A_388 = tpu.memref_slice %arg5[%add3A_354, %dma_wait3A_387] : memref<8192x1024xf32, #tpu.memory_space<hbm>> -> memref<32x1024xf32, #tpu.memory_space<hbm>>
    tpu.wait_dma2 semaphore(%arg21 : memref<!tpu.dma_semaphore, #tpu.memory_space<semaphore_mem>>) src(%dma_wait3A_388 : memref<32x1024xf32, #tpu.memory_space<hbm>>) dst(%arg14 : memref<32x1024xf32, #tpu.memory_space<vmem>>)
    %dma_start3A_389 = arith.constant 6 : i32
    %dma_start3A_390 = arith.constant 0 : i32
    %dma_start3A_391 = tpu.memref_slice %arg11[%dma_start3A_389, %dma_start3A_390] : memref<8x32xi32, #tpu.memory_space<vmem>> -> memref<1x32xi32, #tpu.memory_space<vmem>>
    %dma_start3A_392 = tpu.memref_squeeze %dma_start3A_391 : memref<1x32xi32, #tpu.memory_space<vmem>> -> memref<32xi32, #tpu.memory_space<vmem>>
    %dma_start3A_393 = arith.constant 0 : i32
    %dma_start3A_394 = arith.constant 0 : i32
    %dma_start3A_395 = tpu.memref_slice %arg6[%dma_start3A_393, %dma_start3A_394] : memref<16384x1024xf32, #tpu.memory_space<hbm>> -> memref<16384x1024xf32, #tpu.memory_space<hbm>>
    tpu.enqueue_indirect_dma source(%arg14 : memref<32x1024xf32, #tpu.memory_space<vmem>>) target(%dma_start3A_395 : memref<16384x1024xf32, #tpu.memory_space<hbm>>) offsets(%dma_start3A_392 : memref<32xi32, #tpu.memory_space<vmem>>) semaphore(%arg19 : memref<!tpu.dma_semaphore, #tpu.memory_space<semaphore_mem>>)
    %dma_wait3A_396 = arith.constant 0 : i32
    %dma_wait3A_397 = tpu.memref_slice %arg5[%add3A_380, %dma_wait3A_396] : memref<8192x1024xf32, #tpu.memory_space<hbm>> -> memref<32x1024xf32, #tpu.memory_space<hbm>>
    %dma_wait3A_398 = arith.constant 0 : i32
    %dma_wait3A_399 = tpu.memref_slice %arg5[%add3A_380, %dma_wait3A_398] : memref<8192x1024xf32, #tpu.memory_space<hbm>> -> memref<32x1024xf32, #tpu.memory_space<hbm>>
    tpu.wait_dma2 semaphore(%arg22 : memref<!tpu.dma_semaphore, #tpu.memory_space<semaphore_mem>>) src(%dma_wait3A_399 : memref<32x1024xf32, #tpu.memory_space<hbm>>) dst(%arg15 : memref<32x1024xf32, #tpu.memory_space<vmem>>)
    %dma_start3A_400 = arith.constant 7 : i32
    %dma_start3A_401 = arith.constant 0 : i32
    %dma_start3A_402 = tpu.memref_slice %arg11[%dma_start3A_400, %dma_start3A_401] : memref<8x32xi32, #tpu.memory_space<vmem>> -> memref<1x32xi32, #tpu.memory_space<vmem>>
    %dma_start3A_403 = tpu.memref_squeeze %dma_start3A_402 : memref<1x32xi32, #tpu.memory_space<vmem>> -> memref<32xi32, #tpu.memory_space<vmem>>
    %dma_start3A_404 = arith.constant 0 : i32
    %dma_start3A_405 = arith.constant 0 : i32
    %dma_start3A_406 = tpu.memref_slice %arg6[%dma_start3A_404, %dma_start3A_405] : memref<16384x1024xf32, #tpu.memory_space<hbm>> -> memref<16384x1024xf32, #tpu.memory_space<hbm>>
    tpu.enqueue_indirect_dma source(%arg15 : memref<32x1024xf32, #tpu.memory_space<vmem>>) target(%dma_start3A_406 : memref<16384x1024xf32, #tpu.memory_space<hbm>>) offsets(%dma_start3A_403 : memref<32xi32, #tpu.memory_space<vmem>>) semaphore(%arg20 : memref<!tpu.dma_semaphore, #tpu.memory_space<semaphore_mem>>)
    %dma_wait3A_407 = arith.constant 6 : i32
    %dma_wait3A_408 = arith.constant 0 : i32
    %dma_wait3A_409 = tpu.memref_slice %arg11[%dma_wait3A_407, %dma_wait3A_408] : memref<8x32xi32, #tpu.memory_space<vmem>> -> memref<1x32xi32, #tpu.memory_space<vmem>>
    %dma_wait3A_410 = tpu.memref_squeeze %dma_wait3A_409 : memref<1x32xi32, #tpu.memory_space<vmem>> -> memref<32xi32, #tpu.memory_space<vmem>>
    %dma_wait3A_411 = arith.constant 0 : i32
    %dma_wait3A_412 = arith.constant 0 : i32
    %dma_wait3A_413 = tpu.memref_slice %arg6[%dma_wait3A_411, %dma_wait3A_412] : memref<16384x1024xf32, #tpu.memory_space<hbm>> -> memref<16384x1024xf32, #tpu.memory_space<hbm>>
    tpu.wait_indirect_dma semaphore(%arg19 : memref<!tpu.dma_semaphore, #tpu.memory_space<semaphore_mem>>) src(%arg14 : memref<32x1024xf32, #tpu.memory_space<vmem>>) dst(%dma_wait3A_413 : memref<16384x1024xf32, #tpu.memory_space<hbm>>)
    %dma_wait3A_414 = arith.constant 7 : i32
    %dma_wait3A_415 = arith.constant 0 : i32
    %dma_wait3A_416 = tpu.memref_slice %arg11[%dma_wait3A_414, %dma_wait3A_415] : memref<8x32xi32, #tpu.memory_space<vmem>> -> memref<1x32xi32, #tpu.memory_space<vmem>>
    %dma_wait3A_417 = tpu.memref_squeeze %dma_wait3A_416 : memref<1x32xi32, #tpu.memory_space<vmem>> -> memref<32xi32, #tpu.memory_space<vmem>>
    %dma_wait3A_418 = arith.constant 0 : i32
    %dma_wait3A_419 = arith.constant 0 : i32
    %dma_wait3A_420 = tpu.memref_slice %arg6[%dma_wait3A_418, %dma_wait3A_419] : memref<16384x1024xf32, #tpu.memory_space<hbm>> -> memref<16384x1024xf32, #tpu.memory_space<hbm>>
    tpu.wait_indirect_dma semaphore(%arg20 : memref<!tpu.dma_semaphore, #tpu.memory_space<semaphore_mem>>) src(%arg15 : memref<32x1024xf32, #tpu.memory_space<vmem>>) dst(%dma_wait3A_420 : memref<16384x1024xf32, #tpu.memory_space<hbm>>)
    return
  }
}

#map = affine_map<(d0, d1) -> (0)>
#map1 = affine_map<(d0, d1) -> (0, 0)>
module attributes {stable_mosaic.version = 14 : i64} {
  func.func @k(%arg0: i32, %arg1: i32, %arg2: memref<8192xi32, #tpu.memory_space<hbm>>, %arg3: memref<32x16xi32, #tpu.memory_space<hbm>>, %arg4: memref<32x256xi32, #tpu.memory_space<hbm>>, %arg5: memref<256xi32, #tpu.memory_space<vmem>>, %arg6: memref<256xi32, #tpu.memory_space<vmem>>, %arg7: memref<16xi32, #tpu.memory_space<vmem>>) attributes {dimension_semantics = [#tpu.dimension_semantics<core_parallel>, #tpu.dimension_semantics<subcore_parallel>], iteration_bounds = array<i64: 2, 16>, scalar_prefetch = 0 : i64, scratch_operands = 3 : i64, tpu.core_type = #tpu.core_type<sc_vector_subcore>, window_params = [{transform_indices = #map}, {transform_indices = #map1}, {transform_indices = #map1}]} {
    %mul3A = arith.constant 2 : i32
    %mul3A_0 = arith.muli %arg1, %mul3A : i32
    %add3A = arith.addi %mul3A_0, %arg0 : i32
    %mul3A_1 = arith.constant 256 : i32
    %mul3A_2 = arith.muli %add3A, %mul3A_1 : i32
    "tpu.region"() ({
      %run_scoped3A = tpu.sem_alloc : memref<!tpu.dma_semaphore, #tpu.memory_space<semaphore_mem>>
      %dma_start3A = tpu.memref_slice %arg2[%mul3A_2] : memref<8192xi32, #tpu.memory_space<hbm>> -> memref<256xi32, #tpu.memory_space<hbm>>
      %dma_start3A_10 = tpu.memref_slice %arg2[%mul3A_2] : memref<8192xi32, #tpu.memory_space<hbm>> -> memref<256xi32, #tpu.memory_space<hbm>>
      tpu.enqueue_dma source(%dma_start3A_10 : memref<256xi32, #tpu.memory_space<hbm>>) target(%arg5 : memref<256xi32, #tpu.memory_space<vmem>>) target_semaphore(%run_scoped3A : memref<!tpu.dma_semaphore, #tpu.memory_space<semaphore_mem>>)
      %dma_wait3A = tpu.memref_slice %arg2[%mul3A_2] : memref<8192xi32, #tpu.memory_space<hbm>> -> memref<256xi32, #tpu.memory_space<hbm>>
      %dma_wait3A_11 = tpu.memref_slice %arg2[%mul3A_2] : memref<8192xi32, #tpu.memory_space<hbm>> -> memref<256xi32, #tpu.memory_space<hbm>>
      tpu.wait_dma2 semaphore(%run_scoped3A : memref<!tpu.dma_semaphore, #tpu.memory_space<semaphore_mem>>) src(%dma_wait3A_11 : memref<256xi32, #tpu.memory_space<hbm>>) dst(%arg5 : memref<256xi32, #tpu.memory_space<vmem>>)
      tpu.yield
    }) : () -> ()
    %iota3A = tpu.iota {dimensions = array<i32: 0>} : vector<16xi32>
    %broadcast_in_dim3A = arith.constant 0 : i32
    %broadcast_in_dim3A_3 = vector.broadcast %broadcast_in_dim3A : i32 to vector<16xi32>
    %scan3A = arith.constant 0 : i32
    %scan3A_4 = arith.constant 16 : i32
    %scan3A_5 = arith.addi %scan3A, %scan3A_4 : i32
    %scan3A_6 = arith.constant 1 : i32
    %scan3A_7 = scf.for %scan3A_10 = %scan3A to %scan3A_5 step %scan3A_6 iter_args(%scan3A_11 = %broadcast_in_dim3A_3) -> (vector<16xi32>)  : i32 {
      %mul3A_12 = arith.constant 16 : i32
      %mul3A_13 = arith.muli %scan3A_10, %mul3A_12 : i32
      %get3A = arith.index_cast %mul3A_13 : i32 to index
      %get3A_14 = tpu.vector_load %arg5[%get3A] {strides = array<i32>} : memref<256xi32, #tpu.memory_space<vmem>>, vector<16xi32>,
      %broadcast_in_dim3A_15 = arith.constant 0 : i32
      %broadcast_in_dim3A_16 = vector.broadcast %broadcast_in_dim3A_15 : i32 to vector<16xi32>
      %eq3A = arith.constant 0 : i32
      %eq3A_17 = vector.broadcast %eq3A : i32 to vector<16xi32>
      %eq3A_18 = arith.cmpi eq, %get3A_14, %eq3A_17 : vector<16xi32>
      %convert_element_type3A = arith.extui %eq3A_18 : vector<16xi1> to vector<16xi32>
      %broadcast_in_dim3A_19 = arith.constant true
      %broadcast_in_dim3A_20 = vector.broadcast %broadcast_in_dim3A_19 : i1 to vector<16xi1>
      %masked_cumsum3A = tpu.scan <sum>, %convert_element_type3A masked %broadcast_in_dim3A_20 : vector<16xi32>, vector<16xi1> -> vector<16xi32>
      %slice3A = vector.extract_strided_slice %scan3A_11 {offsets = [0], sizes = [1], strides = [1]} : vector<16xi32> to vector<1xi32>
      %squeeze3A = vector.extract %slice3A[0] : i32 from vector<1xi32>
      %add3A_21 = vector.broadcast %squeeze3A : i32 to vector<16xi32>
      %add3A_22 = arith.addi %add3A_21, %masked_cumsum3A : vector<16xi32>
      %sub3A = arith.constant 1 : i32
      %sub3A_23 = vector.broadcast %sub3A : i32 to vector<16xi32>
      %sub3A_24 = arith.subi %add3A_22, %sub3A_23 : vector<16xi32>
      %select_n3A = arith.select %eq3A_18, %sub3A_24, %broadcast_in_dim3A_16 : vector<16xi1>, vector<16xi32>
      %all_reduce_population_count3A = tpu.all_reduce %eq3A_18 {dim = 0 : i64, kind = #tpu.reduction_kind<sum>} : vector<16xi1> -> vector<16xi32>
      %eq3A_25 = arith.constant 0 : i32
      %eq3A_26 = vector.broadcast %eq3A_25 : i32 to vector<16xi32>
      %eq3A_27 = arith.cmpi eq, %iota3A, %eq3A_26 : vector<16xi32>
      %broadcast_in_dim3A_28 = arith.constant 0 : i32
      %broadcast_in_dim3A_29 = vector.broadcast %broadcast_in_dim3A_28 : i32 to vector<16xi32>
      %select_n3A_30 = arith.select %eq3A_27, %all_reduce_population_count3A, %broadcast_in_dim3A_29 : vector<16xi1>, vector<16xi32>
      %add3A_31 = arith.addi %scan3A_11, %select_n3A_30 : vector<16xi32>
      %eq3A_32 = arith.constant 1 : i32
      %eq3A_33 = vector.broadcast %eq3A_32 : i32 to vector<16xi32>
      %eq3A_34 = arith.cmpi eq, %get3A_14, %eq3A_33 : vector<16xi32>
      %convert_element_type3A_35 = arith.extui %eq3A_34 : vector<16xi1> to vector<16xi32>
      %broadcast_in_dim3A_36 = arith.constant true
      %broadcast_in_dim3A_37 = vector.broadcast %broadcast_in_dim3A_36 : i1 to vector<16xi1>
      %masked_cumsum3A_38 = tpu.scan <sum>, %convert_element_type3A_35 masked %broadcast_in_dim3A_37 : vector<16xi32>, vector<16xi1> -> vector<16xi32>
      %slice3A_39 = vector.extract_strided_slice %add3A_31 {offsets = [1], sizes = [1], strides = [1]} : vector<16xi32> to vector<1xi32>
      %squeeze3A_40 = vector.extract %slice3A_39[0] : i32 from vector<1xi32>
      %add3A_41 = vector.broadcast %squeeze3A_40 : i32 to vector<16xi32>
      %add3A_42 = arith.addi %add3A_41, %masked_cumsum3A_38 : vector<16xi32>
      %sub3A_43 = arith.constant 1 : i32
      %sub3A_44 = vector.broadcast %sub3A_43 : i32 to vector<16xi32>
      %sub3A_45 = arith.subi %add3A_42, %sub3A_44 : vector<16xi32>
      %select_n3A_46 = arith.select %eq3A_34, %sub3A_45, %select_n3A : vector<16xi1>, vector<16xi32>
      %all_reduce_population_count3A_47 = tpu.all_reduce %eq3A_34 {dim = 0 : i64, kind = #tpu.reduction_kind<sum>} : vector<16xi1> -> vector<16xi32>
      %eq3A_48 = arith.constant 1 : i32
      %eq3A_49 = vector.broadcast %eq3A_48 : i32 to vector<16xi32>
      %eq3A_50 = arith.cmpi eq, %iota3A, %eq3A_49 : vector<16xi32>
      %broadcast_in_dim3A_51 = arith.constant 0 : i32
      %broadcast_in_dim3A_52 = vector.broadcast %broadcast_in_dim3A_51 : i32 to vector<16xi32>
      %select_n3A_53 = arith.select %eq3A_50, %all_reduce_population_count3A_47, %broadcast_in_dim3A_52 : vector<16xi1>, vector<16xi32>
      %add3A_54 = arith.addi %add3A_31, %select_n3A_53 : vector<16xi32>
      %eq3A_55 = arith.constant 2 : i32
      %eq3A_56 = vector.broadcast %eq3A_55 : i32 to vector<16xi32>
      %eq3A_57 = arith.cmpi eq, %get3A_14, %eq3A_56 : vector<16xi32>
      %convert_element_type3A_58 = arith.extui %eq3A_57 : vector<16xi1> to vector<16xi32>
      %broadcast_in_dim3A_59 = arith.constant true
      %broadcast_in_dim3A_60 = vector.broadcast %broadcast_in_dim3A_59 : i1 to vector<16xi1>
      %masked_cumsum3A_61 = tpu.scan <sum>, %convert_element_type3A_58 masked %broadcast_in_dim3A_60 : vector<16xi32>, vector<16xi1> -> vector<16xi32>
      %slice3A_62 = vector.extract_strided_slice %add3A_54 {offsets = [2], sizes = [1], strides = [1]} : vector<16xi32> to vector<1xi32>
      %squeeze3A_63 = vector.extract %slice3A_62[0] : i32 from vector<1xi32>
      %add3A_64 = vector.broadcast %squeeze3A_63 : i32 to vector<16xi32>
      %add3A_65 = arith.addi %add3A_64, %masked_cumsum3A_61 : vector<16xi32>
      %sub3A_66 = arith.constant 1 : i32
      %sub3A_67 = vector.broadcast %sub3A_66 : i32 to vector<16xi32>
      %sub3A_68 = arith.subi %add3A_65, %sub3A_67 : vector<16xi32>
      %select_n3A_69 = arith.select %eq3A_57, %sub3A_68, %select_n3A_46 : vector<16xi1>, vector<16xi32>
      %all_reduce_population_count3A_70 = tpu.all_reduce %eq3A_57 {dim = 0 : i64, kind = #tpu.reduction_kind<sum>} : vector<16xi1> -> vector<16xi32>
      %eq3A_71 = arith.constant 2 : i32
      %eq3A_72 = vector.broadcast %eq3A_71 : i32 to vector<16xi32>
      %eq3A_73 = arith.cmpi eq, %iota3A, %eq3A_72 : vector<16xi32>
      %broadcast_in_dim3A_74 = arith.constant 0 : i32
      %broadcast_in_dim3A_75 = vector.broadcast %broadcast_in_dim3A_74 : i32 to vector<16xi32>
      %select_n3A_76 = arith.select %eq3A_73, %all_reduce_population_count3A_70, %broadcast_in_dim3A_75 : vector<16xi1>, vector<16xi32>
      %add3A_77 = arith.addi %add3A_54, %select_n3A_76 : vector<16xi32>
      %eq3A_78 = arith.constant 3 : i32
      %eq3A_79 = vector.broadcast %eq3A_78 : i32 to vector<16xi32>
      %eq3A_80 = arith.cmpi eq, %get3A_14, %eq3A_79 : vector<16xi32>
      %convert_element_type3A_81 = arith.extui %eq3A_80 : vector<16xi1> to vector<16xi32>
      %broadcast_in_dim3A_82 = arith.constant true
      %broadcast_in_dim3A_83 = vector.broadcast %broadcast_in_dim3A_82 : i1 to vector<16xi1>
      %masked_cumsum3A_84 = tpu.scan <sum>, %convert_element_type3A_81 masked %broadcast_in_dim3A_83 : vector<16xi32>, vector<16xi1> -> vector<16xi32>
      %slice3A_85 = vector.extract_strided_slice %add3A_77 {offsets = [3], sizes = [1], strides = [1]} : vector<16xi32> to vector<1xi32>
      %squeeze3A_86 = vector.extract %slice3A_85[0] : i32 from vector<1xi32>
      %add3A_87 = vector.broadcast %squeeze3A_86 : i32 to vector<16xi32>
      %add3A_88 = arith.addi %add3A_87, %masked_cumsum3A_84 : vector<16xi32>
      %sub3A_89 = arith.constant 1 : i32
      %sub3A_90 = vector.broadcast %sub3A_89 : i32 to vector<16xi32>
      %sub3A_91 = arith.subi %add3A_88, %sub3A_90 : vector<16xi32>
      %select_n3A_92 = arith.select %eq3A_80, %sub3A_91, %select_n3A_69 : vector<16xi1>, vector<16xi32>
      %all_reduce_population_count3A_93 = tpu.all_reduce %eq3A_80 {dim = 0 : i64, kind = #tpu.reduction_kind<sum>} : vector<16xi1> -> vector<16xi32>
      %eq3A_94 = arith.constant 3 : i32
      %eq3A_95 = vector.broadcast %eq3A_94 : i32 to vector<16xi32>
      %eq3A_96 = arith.cmpi eq, %iota3A, %eq3A_95 : vector<16xi32>
      %broadcast_in_dim3A_97 = arith.constant 0 : i32
      %broadcast_in_dim3A_98 = vector.broadcast %broadcast_in_dim3A_97 : i32 to vector<16xi32>
      %select_n3A_99 = arith.select %eq3A_96, %all_reduce_population_count3A_93, %broadcast_in_dim3A_98 : vector<16xi1>, vector<16xi32>
      %add3A_100 = arith.addi %add3A_77, %select_n3A_99 : vector<16xi32>
      %eq3A_101 = arith.constant 4 : i32
      %eq3A_102 = vector.broadcast %eq3A_101 : i32 to vector<16xi32>
      %eq3A_103 = arith.cmpi eq, %get3A_14, %eq3A_102 : vector<16xi32>
      %convert_element_type3A_104 = arith.extui %eq3A_103 : vector<16xi1> to vector<16xi32>
      %broadcast_in_dim3A_105 = arith.constant true
      %broadcast_in_dim3A_106 = vector.broadcast %broadcast_in_dim3A_105 : i1 to vector<16xi1>
      %masked_cumsum3A_107 = tpu.scan <sum>, %convert_element_type3A_104 masked %broadcast_in_dim3A_106 : vector<16xi32>, vector<16xi1> -> vector<16xi32>
      %slice3A_108 = vector.extract_strided_slice %add3A_100 {offsets = [4], sizes = [1], strides = [1]} : vector<16xi32> to vector<1xi32>
      %squeeze3A_109 = vector.extract %slice3A_108[0] : i32 from vector<1xi32>
      %add3A_110 = vector.broadcast %squeeze3A_109 : i32 to vector<16xi32>
      %add3A_111 = arith.addi %add3A_110, %masked_cumsum3A_107 : vector<16xi32>
      %sub3A_112 = arith.constant 1 : i32
      %sub3A_113 = vector.broadcast %sub3A_112 : i32 to vector<16xi32>
      %sub3A_114 = arith.subi %add3A_111, %sub3A_113 : vector<16xi32>
      %select_n3A_115 = arith.select %eq3A_103, %sub3A_114, %select_n3A_92 : vector<16xi1>, vector<16xi32>
      %all_reduce_population_count3A_116 = tpu.all_reduce %eq3A_103 {dim = 0 : i64, kind = #tpu.reduction_kind<sum>} : vector<16xi1> -> vector<16xi32>
      %eq3A_117 = arith.constant 4 : i32
      %eq3A_118 = vector.broadcast %eq3A_117 : i32 to vector<16xi32>
      %eq3A_119 = arith.cmpi eq, %iota3A, %eq3A_118 : vector<16xi32>
      %broadcast_in_dim3A_120 = arith.constant 0 : i32
      %broadcast_in_dim3A_121 = vector.broadcast %broadcast_in_dim3A_120 : i32 to vector<16xi32>
      %select_n3A_122 = arith.select %eq3A_119, %all_reduce_population_count3A_116, %broadcast_in_dim3A_121 : vector<16xi1>, vector<16xi32>
      %add3A_123 = arith.addi %add3A_100, %select_n3A_122 : vector<16xi32>
      %eq3A_124 = arith.constant 5 : i32
      %eq3A_125 = vector.broadcast %eq3A_124 : i32 to vector<16xi32>
      %eq3A_126 = arith.cmpi eq, %get3A_14, %eq3A_125 : vector<16xi32>
      %convert_element_type3A_127 = arith.extui %eq3A_126 : vector<16xi1> to vector<16xi32>
      %broadcast_in_dim3A_128 = arith.constant true
      %broadcast_in_dim3A_129 = vector.broadcast %broadcast_in_dim3A_128 : i1 to vector<16xi1>
      %masked_cumsum3A_130 = tpu.scan <sum>, %convert_element_type3A_127 masked %broadcast_in_dim3A_129 : vector<16xi32>, vector<16xi1> -> vector<16xi32>
      %slice3A_131 = vector.extract_strided_slice %add3A_123 {offsets = [5], sizes = [1], strides = [1]} : vector<16xi32> to vector<1xi32>
      %squeeze3A_132 = vector.extract %slice3A_131[0] : i32 from vector<1xi32>
      %add3A_133 = vector.broadcast %squeeze3A_132 : i32 to vector<16xi32>
      %add3A_134 = arith.addi %add3A_133, %masked_cumsum3A_130 : vector<16xi32>
      %sub3A_135 = arith.constant 1 : i32
      %sub3A_136 = vector.broadcast %sub3A_135 : i32 to vector<16xi32>
      %sub3A_137 = arith.subi %add3A_134, %sub3A_136 : vector<16xi32>
      %select_n3A_138 = arith.select %eq3A_126, %sub3A_137, %select_n3A_115 : vector<16xi1>, vector<16xi32>
      %all_reduce_population_count3A_139 = tpu.all_reduce %eq3A_126 {dim = 0 : i64, kind = #tpu.reduction_kind<sum>} : vector<16xi1> -> vector<16xi32>
      %eq3A_140 = arith.constant 5 : i32
      %eq3A_141 = vector.broadcast %eq3A_140 : i32 to vector<16xi32>
      %eq3A_142 = arith.cmpi eq, %iota3A, %eq3A_141 : vector<16xi32>
      %broadcast_in_dim3A_143 = arith.constant 0 : i32
      %broadcast_in_dim3A_144 = vector.broadcast %broadcast_in_dim3A_143 : i32 to vector<16xi32>
      %select_n3A_145 = arith.select %eq3A_142, %all_reduce_population_count3A_139, %broadcast_in_dim3A_144 : vector<16xi1>, vector<16xi32>
      %add3A_146 = arith.addi %add3A_123, %select_n3A_145 : vector<16xi32>
      %eq3A_147 = arith.constant 6 : i32
      %eq3A_148 = vector.broadcast %eq3A_147 : i32 to vector<16xi32>
      %eq3A_149 = arith.cmpi eq, %get3A_14, %eq3A_148 : vector<16xi32>
      %convert_element_type3A_150 = arith.extui %eq3A_149 : vector<16xi1> to vector<16xi32>
      %broadcast_in_dim3A_151 = arith.constant true
      %broadcast_in_dim3A_152 = vector.broadcast %broadcast_in_dim3A_151 : i1 to vector<16xi1>
      %masked_cumsum3A_153 = tpu.scan <sum>, %convert_element_type3A_150 masked %broadcast_in_dim3A_152 : vector<16xi32>, vector<16xi1> -> vector<16xi32>
      %slice3A_154 = vector.extract_strided_slice %add3A_146 {offsets = [6], sizes = [1], strides = [1]} : vector<16xi32> to vector<1xi32>
      %squeeze3A_155 = vector.extract %slice3A_154[0] : i32 from vector<1xi32>
      %add3A_156 = vector.broadcast %squeeze3A_155 : i32 to vector<16xi32>
      %add3A_157 = arith.addi %add3A_156, %masked_cumsum3A_153 : vector<16xi32>
      %sub3A_158 = arith.constant 1 : i32
      %sub3A_159 = vector.broadcast %sub3A_158 : i32 to vector<16xi32>
      %sub3A_160 = arith.subi %add3A_157, %sub3A_159 : vector<16xi32>
      %select_n3A_161 = arith.select %eq3A_149, %sub3A_160, %select_n3A_138 : vector<16xi1>, vector<16xi32>
      %all_reduce_population_count3A_162 = tpu.all_reduce %eq3A_149 {dim = 0 : i64, kind = #tpu.reduction_kind<sum>} : vector<16xi1> -> vector<16xi32>
      %eq3A_163 = arith.constant 6 : i32
      %eq3A_164 = vector.broadcast %eq3A_163 : i32 to vector<16xi32>
      %eq3A_165 = arith.cmpi eq, %iota3A, %eq3A_164 : vector<16xi32>
      %broadcast_in_dim3A_166 = arith.constant 0 : i32
      %broadcast_in_dim3A_167 = vector.broadcast %broadcast_in_dim3A_166 : i32 to vector<16xi32>
      %select_n3A_168 = arith.select %eq3A_165, %all_reduce_population_count3A_162, %broadcast_in_dim3A_167 : vector<16xi1>, vector<16xi32>
      %add3A_169 = arith.addi %add3A_146, %select_n3A_168 : vector<16xi32>
      %eq3A_170 = arith.constant 7 : i32
      %eq3A_171 = vector.broadcast %eq3A_170 : i32 to vector<16xi32>
      %eq3A_172 = arith.cmpi eq, %get3A_14, %eq3A_171 : vector<16xi32>
      %convert_element_type3A_173 = arith.extui %eq3A_172 : vector<16xi1> to vector<16xi32>
      %broadcast_in_dim3A_174 = arith.constant true
      %broadcast_in_dim3A_175 = vector.broadcast %broadcast_in_dim3A_174 : i1 to vector<16xi1>
      %masked_cumsum3A_176 = tpu.scan <sum>, %convert_element_type3A_173 masked %broadcast_in_dim3A_175 : vector<16xi32>, vector<16xi1> -> vector<16xi32>
      %slice3A_177 = vector.extract_strided_slice %add3A_169 {offsets = [7], sizes = [1], strides = [1]} : vector<16xi32> to vector<1xi32>
      %squeeze3A_178 = vector.extract %slice3A_177[0] : i32 from vector<1xi32>
      %add3A_179 = vector.broadcast %squeeze3A_178 : i32 to vector<16xi32>
      %add3A_180 = arith.addi %add3A_179, %masked_cumsum3A_176 : vector<16xi32>
      %sub3A_181 = arith.constant 1 : i32
      %sub3A_182 = vector.broadcast %sub3A_181 : i32 to vector<16xi32>
      %sub3A_183 = arith.subi %add3A_180, %sub3A_182 : vector<16xi32>
      %select_n3A_184 = arith.select %eq3A_172, %sub3A_183, %select_n3A_161 : vector<16xi1>, vector<16xi32>
      %all_reduce_population_count3A_185 = tpu.all_reduce %eq3A_172 {dim = 0 : i64, kind = #tpu.reduction_kind<sum>} : vector<16xi1> -> vector<16xi32>
      %eq3A_186 = arith.constant 7 : i32
      %eq3A_187 = vector.broadcast %eq3A_186 : i32 to vector<16xi32>
      %eq3A_188 = arith.cmpi eq, %iota3A, %eq3A_187 : vector<16xi32>
      %broadcast_in_dim3A_189 = arith.constant 0 : i32
      %broadcast_in_dim3A_190 = vector.broadcast %broadcast_in_dim3A_189 : i32 to vector<16xi32>
      %select_n3A_191 = arith.select %eq3A_188, %all_reduce_population_count3A_185, %broadcast_in_dim3A_190 : vector<16xi1>, vector<16xi32>
      %add3A_192 = arith.addi %add3A_169, %select_n3A_191 : vector<16xi32>
      %eq3A_193 = arith.constant 8 : i32
      %eq3A_194 = vector.broadcast %eq3A_193 : i32 to vector<16xi32>
      %eq3A_195 = arith.cmpi eq, %get3A_14, %eq3A_194 : vector<16xi32>
      %convert_element_type3A_196 = arith.extui %eq3A_195 : vector<16xi1> to vector<16xi32>
      %broadcast_in_dim3A_197 = arith.constant true
      %broadcast_in_dim3A_198 = vector.broadcast %broadcast_in_dim3A_197 : i1 to vector<16xi1>
      %masked_cumsum3A_199 = tpu.scan <sum>, %convert_element_type3A_196 masked %broadcast_in_dim3A_198 : vector<16xi32>, vector<16xi1> -> vector<16xi32>
      %slice3A_200 = vector.extract_strided_slice %add3A_192 {offsets = [8], sizes = [1], strides = [1]} : vector<16xi32> to vector<1xi32>
      %squeeze3A_201 = vector.extract %slice3A_200[0] : i32 from vector<1xi32>
      %add3A_202 = vector.broadcast %squeeze3A_201 : i32 to vector<16xi32>
      %add3A_203 = arith.addi %add3A_202, %masked_cumsum3A_199 : vector<16xi32>
      %sub3A_204 = arith.constant 1 : i32
      %sub3A_205 = vector.broadcast %sub3A_204 : i32 to vector<16xi32>
      %sub3A_206 = arith.subi %add3A_203, %sub3A_205 : vector<16xi32>
      %select_n3A_207 = arith.select %eq3A_195, %sub3A_206, %select_n3A_184 : vector<16xi1>, vector<16xi32>
      %all_reduce_population_count3A_208 = tpu.all_reduce %eq3A_195 {dim = 0 : i64, kind = #tpu.reduction_kind<sum>} : vector<16xi1> -> vector<16xi32>
      %eq3A_209 = arith.constant 8 : i32
      %eq3A_210 = vector.broadcast %eq3A_209 : i32 to vector<16xi32>
      %eq3A_211 = arith.cmpi eq, %iota3A, %eq3A_210 : vector<16xi32>
      %broadcast_in_dim3A_212 = arith.constant 0 : i32
      %broadcast_in_dim3A_213 = vector.broadcast %broadcast_in_dim3A_212 : i32 to vector<16xi32>
      %select_n3A_214 = arith.select %eq3A_211, %all_reduce_population_count3A_208, %broadcast_in_dim3A_213 : vector<16xi1>, vector<16xi32>
      %add3A_215 = arith.addi %add3A_192, %select_n3A_214 : vector<16xi32>
      %eq3A_216 = arith.constant 9 : i32
      %eq3A_217 = vector.broadcast %eq3A_216 : i32 to vector<16xi32>
      %eq3A_218 = arith.cmpi eq, %get3A_14, %eq3A_217 : vector<16xi32>
      %convert_element_type3A_219 = arith.extui %eq3A_218 : vector<16xi1> to vector<16xi32>
      %broadcast_in_dim3A_220 = arith.constant true
      %broadcast_in_dim3A_221 = vector.broadcast %broadcast_in_dim3A_220 : i1 to vector<16xi1>
      %masked_cumsum3A_222 = tpu.scan <sum>, %convert_element_type3A_219 masked %broadcast_in_dim3A_221 : vector<16xi32>, vector<16xi1> -> vector<16xi32>
      %slice3A_223 = vector.extract_strided_slice %add3A_215 {offsets = [9], sizes = [1], strides = [1]} : vector<16xi32> to vector<1xi32>
      %squeeze3A_224 = vector.extract %slice3A_223[0] : i32 from vector<1xi32>
      %add3A_225 = vector.broadcast %squeeze3A_224 : i32 to vector<16xi32>
      %add3A_226 = arith.addi %add3A_225, %masked_cumsum3A_222 : vector<16xi32>
      %sub3A_227 = arith.constant 1 : i32
      %sub3A_228 = vector.broadcast %sub3A_227 : i32 to vector<16xi32>
      %sub3A_229 = arith.subi %add3A_226, %sub3A_228 : vector<16xi32>
      %select_n3A_230 = arith.select %eq3A_218, %sub3A_229, %select_n3A_207 : vector<16xi1>, vector<16xi32>
      %all_reduce_population_count3A_231 = tpu.all_reduce %eq3A_218 {dim = 0 : i64, kind = #tpu.reduction_kind<sum>} : vector<16xi1> -> vector<16xi32>
      %eq3A_232 = arith.constant 9 : i32
      %eq3A_233 = vector.broadcast %eq3A_232 : i32 to vector<16xi32>
      %eq3A_234 = arith.cmpi eq, %iota3A, %eq3A_233 : vector<16xi32>
      %broadcast_in_dim3A_235 = arith.constant 0 : i32
      %broadcast_in_dim3A_236 = vector.broadcast %broadcast_in_dim3A_235 : i32 to vector<16xi32>
      %select_n3A_237 = arith.select %eq3A_234, %all_reduce_population_count3A_231, %broadcast_in_dim3A_236 : vector<16xi1>, vector<16xi32>
      %add3A_238 = arith.addi %add3A_215, %select_n3A_237 : vector<16xi32>
      %eq3A_239 = arith.constant 10 : i32
      %eq3A_240 = vector.broadcast %eq3A_239 : i32 to vector<16xi32>
      %eq3A_241 = arith.cmpi eq, %get3A_14, %eq3A_240 : vector<16xi32>
      %convert_element_type3A_242 = arith.extui %eq3A_241 : vector<16xi1> to vector<16xi32>
      %broadcast_in_dim3A_243 = arith.constant true
      %broadcast_in_dim3A_244 = vector.broadcast %broadcast_in_dim3A_243 : i1 to vector<16xi1>
      %masked_cumsum3A_245 = tpu.scan <sum>, %convert_element_type3A_242 masked %broadcast_in_dim3A_244 : vector<16xi32>, vector<16xi1> -> vector<16xi32>
      %slice3A_246 = vector.extract_strided_slice %add3A_238 {offsets = [10], sizes = [1], strides = [1]} : vector<16xi32> to vector<1xi32>
      %squeeze3A_247 = vector.extract %slice3A_246[0] : i32 from vector<1xi32>
      %add3A_248 = vector.broadcast %squeeze3A_247 : i32 to vector<16xi32>
      %add3A_249 = arith.addi %add3A_248, %masked_cumsum3A_245 : vector<16xi32>
      %sub3A_250 = arith.constant 1 : i32
      %sub3A_251 = vector.broadcast %sub3A_250 : i32 to vector<16xi32>
      %sub3A_252 = arith.subi %add3A_249, %sub3A_251 : vector<16xi32>
      %select_n3A_253 = arith.select %eq3A_241, %sub3A_252, %select_n3A_230 : vector<16xi1>, vector<16xi32>
      %all_reduce_population_count3A_254 = tpu.all_reduce %eq3A_241 {dim = 0 : i64, kind = #tpu.reduction_kind<sum>} : vector<16xi1> -> vector<16xi32>
      %eq3A_255 = arith.constant 10 : i32
      %eq3A_256 = vector.broadcast %eq3A_255 : i32 to vector<16xi32>
      %eq3A_257 = arith.cmpi eq, %iota3A, %eq3A_256 : vector<16xi32>
      %broadcast_in_dim3A_258 = arith.constant 0 : i32
      %broadcast_in_dim3A_259 = vector.broadcast %broadcast_in_dim3A_258 : i32 to vector<16xi32>
      %select_n3A_260 = arith.select %eq3A_257, %all_reduce_population_count3A_254, %broadcast_in_dim3A_259 : vector<16xi1>, vector<16xi32>
      %add3A_261 = arith.addi %add3A_238, %select_n3A_260 : vector<16xi32>
      %eq3A_262 = arith.constant 11 : i32
      %eq3A_263 = vector.broadcast %eq3A_262 : i32 to vector<16xi32>
      %eq3A_264 = arith.cmpi eq, %get3A_14, %eq3A_263 : vector<16xi32>
      %convert_element_type3A_265 = arith.extui %eq3A_264 : vector<16xi1> to vector<16xi32>
      %broadcast_in_dim3A_266 = arith.constant true
      %broadcast_in_dim3A_267 = vector.broadcast %broadcast_in_dim3A_266 : i1 to vector<16xi1>
      %masked_cumsum3A_268 = tpu.scan <sum>, %convert_element_type3A_265 masked %broadcast_in_dim3A_267 : vector<16xi32>, vector<16xi1> -> vector<16xi32>
      %slice3A_269 = vector.extract_strided_slice %add3A_261 {offsets = [11], sizes = [1], strides = [1]} : vector<16xi32> to vector<1xi32>
      %squeeze3A_270 = vector.extract %slice3A_269[0] : i32 from vector<1xi32>
      %add3A_271 = vector.broadcast %squeeze3A_270 : i32 to vector<16xi32>
      %add3A_272 = arith.addi %add3A_271, %masked_cumsum3A_268 : vector<16xi32>
      %sub3A_273 = arith.constant 1 : i32
      %sub3A_274 = vector.broadcast %sub3A_273 : i32 to vector<16xi32>
      %sub3A_275 = arith.subi %add3A_272, %sub3A_274 : vector<16xi32>
      %select_n3A_276 = arith.select %eq3A_264, %sub3A_275, %select_n3A_253 : vector<16xi1>, vector<16xi32>
      %all_reduce_population_count3A_277 = tpu.all_reduce %eq3A_264 {dim = 0 : i64, kind = #tpu.reduction_kind<sum>} : vector<16xi1> -> vector<16xi32>
      %eq3A_278 = arith.constant 11 : i32
      %eq3A_279 = vector.broadcast %eq3A_278 : i32 to vector<16xi32>
      %eq3A_280 = arith.cmpi eq, %iota3A, %eq3A_279 : vector<16xi32>
      %broadcast_in_dim3A_281 = arith.constant 0 : i32
      %broadcast_in_dim3A_282 = vector.broadcast %broadcast_in_dim3A_281 : i32 to vector<16xi32>
      %select_n3A_283 = arith.select %eq3A_280, %all_reduce_population_count3A_277, %broadcast_in_dim3A_282 : vector<16xi1>, vector<16xi32>
      %add3A_284 = arith.addi %add3A_261, %select_n3A_283 : vector<16xi32>
      %eq3A_285 = arith.constant 12 : i32
      %eq3A_286 = vector.broadcast %eq3A_285 : i32 to vector<16xi32>
      %eq3A_287 = arith.cmpi eq, %get3A_14, %eq3A_286 : vector<16xi32>
      %convert_element_type3A_288 = arith.extui %eq3A_287 : vector<16xi1> to vector<16xi32>
      %broadcast_in_dim3A_289 = arith.constant true
      %broadcast_in_dim3A_290 = vector.broadcast %broadcast_in_dim3A_289 : i1 to vector<16xi1>
      %masked_cumsum3A_291 = tpu.scan <sum>, %convert_element_type3A_288 masked %broadcast_in_dim3A_290 : vector<16xi32>, vector<16xi1> -> vector<16xi32>
      %slice3A_292 = vector.extract_strided_slice %add3A_284 {offsets = [12], sizes = [1], strides = [1]} : vector<16xi32> to vector<1xi32>
      %squeeze3A_293 = vector.extract %slice3A_292[0] : i32 from vector<1xi32>
      %add3A_294 = vector.broadcast %squeeze3A_293 : i32 to vector<16xi32>
      %add3A_295 = arith.addi %add3A_294, %masked_cumsum3A_291 : vector<16xi32>
      %sub3A_296 = arith.constant 1 : i32
      %sub3A_297 = vector.broadcast %sub3A_296 : i32 to vector<16xi32>
      %sub3A_298 = arith.subi %add3A_295, %sub3A_297 : vector<16xi32>
      %select_n3A_299 = arith.select %eq3A_287, %sub3A_298, %select_n3A_276 : vector<16xi1>, vector<16xi32>
      %all_reduce_population_count3A_300 = tpu.all_reduce %eq3A_287 {dim = 0 : i64, kind = #tpu.reduction_kind<sum>} : vector<16xi1> -> vector<16xi32>
      %eq3A_301 = arith.constant 12 : i32
      %eq3A_302 = vector.broadcast %eq3A_301 : i32 to vector<16xi32>
      %eq3A_303 = arith.cmpi eq, %iota3A, %eq3A_302 : vector<16xi32>
      %broadcast_in_dim3A_304 = arith.constant 0 : i32
      %broadcast_in_dim3A_305 = vector.broadcast %broadcast_in_dim3A_304 : i32 to vector<16xi32>
      %select_n3A_306 = arith.select %eq3A_303, %all_reduce_population_count3A_300, %broadcast_in_dim3A_305 : vector<16xi1>, vector<16xi32>
      %add3A_307 = arith.addi %add3A_284, %select_n3A_306 : vector<16xi32>
      %eq3A_308 = arith.constant 13 : i32
      %eq3A_309 = vector.broadcast %eq3A_308 : i32 to vector<16xi32>
      %eq3A_310 = arith.cmpi eq, %get3A_14, %eq3A_309 : vector<16xi32>
      %convert_element_type3A_311 = arith.extui %eq3A_310 : vector<16xi1> to vector<16xi32>
      %broadcast_in_dim3A_312 = arith.constant true
      %broadcast_in_dim3A_313 = vector.broadcast %broadcast_in_dim3A_312 : i1 to vector<16xi1>
      %masked_cumsum3A_314 = tpu.scan <sum>, %convert_element_type3A_311 masked %broadcast_in_dim3A_313 : vector<16xi32>, vector<16xi1> -> vector<16xi32>
      %slice3A_315 = vector.extract_strided_slice %add3A_307 {offsets = [13], sizes = [1], strides = [1]} : vector<16xi32> to vector<1xi32>
      %squeeze3A_316 = vector.extract %slice3A_315[0] : i32 from vector<1xi32>
      %add3A_317 = vector.broadcast %squeeze3A_316 : i32 to vector<16xi32>
      %add3A_318 = arith.addi %add3A_317, %masked_cumsum3A_314 : vector<16xi32>
      %sub3A_319 = arith.constant 1 : i32
      %sub3A_320 = vector.broadcast %sub3A_319 : i32 to vector<16xi32>
      %sub3A_321 = arith.subi %add3A_318, %sub3A_320 : vector<16xi32>
      %select_n3A_322 = arith.select %eq3A_310, %sub3A_321, %select_n3A_299 : vector<16xi1>, vector<16xi32>
      %all_reduce_population_count3A_323 = tpu.all_reduce %eq3A_310 {dim = 0 : i64, kind = #tpu.reduction_kind<sum>} : vector<16xi1> -> vector<16xi32>
      %eq3A_324 = arith.constant 13 : i32
      %eq3A_325 = vector.broadcast %eq3A_324 : i32 to vector<16xi32>
      %eq3A_326 = arith.cmpi eq, %iota3A, %eq3A_325 : vector<16xi32>
      %broadcast_in_dim3A_327 = arith.constant 0 : i32
      %broadcast_in_dim3A_328 = vector.broadcast %broadcast_in_dim3A_327 : i32 to vector<16xi32>
      %select_n3A_329 = arith.select %eq3A_326, %all_reduce_population_count3A_323, %broadcast_in_dim3A_328 : vector<16xi1>, vector<16xi32>
      %add3A_330 = arith.addi %add3A_307, %select_n3A_329 : vector<16xi32>
      %eq3A_331 = arith.constant 14 : i32
      %eq3A_332 = vector.broadcast %eq3A_331 : i32 to vector<16xi32>
      %eq3A_333 = arith.cmpi eq, %get3A_14, %eq3A_332 : vector<16xi32>
      %convert_element_type3A_334 = arith.extui %eq3A_333 : vector<16xi1> to vector<16xi32>
      %broadcast_in_dim3A_335 = arith.constant true
      %broadcast_in_dim3A_336 = vector.broadcast %broadcast_in_dim3A_335 : i1 to vector<16xi1>
      %masked_cumsum3A_337 = tpu.scan <sum>, %convert_element_type3A_334 masked %broadcast_in_dim3A_336 : vector<16xi32>, vector<16xi1> -> vector<16xi32>
      %slice3A_338 = vector.extract_strided_slice %add3A_330 {offsets = [14], sizes = [1], strides = [1]} : vector<16xi32> to vector<1xi32>
      %squeeze3A_339 = vector.extract %slice3A_338[0] : i32 from vector<1xi32>
      %add3A_340 = vector.broadcast %squeeze3A_339 : i32 to vector<16xi32>
      %add3A_341 = arith.addi %add3A_340, %masked_cumsum3A_337 : vector<16xi32>
      %sub3A_342 = arith.constant 1 : i32
      %sub3A_343 = vector.broadcast %sub3A_342 : i32 to vector<16xi32>
      %sub3A_344 = arith.subi %add3A_341, %sub3A_343 : vector<16xi32>
      %select_n3A_345 = arith.select %eq3A_333, %sub3A_344, %select_n3A_322 : vector<16xi1>, vector<16xi32>
      %all_reduce_population_count3A_346 = tpu.all_reduce %eq3A_333 {dim = 0 : i64, kind = #tpu.reduction_kind<sum>} : vector<16xi1> -> vector<16xi32>
      %eq3A_347 = arith.constant 14 : i32
      %eq3A_348 = vector.broadcast %eq3A_347 : i32 to vector<16xi32>
      %eq3A_349 = arith.cmpi eq, %iota3A, %eq3A_348 : vector<16xi32>
      %broadcast_in_dim3A_350 = arith.constant 0 : i32
      %broadcast_in_dim3A_351 = vector.broadcast %broadcast_in_dim3A_350 : i32 to vector<16xi32>
      %select_n3A_352 = arith.select %eq3A_349, %all_reduce_population_count3A_346, %broadcast_in_dim3A_351 : vector<16xi1>, vector<16xi32>
      %add3A_353 = arith.addi %add3A_330, %select_n3A_352 : vector<16xi32>
      %eq3A_354 = arith.constant 15 : i32
      %eq3A_355 = vector.broadcast %eq3A_354 : i32 to vector<16xi32>
      %eq3A_356 = arith.cmpi eq, %get3A_14, %eq3A_355 : vector<16xi32>
      %convert_element_type3A_357 = arith.extui %eq3A_356 : vector<16xi1> to vector<16xi32>
      %broadcast_in_dim3A_358 = arith.constant true
      %broadcast_in_dim3A_359 = vector.broadcast %broadcast_in_dim3A_358 : i1 to vector<16xi1>
      %masked_cumsum3A_360 = tpu.scan <sum>, %convert_element_type3A_357 masked %broadcast_in_dim3A_359 : vector<16xi32>, vector<16xi1> -> vector<16xi32>
      %slice3A_361 = vector.extract_strided_slice %add3A_353 {offsets = [15], sizes = [1], strides = [1]} : vector<16xi32> to vector<1xi32>
      %squeeze3A_362 = vector.extract %slice3A_361[0] : i32 from vector<1xi32>
      %add3A_363 = vector.broadcast %squeeze3A_362 : i32 to vector<16xi32>
      %add3A_364 = arith.addi %add3A_363, %masked_cumsum3A_360 : vector<16xi32>
      %sub3A_365 = arith.constant 1 : i32
      %sub3A_366 = vector.broadcast %sub3A_365 : i32 to vector<16xi32>
      %sub3A_367 = arith.subi %add3A_364, %sub3A_366 : vector<16xi32>
      %select_n3A_368 = arith.select %eq3A_356, %sub3A_367, %select_n3A_345 : vector<16xi1>, vector<16xi32>
      %all_reduce_population_count3A_369 = tpu.all_reduce %eq3A_356 {dim = 0 : i64, kind = #tpu.reduction_kind<sum>} : vector<16xi1> -> vector<16xi32>
      %eq3A_370 = arith.constant 15 : i32
      %eq3A_371 = vector.broadcast %eq3A_370 : i32 to vector<16xi32>
      %eq3A_372 = arith.cmpi eq, %iota3A, %eq3A_371 : vector<16xi32>
      %broadcast_in_dim3A_373 = arith.constant 0 : i32
      %broadcast_in_dim3A_374 = vector.broadcast %broadcast_in_dim3A_373 : i32 to vector<16xi32>
      %select_n3A_375 = arith.select %eq3A_372, %all_reduce_population_count3A_369, %broadcast_in_dim3A_374 : vector<16xi1>, vector<16xi32>
      %add3A_376 = arith.addi %add3A_353, %select_n3A_375 : vector<16xi32>
      %mul3A_377 = arith.constant 16 : i32
      %mul3A_378 = arith.muli %scan3A_10, %mul3A_377 : i32
      %swap3A_379 = arith.index_cast %mul3A_378 : i32 to index
      %swap3A_380 = tpu.vector_load %arg6[%swap3A_379] {strides = array<i32>} : memref<256xi32, #tpu.memory_space<vmem>>, vector<16xi32>,
      tpu.vector_store %arg6[%swap3A_379], %select_n3A_368 {strides = array<i32>} : memref<256xi32, #tpu.memory_space<vmem>>, vector<16xi32>,
      scf.yield %add3A_376 : vector<16xi32>
    }
    %scan3A_8 = arith.constant 16 : i32
    %swap3A = arith.constant 0 : index
    %swap3A_9 = tpu.vector_load %arg7[%swap3A] {strides = array<i32>} : memref<16xi32, #tpu.memory_space<vmem>>, vector<16xi32>,
    tpu.vector_store %arg7[%swap3A], %scan3A_7 {strides = array<i32>} : memref<16xi32, #tpu.memory_space<vmem>>, vector<16xi32>,
    "tpu.region"() ({
      %run_scoped3A = tpu.sem_alloc : memref<!tpu.dma_semaphore, #tpu.memory_space<semaphore_mem>>
      %dma_start3A = arith.constant 0 : i32
      %dma_start3A_10 = tpu.memref_slice %arg4[%add3A, %dma_start3A] : memref<32x256xi32, #tpu.memory_space<hbm>> -> memref<1x256xi32, #tpu.memory_space<hbm>>
      %dma_start3A_11 = tpu.memref_squeeze %dma_start3A_10 : memref<1x256xi32, #tpu.memory_space<hbm>> -> memref<256xi32, #tpu.memory_space<hbm>>
      %dma_start3A_12 = arith.constant 0 : i32
      %dma_start3A_13 = tpu.memref_slice %arg4[%add3A, %dma_start3A_12] : memref<32x256xi32, #tpu.memory_space<hbm>> -> memref<1x256xi32, #tpu.memory_space<hbm>>
      %dma_start3A_14 = tpu.memref_squeeze %dma_start3A_13 : memref<1x256xi32, #tpu.memory_space<hbm>> -> memref<256xi32, #tpu.memory_space<hbm>>
      tpu.enqueue_dma source(%arg6 : memref<256xi32, #tpu.memory_space<vmem>>) target(%dma_start3A_14 : memref<256xi32, #tpu.memory_space<hbm>>) target_semaphore(%run_scoped3A : memref<!tpu.dma_semaphore, #tpu.memory_space<semaphore_mem>>)
      %dma_wait3A = arith.constant 0 : i32
      %dma_wait3A_15 = tpu.memref_slice %arg4[%add3A, %dma_wait3A] : memref<32x256xi32, #tpu.memory_space<hbm>> -> memref<1x256xi32, #tpu.memory_space<hbm>>
      %dma_wait3A_16 = tpu.memref_squeeze %dma_wait3A_15 : memref<1x256xi32, #tpu.memory_space<hbm>> -> memref<256xi32, #tpu.memory_space<hbm>>
      %dma_wait3A_17 = arith.constant 0 : i32
      %dma_wait3A_18 = tpu.memref_slice %arg4[%add3A, %dma_wait3A_17] : memref<32x256xi32, #tpu.memory_space<hbm>> -> memref<1x256xi32, #tpu.memory_space<hbm>>
      %dma_wait3A_19 = tpu.memref_squeeze %dma_wait3A_18 : memref<1x256xi32, #tpu.memory_space<hbm>> -> memref<256xi32, #tpu.memory_space<hbm>>
      tpu.wait_dma2 semaphore(%run_scoped3A : memref<!tpu.dma_semaphore, #tpu.memory_space<semaphore_mem>>) src(%arg6 : memref<256xi32, #tpu.memory_space<vmem>>) dst(%dma_wait3A_19 : memref<256xi32, #tpu.memory_space<hbm>>)
      tpu.yield
    }) : () -> ()
    "tpu.region"() ({
      %run_scoped3A = tpu.sem_alloc : memref<!tpu.dma_semaphore, #tpu.memory_space<semaphore_mem>>
      %dma_start3A = arith.constant 0 : i32
      %dma_start3A_10 = tpu.memref_slice %arg3[%add3A, %dma_start3A] : memref<32x16xi32, #tpu.memory_space<hbm>> -> memref<1x16xi32, #tpu.memory_space<hbm>>
      %dma_start3A_11 = tpu.memref_squeeze %dma_start3A_10 : memref<1x16xi32, #tpu.memory_space<hbm>> -> memref<16xi32, #tpu.memory_space<hbm>>
      %dma_start3A_12 = arith.constant 0 : i32
      %dma_start3A_13 = tpu.memref_slice %arg3[%add3A, %dma_start3A_12] : memref<32x16xi32, #tpu.memory_space<hbm>> -> memref<1x16xi32, #tpu.memory_space<hbm>>
      %dma_start3A_14 = tpu.memref_squeeze %dma_start3A_13 : memref<1x16xi32, #tpu.memory_space<hbm>> -> memref<16xi32, #tpu.memory_space<hbm>>
      tpu.enqueue_dma source(%arg7 : memref<16xi32, #tpu.memory_space<vmem>>) target(%dma_start3A_14 : memref<16xi32, #tpu.memory_space<hbm>>) target_semaphore(%run_scoped3A : memref<!tpu.dma_semaphore, #tpu.memory_space<semaphore_mem>>)
      %dma_wait3A = arith.constant 0 : i32
      %dma_wait3A_15 = tpu.memref_slice %arg3[%add3A, %dma_wait3A] : memref<32x16xi32, #tpu.memory_space<hbm>> -> memref<1x16xi32, #tpu.memory_space<hbm>>
      %dma_wait3A_16 = tpu.memref_squeeze %dma_wait3A_15 : memref<1x16xi32, #tpu.memory_space<hbm>> -> memref<16xi32, #tpu.memory_space<hbm>>
      %dma_wait3A_17 = arith.constant 0 : i32
      %dma_wait3A_18 = tpu.memref_slice %arg3[%add3A, %dma_wait3A_17] : memref<32x16xi32, #tpu.memory_space<hbm>> -> memref<1x16xi32, #tpu.memory_space<hbm>>
      %dma_wait3A_19 = tpu.memref_squeeze %dma_wait3A_18 : memref<1x16xi32, #tpu.memory_space<hbm>> -> memref<16xi32, #tpu.memory_space<hbm>>
      tpu.wait_dma2 semaphore(%run_scoped3A : memref<!tpu.dma_semaphore, #tpu.memory_space<semaphore_mem>>) src(%arg7 : memref<16xi32, #tpu.memory_space<vmem>>) dst(%dma_wait3A_19 : memref<16xi32, #tpu.memory_space<hbm>>)
      tpu.yield
    }) : () -> ()
    return
  }
}

#map = affine_map<(d0, d1) -> (0, 0, 0)>
#map1 = affine_map<(d0, d1) -> (0, 0)>
module attributes {stable_mosaic.version = 14 : i64} {
  func.func @k(%arg0: i32, %arg1: i32, %arg2: memref<32x8x32xi32, #tpu.memory_space<hbm>>, %arg3: memref<16384x128xf32, #tpu.memory_space<hbm>>, %arg4: memref<8192x128xf32, #tpu.memory_space<hbm>>, %arg5: memref<8x32xi32, #tpu.memory_space<vmem>>, %arg6: memref<32x128xf32, #tpu.memory_space<vmem>>, %arg7: memref<32x128xf32, #tpu.memory_space<vmem>>, %arg8: memref<!tpu.dma_semaphore, #tpu.memory_space<semaphore_mem>>, %arg9: memref<!tpu.dma_semaphore, #tpu.memory_space<semaphore_mem>>) attributes {dimension_semantics = [#tpu.dimension_semantics<core_parallel>, #tpu.dimension_semantics<subcore_parallel>], iteration_bounds = array<i64: 2, 16>, scalar_prefetch = 0 : i64, scratch_operands = 5 : i64, tpu.core_type = #tpu.core_type<sc_vector_subcore>, window_params = [{transform_indices = #map}, {transform_indices = #map1}, {transform_indices = #map1}]} {
    %mul3A = arith.constant 2 : i32
    %mul3A_0 = arith.muli %arg1, %mul3A : i32
    %add3A = arith.addi %mul3A_0, %arg0 : i32
    "tpu.region"() ({
      %run_scoped3A = tpu.sem_alloc : memref<!tpu.dma_semaphore, #tpu.memory_space<semaphore_mem>>
      %dma_start3A_143 = arith.constant 0 : i32
      %dma_start3A_144 = arith.constant 0 : i32
      %dma_start3A_145 = tpu.memref_slice %arg2[%add3A, %dma_start3A_143, %dma_start3A_144] : memref<32x8x32xi32, #tpu.memory_space<hbm>> -> memref<1x8x32xi32, #tpu.memory_space<hbm>>
      %dma_start3A_146 = tpu.memref_squeeze %dma_start3A_145 : memref<1x8x32xi32, #tpu.memory_space<hbm>> -> memref<8x32xi32, #tpu.memory_space<hbm>>
      %dma_start3A_147 = arith.constant 0 : i32
      %dma_start3A_148 = arith.constant 0 : i32
      %dma_start3A_149 = tpu.memref_slice %arg2[%add3A, %dma_start3A_147, %dma_start3A_148] : memref<32x8x32xi32, #tpu.memory_space<hbm>> -> memref<1x8x32xi32, #tpu.memory_space<hbm>>
      %dma_start3A_150 = tpu.memref_squeeze %dma_start3A_149 : memref<1x8x32xi32, #tpu.memory_space<hbm>> -> memref<8x32xi32, #tpu.memory_space<hbm>>
      tpu.enqueue_dma source(%dma_start3A_150 : memref<8x32xi32, #tpu.memory_space<hbm>>) target(%arg5 : memref<8x32xi32, #tpu.memory_space<vmem>>) target_semaphore(%run_scoped3A : memref<!tpu.dma_semaphore, #tpu.memory_space<semaphore_mem>>)
      %dma_wait3A_151 = arith.constant 0 : i32
      %dma_wait3A_152 = arith.constant 0 : i32
      %dma_wait3A_153 = tpu.memref_slice %arg2[%add3A, %dma_wait3A_151, %dma_wait3A_152] : memref<32x8x32xi32, #tpu.memory_space<hbm>> -> memref<1x8x32xi32, #tpu.memory_space<hbm>>
      %dma_wait3A_154 = tpu.memref_squeeze %dma_wait3A_153 : memref<1x8x32xi32, #tpu.memory_space<hbm>> -> memref<8x32xi32, #tpu.memory_space<hbm>>
      %dma_wait3A_155 = arith.constant 0 : i32
      %dma_wait3A_156 = arith.constant 0 : i32
      %dma_wait3A_157 = tpu.memref_slice %arg2[%add3A, %dma_wait3A_155, %dma_wait3A_156] : memref<32x8x32xi32, #tpu.memory_space<hbm>> -> memref<1x8x32xi32, #tpu.memory_space<hbm>>
      %dma_wait3A_158 = tpu.memref_squeeze %dma_wait3A_157 : memref<1x8x32xi32, #tpu.memory_space<hbm>> -> memref<8x32xi32, #tpu.memory_space<hbm>>
      tpu.wait_dma2 semaphore(%run_scoped3A : memref<!tpu.dma_semaphore, #tpu.memory_space<semaphore_mem>>) src(%dma_wait3A_158 : memref<8x32xi32, #tpu.memory_space<hbm>>) dst(%arg5 : memref<8x32xi32, #tpu.memory_space<vmem>>)
      tpu.yield
    }) : () -> ()
    %dma_start3A = arith.constant 0 : i32
    %dma_start3A_1 = arith.constant 0 : i32
    %dma_start3A_2 = tpu.memref_slice %arg5[%dma_start3A, %dma_start3A_1] : memref<8x32xi32, #tpu.memory_space<vmem>> -> memref<1x32xi32, #tpu.memory_space<vmem>>
    %dma_start3A_3 = tpu.memref_squeeze %dma_start3A_2 : memref<1x32xi32, #tpu.memory_space<vmem>> -> memref<32xi32, #tpu.memory_space<vmem>>
    %dma_start3A_4 = arith.constant 0 : i32
    %dma_start3A_5 = arith.constant 0 : i32
    %dma_start3A_6 = tpu.memref_slice %arg3[%dma_start3A_4, %dma_start3A_5] : memref<16384x128xf32, #tpu.memory_space<hbm>> -> memref<16384x128xf32, #tpu.memory_space<hbm>>
    tpu.enqueue_indirect_dma source(%dma_start3A_6 : memref<16384x128xf32, #tpu.memory_space<hbm>>) target(%arg6 : memref<32x128xf32, #tpu.memory_space<vmem>>) offsets(%dma_start3A_3 : memref<32xi32, #tpu.memory_space<vmem>>) semaphore(%arg8 : memref<!tpu.dma_semaphore, #tpu.memory_space<semaphore_mem>>)
    %dma_start3A_7 = arith.constant 1 : i32
    %dma_start3A_8 = arith.constant 0 : i32
    %dma_start3A_9 = tpu.memref_slice %arg5[%dma_start3A_7, %dma_start3A_8] : memref<8x32xi32, #tpu.memory_space<vmem>> -> memref<1x32xi32, #tpu.memory_space<vmem>>
    %dma_start3A_10 = tpu.memref_squeeze %dma_start3A_9 : memref<1x32xi32, #tpu.memory_space<vmem>> -> memref<32xi32, #tpu.memory_space<vmem>>
    %dma_start3A_11 = arith.constant 0 : i32
    %dma_start3A_12 = arith.constant 0 : i32
    %dma_start3A_13 = tpu.memref_slice %arg3[%dma_start3A_11, %dma_start3A_12] : memref<16384x128xf32, #tpu.memory_space<hbm>> -> memref<16384x128xf32, #tpu.memory_space<hbm>>
    tpu.enqueue_indirect_dma source(%dma_start3A_13 : memref<16384x128xf32, #tpu.memory_space<hbm>>) target(%arg7 : memref<32x128xf32, #tpu.memory_space<vmem>>) offsets(%dma_start3A_10 : memref<32xi32, #tpu.memory_space<vmem>>) semaphore(%arg9 : memref<!tpu.dma_semaphore, #tpu.memory_space<semaphore_mem>>)
    %dma_wait3A = arith.constant 0 : i32
    %dma_wait3A_14 = arith.constant 0 : i32
    %dma_wait3A_15 = tpu.memref_slice %arg5[%dma_wait3A, %dma_wait3A_14] : memref<8x32xi32, #tpu.memory_space<vmem>> -> memref<1x32xi32, #tpu.memory_space<vmem>>
    %dma_wait3A_16 = tpu.memref_squeeze %dma_wait3A_15 : memref<1x32xi32, #tpu.memory_space<vmem>> -> memref<32xi32, #tpu.memory_space<vmem>>
    %dma_wait3A_17 = arith.constant 0 : i32
    %dma_wait3A_18 = arith.constant 0 : i32
    %dma_wait3A_19 = tpu.memref_slice %arg3[%dma_wait3A_17, %dma_wait3A_18] : memref<16384x128xf32, #tpu.memory_space<hbm>> -> memref<16384x128xf32, #tpu.memory_space<hbm>>
    tpu.wait_indirect_dma semaphore(%arg8 : memref<!tpu.dma_semaphore, #tpu.memory_space<semaphore_mem>>) src(%dma_wait3A_19 : memref<16384x128xf32, #tpu.memory_space<hbm>>) dst(%arg6 : memref<32x128xf32, #tpu.memory_space<vmem>>)
    %mul3A_20 = arith.constant 256 : i32
    %mul3A_21 = arith.muli %add3A, %mul3A_20 : i32
    %add3A_22 = arith.constant 0 : i32
    %add3A_23 = arith.addi %mul3A_21, %add3A_22 : i32
    "tpu.region"() ({
      %run_scoped3A = tpu.sem_alloc : memref<!tpu.dma_semaphore, #tpu.memory_space<semaphore_mem>>
      %dma_start3A_143 = arith.constant 0 : i32
      %dma_start3A_144 = tpu.memref_slice %arg4[%add3A_23, %dma_start3A_143] : memref<8192x128xf32, #tpu.memory_space<hbm>> -> memref<32x128xf32, #tpu.memory_space<hbm>>
      %dma_start3A_145 = arith.constant 0 : i32
      %dma_start3A_146 = tpu.memref_slice %arg4[%add3A_23, %dma_start3A_145] : memref<8192x128xf32, #tpu.memory_space<hbm>> -> memref<32x128xf32, #tpu.memory_space<hbm>>
      tpu.enqueue_dma source(%arg6 : memref<32x128xf32, #tpu.memory_space<vmem>>) target(%dma_start3A_146 : memref<32x128xf32, #tpu.memory_space<hbm>>) target_semaphore(%run_scoped3A : memref<!tpu.dma_semaphore, #tpu.memory_space<semaphore_mem>>)
      %dma_wait3A_147 = arith.constant 0 : i32
      %dma_wait3A_148 = tpu.memref_slice %arg4[%add3A_23, %dma_wait3A_147] : memref<8192x128xf32, #tpu.memory_space<hbm>> -> memref<32x128xf32, #tpu.memory_space<hbm>>
      %dma_wait3A_149 = arith.constant 0 : i32
      %dma_wait3A_150 = tpu.memref_slice %arg4[%add3A_23, %dma_wait3A_149] : memref<8192x128xf32, #tpu.memory_space<hbm>> -> memref<32x128xf32, #tpu.memory_space<hbm>>
      tpu.wait_dma2 semaphore(%run_scoped3A : memref<!tpu.dma_semaphore, #tpu.memory_space<semaphore_mem>>) src(%arg6 : memref<32x128xf32, #tpu.memory_space<vmem>>) dst(%dma_wait3A_150 : memref<32x128xf32, #tpu.memory_space<hbm>>)
      tpu.yield
    }) : () -> ()
    %dma_start3A_24 = arith.constant 2 : i32
    %dma_start3A_25 = arith.constant 0 : i32
    %dma_start3A_26 = tpu.memref_slice %arg5[%dma_start3A_24, %dma_start3A_25] : memref<8x32xi32, #tpu.memory_space<vmem>> -> memref<1x32xi32, #tpu.memory_space<vmem>>
    %dma_start3A_27 = tpu.memref_squeeze %dma_start3A_26 : memref<1x32xi32, #tpu.memory_space<vmem>> -> memref<32xi32, #tpu.memory_space<vmem>>
    %dma_start3A_28 = arith.constant 0 : i32
    %dma_start3A_29 = arith.constant 0 : i32
    %dma_start3A_30 = tpu.memref_slice %arg3[%dma_start3A_28, %dma_start3A_29] : memref<16384x128xf32, #tpu.memory_space<hbm>> -> memref<16384x128xf32, #tpu.memory_space<hbm>>
    tpu.enqueue_indirect_dma source(%dma_start3A_30 : memref<16384x128xf32, #tpu.memory_space<hbm>>) target(%arg6 : memref<32x128xf32, #tpu.memory_space<vmem>>) offsets(%dma_start3A_27 : memref<32xi32, #tpu.memory_space<vmem>>) semaphore(%arg8 : memref<!tpu.dma_semaphore, #tpu.memory_space<semaphore_mem>>)
    %dma_wait3A_31 = arith.constant 1 : i32
    %dma_wait3A_32 = arith.constant 0 : i32
    %dma_wait3A_33 = tpu.memref_slice %arg5[%dma_wait3A_31, %dma_wait3A_32] : memref<8x32xi32, #tpu.memory_space<vmem>> -> memref<1x32xi32, #tpu.memory_space<vmem>>
    %dma_wait3A_34 = tpu.memref_squeeze %dma_wait3A_33 : memref<1x32xi32, #tpu.memory_space<vmem>> -> memref<32xi32, #tpu.memory_space<vmem>>
    %dma_wait3A_35 = arith.constant 0 : i32
    %dma_wait3A_36 = arith.constant 0 : i32
    %dma_wait3A_37 = tpu.memref_slice %arg3[%dma_wait3A_35, %dma_wait3A_36] : memref<16384x128xf32, #tpu.memory_space<hbm>> -> memref<16384x128xf32, #tpu.memory_space<hbm>>
    tpu.wait_indirect_dma semaphore(%arg9 : memref<!tpu.dma_semaphore, #tpu.memory_space<semaphore_mem>>) src(%dma_wait3A_37 : memref<16384x128xf32, #tpu.memory_space<hbm>>) dst(%arg7 : memref<32x128xf32, #tpu.memory_space<vmem>>)
    %mul3A_38 = arith.constant 256 : i32
    %mul3A_39 = arith.muli %add3A, %mul3A_38 : i32
    %add3A_40 = arith.constant 32 : i32
    %add3A_41 = arith.addi %mul3A_39, %add3A_40 : i32
    "tpu.region"() ({
      %run_scoped3A = tpu.sem_alloc : memref<!tpu.dma_semaphore, #tpu.memory_space<semaphore_mem>>
      %dma_start3A_143 = arith.constant 0 : i32
      %dma_start3A_144 = tpu.memref_slice %arg4[%add3A_41, %dma_start3A_143] : memref<8192x128xf32, #tpu.memory_space<hbm>> -> memref<32x128xf32, #tpu.memory_space<hbm>>
      %dma_start3A_145 = arith.constant 0 : i32
      %dma_start3A_146 = tpu.memref_slice %arg4[%add3A_41, %dma_start3A_145] : memref<8192x128xf32, #tpu.memory_space<hbm>> -> memref<32x128xf32, #tpu.memory_space<hbm>>
      tpu.enqueue_dma source(%arg7 : memref<32x128xf32, #tpu.memory_space<vmem>>) target(%dma_start3A_146 : memref<32x128xf32, #tpu.memory_space<hbm>>) target_semaphore(%run_scoped3A : memref<!tpu.dma_semaphore, #tpu.memory_space<semaphore_mem>>)
      %dma_wait3A_147 = arith.constant 0 : i32
      %dma_wait3A_148 = tpu.memref_slice %arg4[%add3A_41, %dma_wait3A_147] : memref<8192x128xf32, #tpu.memory_space<hbm>> -> memref<32x128xf32, #tpu.memory_space<hbm>>
      %dma_wait3A_149 = arith.constant 0 : i32
      %dma_wait3A_150 = tpu.memref_slice %arg4[%add3A_41, %dma_wait3A_149] : memref<8192x128xf32, #tpu.memory_space<hbm>> -> memref<32x128xf32, #tpu.memory_space<hbm>>
      tpu.wait_dma2 semaphore(%run_scoped3A : memref<!tpu.dma_semaphore, #tpu.memory_space<semaphore_mem>>) src(%arg7 : memref<32x128xf32, #tpu.memory_space<vmem>>) dst(%dma_wait3A_150 : memref<32x128xf32, #tpu.memory_space<hbm>>)
      tpu.yield
    }) : () -> ()
    %dma_start3A_42 = arith.constant 3 : i32
    %dma_start3A_43 = arith.constant 0 : i32
    %dma_start3A_44 = tpu.memref_slice %arg5[%dma_start3A_42, %dma_start3A_43] : memref<8x32xi32, #tpu.memory_space<vmem>> -> memref<1x32xi32, #tpu.memory_space<vmem>>
    %dma_start3A_45 = tpu.memref_squeeze %dma_start3A_44 : memref<1x32xi32, #tpu.memory_space<vmem>> -> memref<32xi32, #tpu.memory_space<vmem>>
    %dma_start3A_46 = arith.constant 0 : i32
    %dma_start3A_47 = arith.constant 0 : i32
    %dma_start3A_48 = tpu.memref_slice %arg3[%dma_start3A_46, %dma_start3A_47] : memref<16384x128xf32, #tpu.memory_space<hbm>> -> memref<16384x128xf32, #tpu.memory_space<hbm>>
    tpu.enqueue_indirect_dma source(%dma_start3A_48 : memref<16384x128xf32, #tpu.memory_space<hbm>>) target(%arg7 : memref<32x128xf32, #tpu.memory_space<vmem>>) offsets(%dma_start3A_45 : memref<32xi32, #tpu.memory_space<vmem>>) semaphore(%arg9 : memref<!tpu.dma_semaphore, #tpu.memory_space<semaphore_mem>>)
    %dma_wait3A_49 = arith.constant 2 : i32
    %dma_wait3A_50 = arith.constant 0 : i32
    %dma_wait3A_51 = tpu.memref_slice %arg5[%dma_wait3A_49, %dma_wait3A_50] : memref<8x32xi32, #tpu.memory_space<vmem>> -> memref<1x32xi32, #tpu.memory_space<vmem>>
    %dma_wait3A_52 = tpu.memref_squeeze %dma_wait3A_51 : memref<1x32xi32, #tpu.memory_space<vmem>> -> memref<32xi32, #tpu.memory_space<vmem>>
    %dma_wait3A_53 = arith.constant 0 : i32
    %dma_wait3A_54 = arith.constant 0 : i32
    %dma_wait3A_55 = tpu.memref_slice %arg3[%dma_wait3A_53, %dma_wait3A_54] : memref<16384x128xf32, #tpu.memory_space<hbm>> -> memref<16384x128xf32, #tpu.memory_space<hbm>>
    tpu.wait_indirect_dma semaphore(%arg8 : memref<!tpu.dma_semaphore, #tpu.memory_space<semaphore_mem>>) src(%dma_wait3A_55 : memref<16384x128xf32, #tpu.memory_space<hbm>>) dst(%arg6 : memref<32x128xf32, #tpu.memory_space<vmem>>)
    %mul3A_56 = arith.constant 256 : i32
    %mul3A_57 = arith.muli %add3A, %mul3A_56 : i32
    %add3A_58 = arith.constant 64 : i32
    %add3A_59 = arith.addi %mul3A_57, %add3A_58 : i32
    "tpu.region"() ({
      %run_scoped3A = tpu.sem_alloc : memref<!tpu.dma_semaphore, #tpu.memory_space<semaphore_mem>>
      %dma_start3A_143 = arith.constant 0 : i32
      %dma_start3A_144 = tpu.memref_slice %arg4[%add3A_59, %dma_start3A_143] : memref<8192x128xf32, #tpu.memory_space<hbm>> -> memref<32x128xf32, #tpu.memory_space<hbm>>
      %dma_start3A_145 = arith.constant 0 : i32
      %dma_start3A_146 = tpu.memref_slice %arg4[%add3A_59, %dma_start3A_145] : memref<8192x128xf32, #tpu.memory_space<hbm>> -> memref<32x128xf32, #tpu.memory_space<hbm>>
      tpu.enqueue_dma source(%arg6 : memref<32x128xf32, #tpu.memory_space<vmem>>) target(%dma_start3A_146 : memref<32x128xf32, #tpu.memory_space<hbm>>) target_semaphore(%run_scoped3A : memref<!tpu.dma_semaphore, #tpu.memory_space<semaphore_mem>>)
      %dma_wait3A_147 = arith.constant 0 : i32
      %dma_wait3A_148 = tpu.memref_slice %arg4[%add3A_59, %dma_wait3A_147] : memref<8192x128xf32, #tpu.memory_space<hbm>> -> memref<32x128xf32, #tpu.memory_space<hbm>>
      %dma_wait3A_149 = arith.constant 0 : i32
      %dma_wait3A_150 = tpu.memref_slice %arg4[%add3A_59, %dma_wait3A_149] : memref<8192x128xf32, #tpu.memory_space<hbm>> -> memref<32x128xf32, #tpu.memory_space<hbm>>
      tpu.wait_dma2 semaphore(%run_scoped3A : memref<!tpu.dma_semaphore, #tpu.memory_space<semaphore_mem>>) src(%arg6 : memref<32x128xf32, #tpu.memory_space<vmem>>) dst(%dma_wait3A_150 : memref<32x128xf32, #tpu.memory_space<hbm>>)
      tpu.yield
    }) : () -> ()
    %dma_start3A_60 = arith.constant 4 : i32
    %dma_start3A_61 = arith.constant 0 : i32
    %dma_start3A_62 = tpu.memref_slice %arg5[%dma_start3A_60, %dma_start3A_61] : memref<8x32xi32, #tpu.memory_space<vmem>> -> memref<1x32xi32, #tpu.memory_space<vmem>>
    %dma_start3A_63 = tpu.memref_squeeze %dma_start3A_62 : memref<1x32xi32, #tpu.memory_space<vmem>> -> memref<32xi32, #tpu.memory_space<vmem>>
    %dma_start3A_64 = arith.constant 0 : i32
    %dma_start3A_65 = arith.constant 0 : i32
    %dma_start3A_66 = tpu.memref_slice %arg3[%dma_start3A_64, %dma_start3A_65] : memref<16384x128xf32, #tpu.memory_space<hbm>> -> memref<16384x128xf32, #tpu.memory_space<hbm>>
    tpu.enqueue_indirect_dma source(%dma_start3A_66 : memref<16384x128xf32, #tpu.memory_space<hbm>>) target(%arg6 : memref<32x128xf32, #tpu.memory_space<vmem>>) offsets(%dma_start3A_63 : memref<32xi32, #tpu.memory_space<vmem>>) semaphore(%arg8 : memref<!tpu.dma_semaphore, #tpu.memory_space<semaphore_mem>>)
    %dma_wait3A_67 = arith.constant 3 : i32
    %dma_wait3A_68 = arith.constant 0 : i32
    %dma_wait3A_69 = tpu.memref_slice %arg5[%dma_wait3A_67, %dma_wait3A_68] : memref<8x32xi32, #tpu.memory_space<vmem>> -> memref<1x32xi32, #tpu.memory_space<vmem>>
    %dma_wait3A_70 = tpu.memref_squeeze %dma_wait3A_69 : memref<1x32xi32, #tpu.memory_space<vmem>> -> memref<32xi32, #tpu.memory_space<vmem>>
    %dma_wait3A_71 = arith.constant 0 : i32
    %dma_wait3A_72 = arith.constant 0 : i32
    %dma_wait3A_73 = tpu.memref_slice %arg3[%dma_wait3A_71, %dma_wait3A_72] : memref<16384x128xf32, #tpu.memory_space<hbm>> -> memref<16384x128xf32, #tpu.memory_space<hbm>>
    tpu.wait_indirect_dma semaphore(%arg9 : memref<!tpu.dma_semaphore, #tpu.memory_space<semaphore_mem>>) src(%dma_wait3A_73 : memref<16384x128xf32, #tpu.memory_space<hbm>>) dst(%arg7 : memref<32x128xf32, #tpu.memory_space<vmem>>)
    %mul3A_74 = arith.constant 256 : i32
    %mul3A_75 = arith.muli %add3A, %mul3A_74 : i32
    %add3A_76 = arith.constant 96 : i32
    %add3A_77 = arith.addi %mul3A_75, %add3A_76 : i32
    "tpu.region"() ({
      %run_scoped3A = tpu.sem_alloc : memref<!tpu.dma_semaphore, #tpu.memory_space<semaphore_mem>>
      %dma_start3A_143 = arith.constant 0 : i32
      %dma_start3A_144 = tpu.memref_slice %arg4[%add3A_77, %dma_start3A_143] : memref<8192x128xf32, #tpu.memory_space<hbm>> -> memref<32x128xf32, #tpu.memory_space<hbm>>
      %dma_start3A_145 = arith.constant 0 : i32
      %dma_start3A_146 = tpu.memref_slice %arg4[%add3A_77, %dma_start3A_145] : memref<8192x128xf32, #tpu.memory_space<hbm>> -> memref<32x128xf32, #tpu.memory_space<hbm>>
      tpu.enqueue_dma source(%arg7 : memref<32x128xf32, #tpu.memory_space<vmem>>) target(%dma_start3A_146 : memref<32x128xf32, #tpu.memory_space<hbm>>) target_semaphore(%run_scoped3A : memref<!tpu.dma_semaphore, #tpu.memory_space<semaphore_mem>>)
      %dma_wait3A_147 = arith.constant 0 : i32
      %dma_wait3A_148 = tpu.memref_slice %arg4[%add3A_77, %dma_wait3A_147] : memref<8192x128xf32, #tpu.memory_space<hbm>> -> memref<32x128xf32, #tpu.memory_space<hbm>>
      %dma_wait3A_149 = arith.constant 0 : i32
      %dma_wait3A_150 = tpu.memref_slice %arg4[%add3A_77, %dma_wait3A_149] : memref<8192x128xf32, #tpu.memory_space<hbm>> -> memref<32x128xf32, #tpu.memory_space<hbm>>
      tpu.wait_dma2 semaphore(%run_scoped3A : memref<!tpu.dma_semaphore, #tpu.memory_space<semaphore_mem>>) src(%arg7 : memref<32x128xf32, #tpu.memory_space<vmem>>) dst(%dma_wait3A_150 : memref<32x128xf32, #tpu.memory_space<hbm>>)
      tpu.yield
    }) : () -> ()
    %dma_start3A_78 = arith.constant 5 : i32
    %dma_start3A_79 = arith.constant 0 : i32
    %dma_start3A_80 = tpu.memref_slice %arg5[%dma_start3A_78, %dma_start3A_79] : memref<8x32xi32, #tpu.memory_space<vmem>> -> memref<1x32xi32, #tpu.memory_space<vmem>>
    %dma_start3A_81 = tpu.memref_squeeze %dma_start3A_80 : memref<1x32xi32, #tpu.memory_space<vmem>> -> memref<32xi32, #tpu.memory_space<vmem>>
    %dma_start3A_82 = arith.constant 0 : i32
    %dma_start3A_83 = arith.constant 0 : i32
    %dma_start3A_84 = tpu.memref_slice %arg3[%dma_start3A_82, %dma_start3A_83] : memref<16384x128xf32, #tpu.memory_space<hbm>> -> memref<16384x128xf32, #tpu.memory_space<hbm>>
    tpu.enqueue_indirect_dma source(%dma_start3A_84 : memref<16384x128xf32, #tpu.memory_space<hbm>>) target(%arg7 : memref<32x128xf32, #tpu.memory_space<vmem>>) offsets(%dma_start3A_81 : memref<32xi32, #tpu.memory_space<vmem>>) semaphore(%arg9 : memref<!tpu.dma_semaphore, #tpu.memory_space<semaphore_mem>>)
    %dma_wait3A_85 = arith.constant 4 : i32
    %dma_wait3A_86 = arith.constant 0 : i32
    %dma_wait3A_87 = tpu.memref_slice %arg5[%dma_wait3A_85, %dma_wait3A_86] : memref<8x32xi32, #tpu.memory_space<vmem>> -> memref<1x32xi32, #tpu.memory_space<vmem>>
    %dma_wait3A_88 = tpu.memref_squeeze %dma_wait3A_87 : memref<1x32xi32, #tpu.memory_space<vmem>> -> memref<32xi32, #tpu.memory_space<vmem>>
    %dma_wait3A_89 = arith.constant 0 : i32
    %dma_wait3A_90 = arith.constant 0 : i32
    %dma_wait3A_91 = tpu.memref_slice %arg3[%dma_wait3A_89, %dma_wait3A_90] : memref<16384x128xf32, #tpu.memory_space<hbm>> -> memref<16384x128xf32, #tpu.memory_space<hbm>>
    tpu.wait_indirect_dma semaphore(%arg8 : memref<!tpu.dma_semaphore, #tpu.memory_space<semaphore_mem>>) src(%dma_wait3A_91 : memref<16384x128xf32, #tpu.memory_space<hbm>>) dst(%arg6 : memref<32x128xf32, #tpu.memory_space<vmem>>)
    %mul3A_92 = arith.constant 256 : i32
    %mul3A_93 = arith.muli %add3A, %mul3A_92 : i32
    %add3A_94 = arith.constant 128 : i32
    %add3A_95 = arith.addi %mul3A_93, %add3A_94 : i32
    "tpu.region"() ({
      %run_scoped3A = tpu.sem_alloc : memref<!tpu.dma_semaphore, #tpu.memory_space<semaphore_mem>>
      %dma_start3A_143 = arith.constant 0 : i32
      %dma_start3A_144 = tpu.memref_slice %arg4[%add3A_95, %dma_start3A_143] : memref<8192x128xf32, #tpu.memory_space<hbm>> -> memref<32x128xf32, #tpu.memory_space<hbm>>
      %dma_start3A_145 = arith.constant 0 : i32
      %dma_start3A_146 = tpu.memref_slice %arg4[%add3A_95, %dma_start3A_145] : memref<8192x128xf32, #tpu.memory_space<hbm>> -> memref<32x128xf32, #tpu.memory_space<hbm>>
      tpu.enqueue_dma source(%arg6 : memref<32x128xf32, #tpu.memory_space<vmem>>) target(%dma_start3A_146 : memref<32x128xf32, #tpu.memory_space<hbm>>) target_semaphore(%run_scoped3A : memref<!tpu.dma_semaphore, #tpu.memory_space<semaphore_mem>>)
      %dma_wait3A_147 = arith.constant 0 : i32
      %dma_wait3A_148 = tpu.memref_slice %arg4[%add3A_95, %dma_wait3A_147] : memref<8192x128xf32, #tpu.memory_space<hbm>> -> memref<32x128xf32, #tpu.memory_space<hbm>>
      %dma_wait3A_149 = arith.constant 0 : i32
      %dma_wait3A_150 = tpu.memref_slice %arg4[%add3A_95, %dma_wait3A_149] : memref<8192x128xf32, #tpu.memory_space<hbm>> -> memref<32x128xf32, #tpu.memory_space<hbm>>
      tpu.wait_dma2 semaphore(%run_scoped3A : memref<!tpu.dma_semaphore, #tpu.memory_space<semaphore_mem>>) src(%arg6 : memref<32x128xf32, #tpu.memory_space<vmem>>) dst(%dma_wait3A_150 : memref<32x128xf32, #tpu.memory_space<hbm>>)
      tpu.yield
    }) : () -> ()
    %dma_start3A_96 = arith.constant 6 : i32
    %dma_start3A_97 = arith.constant 0 : i32
    %dma_start3A_98 = tpu.memref_slice %arg5[%dma_start3A_96, %dma_start3A_97] : memref<8x32xi32, #tpu.memory_space<vmem>> -> memref<1x32xi32, #tpu.memory_space<vmem>>
    %dma_start3A_99 = tpu.memref_squeeze %dma_start3A_98 : memref<1x32xi32, #tpu.memory_space<vmem>> -> memref<32xi32, #tpu.memory_space<vmem>>
    %dma_start3A_100 = arith.constant 0 : i32
    %dma_start3A_101 = arith.constant 0 : i32
    %dma_start3A_102 = tpu.memref_slice %arg3[%dma_start3A_100, %dma_start3A_101] : memref<16384x128xf32, #tpu.memory_space<hbm>> -> memref<16384x128xf32, #tpu.memory_space<hbm>>
    tpu.enqueue_indirect_dma source(%dma_start3A_102 : memref<16384x128xf32, #tpu.memory_space<hbm>>) target(%arg6 : memref<32x128xf32, #tpu.memory_space<vmem>>) offsets(%dma_start3A_99 : memref<32xi32, #tpu.memory_space<vmem>>) semaphore(%arg8 : memref<!tpu.dma_semaphore, #tpu.memory_space<semaphore_mem>>)
    %dma_wait3A_103 = arith.constant 5 : i32
    %dma_wait3A_104 = arith.constant 0 : i32
    %dma_wait3A_105 = tpu.memref_slice %arg5[%dma_wait3A_103, %dma_wait3A_104] : memref<8x32xi32, #tpu.memory_space<vmem>> -> memref<1x32xi32, #tpu.memory_space<vmem>>
    %dma_wait3A_106 = tpu.memref_squeeze %dma_wait3A_105 : memref<1x32xi32, #tpu.memory_space<vmem>> -> memref<32xi32, #tpu.memory_space<vmem>>
    %dma_wait3A_107 = arith.constant 0 : i32
    %dma_wait3A_108 = arith.constant 0 : i32
    %dma_wait3A_109 = tpu.memref_slice %arg3[%dma_wait3A_107, %dma_wait3A_108] : memref<16384x128xf32, #tpu.memory_space<hbm>> -> memref<16384x128xf32, #tpu.memory_space<hbm>>
    tpu.wait_indirect_dma semaphore(%arg9 : memref<!tpu.dma_semaphore, #tpu.memory_space<semaphore_mem>>) src(%dma_wait3A_109 : memref<16384x128xf32, #tpu.memory_space<hbm>>) dst(%arg7 : memref<32x128xf32, #tpu.memory_space<vmem>>)
    %mul3A_110 = arith.constant 256 : i32
    %mul3A_111 = arith.muli %add3A, %mul3A_110 : i32
    %add3A_112 = arith.constant 160 : i32
    %add3A_113 = arith.addi %mul3A_111, %add3A_112 : i32
    "tpu.region"() ({
      %run_scoped3A = tpu.sem_alloc : memref<!tpu.dma_semaphore, #tpu.memory_space<semaphore_mem>>
      %dma_start3A_143 = arith.constant 0 : i32
      %dma_start3A_144 = tpu.memref_slice %arg4[%add3A_113, %dma_start3A_143] : memref<8192x128xf32, #tpu.memory_space<hbm>> -> memref<32x128xf32, #tpu.memory_space<hbm>>
      %dma_start3A_145 = arith.constant 0 : i32
      %dma_start3A_146 = tpu.memref_slice %arg4[%add3A_113, %dma_start3A_145] : memref<8192x128xf32, #tpu.memory_space<hbm>> -> memref<32x128xf32, #tpu.memory_space<hbm>>
      tpu.enqueue_dma source(%arg7 : memref<32x128xf32, #tpu.memory_space<vmem>>) target(%dma_start3A_146 : memref<32x128xf32, #tpu.memory_space<hbm>>) target_semaphore(%run_scoped3A : memref<!tpu.dma_semaphore, #tpu.memory_space<semaphore_mem>>)
      %dma_wait3A_147 = arith.constant 0 : i32
      %dma_wait3A_148 = tpu.memref_slice %arg4[%add3A_113, %dma_wait3A_147] : memref<8192x128xf32, #tpu.memory_space<hbm>> -> memref<32x128xf32, #tpu.memory_space<hbm>>
      %dma_wait3A_149 = arith.constant 0 : i32
      %dma_wait3A_150 = tpu.memref_slice %arg4[%add3A_113, %dma_wait3A_149] : memref<8192x128xf32, #tpu.memory_space<hbm>> -> memref<32x128xf32, #tpu.memory_space<hbm>>
      tpu.wait_dma2 semaphore(%run_scoped3A : memref<!tpu.dma_semaphore, #tpu.memory_space<semaphore_mem>>) src(%arg7 : memref<32x128xf32, #tpu.memory_space<vmem>>) dst(%dma_wait3A_150 : memref<32x128xf32, #tpu.memory_space<hbm>>)
      tpu.yield
    }) : () -> ()
    %dma_start3A_114 = arith.constant 7 : i32
    %dma_start3A_115 = arith.constant 0 : i32
    %dma_start3A_116 = tpu.memref_slice %arg5[%dma_start3A_114, %dma_start3A_115] : memref<8x32xi32, #tpu.memory_space<vmem>> -> memref<1x32xi32, #tpu.memory_space<vmem>>
    %dma_start3A_117 = tpu.memref_squeeze %dma_start3A_116 : memref<1x32xi32, #tpu.memory_space<vmem>> -> memref<32xi32, #tpu.memory_space<vmem>>
    %dma_start3A_118 = arith.constant 0 : i32
    %dma_start3A_119 = arith.constant 0 : i32
    %dma_start3A_120 = tpu.memref_slice %arg3[%dma_start3A_118, %dma_start3A_119] : memref<16384x128xf32, #tpu.memory_space<hbm>> -> memref<16384x128xf32, #tpu.memory_space<hbm>>
    tpu.enqueue_indirect_dma source(%dma_start3A_120 : memref<16384x128xf32, #tpu.memory_space<hbm>>) target(%arg7 : memref<32x128xf32, #tpu.memory_space<vmem>>) offsets(%dma_start3A_117 : memref<32xi32, #tpu.memory_space<vmem>>) semaphore(%arg9 : memref<!tpu.dma_semaphore, #tpu.memory_space<semaphore_mem>>)
    %dma_wait3A_121 = arith.constant 6 : i32
    %dma_wait3A_122 = arith.constant 0 : i32
    %dma_wait3A_123 = tpu.memref_slice %arg5[%dma_wait3A_121, %dma_wait3A_122] : memref<8x32xi32, #tpu.memory_space<vmem>> -> memref<1x32xi32, #tpu.memory_space<vmem>>
    %dma_wait3A_124 = tpu.memref_squeeze %dma_wait3A_123 : memref<1x32xi32, #tpu.memory_space<vmem>> -> memref<32xi32, #tpu.memory_space<vmem>>
    %dma_wait3A_125 = arith.constant 0 : i32
    %dma_wait3A_126 = arith.constant 0 : i32
    %dma_wait3A_127 = tpu.memref_slice %arg3[%dma_wait3A_125, %dma_wait3A_126] : memref<16384x128xf32, #tpu.memory_space<hbm>> -> memref<16384x128xf32, #tpu.memory_space<hbm>>
    tpu.wait_indirect_dma semaphore(%arg8 : memref<!tpu.dma_semaphore, #tpu.memory_space<semaphore_mem>>) src(%dma_wait3A_127 : memref<16384x128xf32, #tpu.memory_space<hbm>>) dst(%arg6 : memref<32x128xf32, #tpu.memory_space<vmem>>)
    %mul3A_128 = arith.constant 256 : i32
    %mul3A_129 = arith.muli %add3A, %mul3A_128 : i32
    %add3A_130 = arith.constant 192 : i32
    %add3A_131 = arith.addi %mul3A_129, %add3A_130 : i32
    "tpu.region"() ({
      %run_scoped3A = tpu.sem_alloc : memref<!tpu.dma_semaphore, #tpu.memory_space<semaphore_mem>>
      %dma_start3A_143 = arith.constant 0 : i32
      %dma_start3A_144 = tpu.memref_slice %arg4[%add3A_131, %dma_start3A_143] : memref<8192x128xf32, #tpu.memory_space<hbm>> -> memref<32x128xf32, #tpu.memory_space<hbm>>
      %dma_start3A_145 = arith.constant 0 : i32
      %dma_start3A_146 = tpu.memref_slice %arg4[%add3A_131, %dma_start3A_145] : memref<8192x128xf32, #tpu.memory_space<hbm>> -> memref<32x128xf32, #tpu.memory_space<hbm>>
      tpu.enqueue_dma source(%arg6 : memref<32x128xf32, #tpu.memory_space<vmem>>) target(%dma_start3A_146 : memref<32x128xf32, #tpu.memory_space<hbm>>) target_semaphore(%run_scoped3A : memref<!tpu.dma_semaphore, #tpu.memory_space<semaphore_mem>>)
      %dma_wait3A_147 = arith.constant 0 : i32
      %dma_wait3A_148 = tpu.memref_slice %arg4[%add3A_131, %dma_wait3A_147] : memref<8192x128xf32, #tpu.memory_space<hbm>> -> memref<32x128xf32, #tpu.memory_space<hbm>>
      %dma_wait3A_149 = arith.constant 0 : i32
      %dma_wait3A_150 = tpu.memref_slice %arg4[%add3A_131, %dma_wait3A_149] : memref<8192x128xf32, #tpu.memory_space<hbm>> -> memref<32x128xf32, #tpu.memory_space<hbm>>
      tpu.wait_dma2 semaphore(%run_scoped3A : memref<!tpu.dma_semaphore, #tpu.memory_space<semaphore_mem>>) src(%arg6 : memref<32x128xf32, #tpu.memory_space<vmem>>) dst(%dma_wait3A_150 : memref<32x128xf32, #tpu.memory_space<hbm>>)
      tpu.yield
    }) : () -> ()
    %dma_wait3A_132 = arith.constant 7 : i32
    %dma_wait3A_133 = arith.constant 0 : i32
    %dma_wait3A_134 = tpu.memref_slice %arg5[%dma_wait3A_132, %dma_wait3A_133] : memref<8x32xi32, #tpu.memory_space<vmem>> -> memref<1x32xi32, #tpu.memory_space<vmem>>
    %dma_wait3A_135 = tpu.memref_squeeze %dma_wait3A_134 : memref<1x32xi32, #tpu.memory_space<vmem>> -> memref<32xi32, #tpu.memory_space<vmem>>
    %dma_wait3A_136 = arith.constant 0 : i32
    %dma_wait3A_137 = arith.constant 0 : i32
    %dma_wait3A_138 = tpu.memref_slice %arg3[%dma_wait3A_136, %dma_wait3A_137] : memref<16384x128xf32, #tpu.memory_space<hbm>> -> memref<16384x128xf32, #tpu.memory_space<hbm>>
    tpu.wait_indirect_dma semaphore(%arg9 : memref<!tpu.dma_semaphore, #tpu.memory_space<semaphore_mem>>) src(%dma_wait3A_138 : memref<16384x128xf32, #tpu.memory_space<hbm>>) dst(%arg7 : memref<32x128xf32, #tpu.memory_space<vmem>>)
    %mul3A_139 = arith.constant 256 : i32
    %mul3A_140 = arith.muli %add3A, %mul3A_139 : i32
    %add3A_141 = arith.constant 224 : i32
    %add3A_142 = arith.addi %mul3A_140, %add3A_141 : i32
    "tpu.region"() ({
      %run_scoped3A = tpu.sem_alloc : memref<!tpu.dma_semaphore, #tpu.memory_space<semaphore_mem>>
      %dma_start3A_143 = arith.constant 0 : i32
      %dma_start3A_144 = tpu.memref_slice %arg4[%add3A_142, %dma_start3A_143] : memref<8192x128xf32, #tpu.memory_space<hbm>> -> memref<32x128xf32, #tpu.memory_space<hbm>>
      %dma_start3A_145 = arith.constant 0 : i32
      %dma_start3A_146 = tpu.memref_slice %arg4[%add3A_142, %dma_start3A_145] : memref<8192x128xf32, #tpu.memory_space<hbm>> -> memref<32x128xf32, #tpu.memory_space<hbm>>
      tpu.enqueue_dma source(%arg7 : memref<32x128xf32, #tpu.memory_space<vmem>>) target(%dma_start3A_146 : memref<32x128xf32, #tpu.memory_space<hbm>>) target_semaphore(%run_scoped3A : memref<!tpu.dma_semaphore, #tpu.memory_space<semaphore_mem>>)
      %dma_wait3A_147 = arith.constant 0 : i32
      %dma_wait3A_148 = tpu.memref_slice %arg4[%add3A_142, %dma_wait3A_147] : memref<8192x128xf32, #tpu.memory_space<hbm>> -> memref<32x128xf32, #tpu.memory_space<hbm>>
      %dma_wait3A_149 = arith.constant 0 : i32
      %dma_wait3A_150 = tpu.memref_slice %arg4[%add3A_142, %dma_wait3A_149] : memref<8192x128xf32, #tpu.memory_space<hbm>> -> memref<32x128xf32, #tpu.memory_space<hbm>>
      tpu.wait_dma2 semaphore(%run_scoped3A : memref<!tpu.dma_semaphore, #tpu.memory_space<semaphore_mem>>) src(%arg7 : memref<32x128xf32, #tpu.memory_space<vmem>>) dst(%dma_wait3A_150 : memref<32x128xf32, #tpu.memory_space<hbm>>)
      tpu.yield
    }) : () -> ()
    return
  }
}

module attributes {stable_mosaic.version = 14 : i64} {
  func.func @body(%arg0: i32, %arg1: memref<32xi32, #tpu.memory_space<smem>>, %arg2: memref<16xi32, #tpu.memory_space<smem>>, %arg3: memref<512x1024xf32, #tpu.memory_space<vmem>>, %arg4: memref<1x1024x256xf32, #tpu.memory_space<vmem>>, %arg5: memref<1x1x256xf32, #tpu.memory_space<vmem>>, %arg6: memref<1x256x256xf32, #tpu.memory_space<vmem>>, %arg7: memref<1x1x256xf32, #tpu.memory_space<vmem>>, %arg8: memref<1x256x64xf32, #tpu.memory_space<vmem>>, %arg9: memref<1x1x64xf32, #tpu.memory_space<vmem>>, %arg10: memref<1x256x64xf32, #tpu.memory_space<vmem>>, %arg11: memref<1x1x64xf32, #tpu.memory_space<vmem>>, %arg12: memref<512x128xf32, #tpu.memory_space<vmem>>) attributes {dimension_semantics = [#tpu.dimension_semantics<arbitrary>], iteration_bounds = array<i64: 32>, scalar_prefetch = 2 : i64, scratch_operands = 0 : i64, tpu.core_type = #tpu.core_type<tc>, window_params = [{transform_indices = @transform_0, window_bounds = array<i64: 512, 1024>}, {transform_indices = @transform_1, window_bounds = array<i64: 1, 1024, 256>}, {transform_indices = @transform_2, window_bounds = array<i64: 1, 1, 256>}, {transform_indices = @transform_3, window_bounds = array<i64: 1, 256, 256>}, {transform_indices = @transform_4, window_bounds = array<i64: 1, 1, 256>}, {transform_indices = @transform_5, window_bounds = array<i64: 1, 256, 64>}, {transform_indices = @transform_6, window_bounds = array<i64: 1, 1, 64>}, {transform_indices = @transform_7, window_bounds = array<i64: 1, 256, 64>}, {transform_indices = @transform_8, window_bounds = array<i64: 1, 1, 64>}, {transform_indices = @transform_9, window_bounds = array<i64: 512, 128>}]} {
    %get3A = arith.constant 0 : index
    %get3A_0 = memref.load %arg2[%get3A] : memref<16xi32, #tpu.memory_space<smem>>
    %lt3A = arith.cmpi slt, %arg0, %get3A_0 : i32
    %convert_element_type3A = arith.extui %lt3A : i1 to i32
    %cond3A = arith.constant 0 : i32
    %cond3A_1 = arith.cmpi ne, %convert_element_type3A, %cond3A : i32
    scf.if %cond3A_1 {
      %get3A_2 = arith.constant 0 : index
      %get3A_3 = arith.constant 0 : index
      %get3A_4 = vector.load %arg3[%get3A_2, %get3A_3] : memref<512x1024xf32, #tpu.memory_space<vmem>>, vector<512x1024xf32>
      %get3A_5 = arith.constant 0 : index
      %get3A_6 = arith.constant 0 : index
      %get3A_7 = arith.constant 0 : index
      %get3A_8 = vector.load %arg4[%get3A_5, %get3A_6, %get3A_7] : memref<1x1024x256xf32, #tpu.memory_space<vmem>>, vector<1x1024x256xf32>
      %get3A_9 = vector.shape_cast %get3A_8 : vector<1x1024x256xf32> to vector<1024x256xf32>
      %dot_general3A = arith.constant dense<0.000000e+00> : vector<512x256xf32>
      %dot_general3A_10 = tpu.matmul %get3A_4, %get3A_9, %dot_general3A {dimension_numbers = #tpu.dot_dimension_numbers<[1], [0], [0], [1], [0, 0, 1, 1], [], []>, transpose_lhs_hint = false} : vector<512x1024xf32>, vector<1024x256xf32>, vector<512x256xf32> -> vector<512x256xf32>
      %get3A_11 = arith.constant 0 : index
      %get3A_12 = arith.constant 0 : index
      %get3A_13 = arith.constant 0 : index
      %get3A_14 = vector.load %arg5[%get3A_11, %get3A_12, %get3A_13] : memref<1x1x256xf32, #tpu.memory_space<vmem>>, vector<1x1x256xf32>
      %get3A_15 = vector.shape_cast %get3A_14 : vector<1x1x256xf32> to vector<256xf32>
      %broadcast_in_dim3A = vector.shape_cast %get3A_15 : vector<256xf32> to vector<1x256xf32>
      %add3A = vector.broadcast %broadcast_in_dim3A : vector<1x256xf32> to vector<512x256xf32>
      %add3A_16 = arith.addf %dot_general3A_10, %add3A : vector<512x256xf32>
      %max3A = arith.constant 0.000000e+00 : f32
      %max3A_17 = vector.broadcast %max3A : f32 to vector<512x256xf32>
      %max3A_18 = arith.maximumf %add3A_16, %max3A_17 : vector<512x256xf32>
      %get3A_19 = arith.constant 0 : index
      %get3A_20 = arith.constant 0 : index
      %get3A_21 = arith.constant 0 : index
      %get3A_22 = vector.load %arg6[%get3A_19, %get3A_20, %get3A_21] : memref<1x256x256xf32, #tpu.memory_space<vmem>>, vector<1x256x256xf32>
      %get3A_23 = vector.shape_cast %get3A_22 : vector<1x256x256xf32> to vector<256x256xf32>
      %dot_general3A_24 = arith.constant dense<0.000000e+00> : vector<512x256xf32>
      %dot_general3A_25 = tpu.matmul %max3A_18, %get3A_23, %dot_general3A_24 {dimension_numbers = #tpu.dot_dimension_numbers<[1], [0], [0], [1], [0, 0, 1, 1], [], []>, transpose_lhs_hint = false} : vector<512x256xf32>, vector<256x256xf32>, vector<512x256xf32> -> vector<512x256xf32>
      %get3A_26 = arith.constant 0 : index
      %get3A_27 = arith.constant 0 : index
      %get3A_28 = arith.constant 0 : index
      %get3A_29 = vector.load %arg7[%get3A_26, %get3A_27, %get3A_28] : memref<1x1x256xf32, #tpu.memory_space<vmem>>, vector<1x1x256xf32>
      %get3A_30 = vector.shape_cast %get3A_29 : vector<1x1x256xf32> to vector<256xf32>
      %broadcast_in_dim3A_31 = vector.shape_cast %get3A_30 : vector<256xf32> to vector<1x256xf32>
      %add3A_32 = vector.broadcast %broadcast_in_dim3A_31 : vector<1x256xf32> to vector<512x256xf32>
      %add3A_33 = arith.addf %dot_general3A_25, %add3A_32 : vector<512x256xf32>
      %max3A_34 = arith.constant 0.000000e+00 : f32
      %max3A_35 = vector.broadcast %max3A_34 : f32 to vector<512x256xf32>
      %max3A_36 = arith.maximumf %add3A_33, %max3A_35 : vector<512x256xf32>
      %get3A_37 = arith.constant 0 : index
      %get3A_38 = arith.constant 0 : index
      %get3A_39 = arith.constant 0 : index
      %get3A_40 = vector.load %arg8[%get3A_37, %get3A_38, %get3A_39] : memref<1x256x64xf32, #tpu.memory_space<vmem>>, vector<1x256x64xf32>
      %get3A_41 = vector.shape_cast %get3A_40 : vector<1x256x64xf32> to vector<256x64xf32>
      %dot_general3A_42 = arith.constant dense<0.000000e+00> : vector<512x64xf32>
      %dot_general3A_43 = tpu.matmul %max3A_36, %get3A_41, %dot_general3A_42 {dimension_numbers = #tpu.dot_dimension_numbers<[1], [0], [0], [1], [0, 0, 1, 1], [], []>, transpose_lhs_hint = false} : vector<512x256xf32>, vector<256x64xf32>, vector<512x64xf32> -> vector<512x64xf32>
      %get3A_44 = arith.constant 0 : index
      %get3A_45 = arith.constant 0 : index
      %get3A_46 = arith.constant 0 : index
      %get3A_47 = vector.load %arg9[%get3A_44, %get3A_45, %get3A_46] : memref<1x1x64xf32, #tpu.memory_space<vmem>>, vector<1x1x64xf32>
      %get3A_48 = vector.shape_cast %get3A_47 : vector<1x1x64xf32> to vector<64xf32>
      %broadcast_in_dim3A_49 = vector.shape_cast %get3A_48 : vector<64xf32> to vector<1x64xf32>
      %add3A_50 = vector.broadcast %broadcast_in_dim3A_49 : vector<1x64xf32> to vector<512x64xf32>
      %add3A_51 = arith.addf %dot_general3A_43, %add3A_50 : vector<512x64xf32>
      %get3A_52 = arith.constant 0 : index
      %get3A_53 = arith.constant 0 : index
      %get3A_54 = arith.constant 0 : index
      %get3A_55 = vector.load %arg10[%get3A_52, %get3A_53, %get3A_54] : memref<1x256x64xf32, #tpu.memory_space<vmem>>, vector<1x256x64xf32>
      %get3A_56 = vector.shape_cast %get3A_55 : vector<1x256x64xf32> to vector<256x64xf32>
      %dot_general3A_57 = arith.constant dense<0.000000e+00> : vector<512x64xf32>
      %dot_general3A_58 = tpu.matmul %max3A_36, %get3A_56, %dot_general3A_57 {dimension_numbers = #tpu.dot_dimension_numbers<[1], [0], [0], [1], [0, 0, 1, 1], [], []>, transpose_lhs_hint = false} : vector<512x256xf32>, vector<256x64xf32>, vector<512x64xf32> -> vector<512x64xf32>
      %get3A_59 = arith.constant 0 : index
      %get3A_60 = arith.constant 0 : index
      %get3A_61 = arith.constant 0 : index
      %get3A_62 = vector.load %arg11[%get3A_59, %get3A_60, %get3A_61] : memref<1x1x64xf32, #tpu.memory_space<vmem>>, vector<1x1x64xf32>
      %get3A_63 = vector.shape_cast %get3A_62 : vector<1x1x64xf32> to vector<64xf32>
      %broadcast_in_dim3A_64 = vector.shape_cast %get3A_63 : vector<64xf32> to vector<1x64xf32>
      %add3A_65 = vector.broadcast %broadcast_in_dim3A_64 : vector<1x64xf32> to vector<512x64xf32>
      %add3A_66 = arith.addf %dot_general3A_58, %add3A_65 : vector<512x64xf32>
      %tanh3A = math.tanh %add3A_66 : vector<512x64xf32>
      %add3A_67 = arith.constant 1.000000e+00 : f32
      %add3A_68 = vector.broadcast %add3A_67 : f32 to vector<512x64xf32>
      %add3A_69 = arith.addf %tanh3A, %add3A_68 : vector<512x64xf32>
      %mul3A = arith.constant 3.500000e+00 : f32
      %mul3A_70 = vector.broadcast %mul3A : f32 to vector<512x64xf32>
      %mul3A_71 = arith.mulf %mul3A_70, %add3A_69 : vector<512x64xf32>
      %add3A_72 = arith.constant -5.000000e+00 : f32
      %add3A_73 = vector.broadcast %add3A_72 : f32 to vector<512x64xf32>
      %add3A_74 = arith.addf %add3A_73, %mul3A_71 : vector<512x64xf32>
      %concatenate3A = tpu.concatenate %add3A_51, %add3A_74 in 1 : vector<512x64xf32>, vector<512x64xf32> -> vector<512x128xf32>
      %swap3A = arith.constant 0 : index
      %swap3A_75 = arith.constant 0 : index
      %swap3A_76 = vector.load %arg12[%swap3A, %swap3A_75] : memref<512x128xf32, #tpu.memory_space<vmem>>, vector<512x128xf32>
      tpu.vector_store %arg12[%swap3A, %swap3A_75], %concatenate3A {strides = array<i32>} : memref<512x128xf32, #tpu.memory_space<vmem>>, vector<512x128xf32>,
    } else {
    }
    return
  }
  func.func @transform_0(%arg0: i32, %arg1: memref<32xi32, #tpu.memory_space<smem>>, %arg2: memref<16xi32, #tpu.memory_space<smem>>) -> (i32, i32) {
    %get3A = arith.constant 0 : index
    %get3A_0 = memref.load %arg2[%get3A] : memref<16xi32, #tpu.memory_space<smem>>
    %lt3A = arith.cmpi slt, %arg0, %get3A_0 : i32
    %get3A_1 = arith.constant 0 : index
    %get3A_2 = memref.load %arg2[%get3A_1] : memref<16xi32, #tpu.memory_space<smem>>
    %sub3A = arith.constant 1 : i32
    %sub3A_3 = arith.subi %get3A_2, %sub3A : i32
    %select_n3A = arith.select %lt3A, %arg0, %sub3A_3 : i32
    %c0_i32 = arith.constant 0 : i32
    %c0_i32_4 = arith.constant 0 : i32
    return %select_n3A, %c0_i32 : i32, i32
  }
  func.func @transform_1(%arg0: i32, %arg1: memref<32xi32, #tpu.memory_space<smem>>, %arg2: memref<16xi32, #tpu.memory_space<smem>>) -> (i32, i32, i32) {
    %get3A = arith.index_cast %arg0 : i32 to index
    %get3A_0 = memref.load %arg1[%get3A] : memref<32xi32, #tpu.memory_space<smem>>
    %c0_i32 = arith.constant 0 : i32
    %c0_i32_1 = arith.constant 0 : i32
    %c0_i32_2 = arith.constant 0 : i32
    return %get3A_0, %c0_i32, %c0_i32_1 : i32, i32, i32
  }
  func.func @transform_2(%arg0: i32, %arg1: memref<32xi32, #tpu.memory_space<smem>>, %arg2: memref<16xi32, #tpu.memory_space<smem>>) -> (i32, i32, i32) {
    %get3A = arith.index_cast %arg0 : i32 to index
    %get3A_0 = memref.load %arg1[%get3A] : memref<32xi32, #tpu.memory_space<smem>>
    %c0_i32 = arith.constant 0 : i32
    %c0_i32_1 = arith.constant 0 : i32
    %c0_i32_2 = arith.constant 0 : i32
    return %get3A_0, %c0_i32, %c0_i32_1 : i32, i32, i32
  }
  func.func @transform_3(%arg0: i32, %arg1: memref<32xi32, #tpu.memory_space<smem>>, %arg2: memref<16xi32, #tpu.memory_space<smem>>) -> (i32, i32, i32) {
    %get3A = arith.index_cast %arg0 : i32 to index
    %get3A_0 = memref.load %arg1[%get3A] : memref<32xi32, #tpu.memory_space<smem>>
    %c0_i32 = arith.constant 0 : i32
    %c0_i32_1 = arith.constant 0 : i32
    %c0_i32_2 = arith.constant 0 : i32
    return %get3A_0, %c0_i32, %c0_i32_1 : i32, i32, i32
  }
  func.func @transform_4(%arg0: i32, %arg1: memref<32xi32, #tpu.memory_space<smem>>, %arg2: memref<16xi32, #tpu.memory_space<smem>>) -> (i32, i32, i32) {
    %get3A = arith.index_cast %arg0 : i32 to index
    %get3A_0 = memref.load %arg1[%get3A] : memref<32xi32, #tpu.memory_space<smem>>
    %c0_i32 = arith.constant 0 : i32
    %c0_i32_1 = arith.constant 0 : i32
    %c0_i32_2 = arith.constant 0 : i32
    return %get3A_0, %c0_i32, %c0_i32_1 : i32, i32, i32
  }
  func.func @transform_5(%arg0: i32, %arg1: memref<32xi32, #tpu.memory_space<smem>>, %arg2: memref<16xi32, #tpu.memory_space<smem>>) -> (i32, i32, i32) {
    %get3A = arith.index_cast %arg0 : i32 to index
    %get3A_0 = memref.load %arg1[%get3A] : memref<32xi32, #tpu.memory_space<smem>>
    %c0_i32 = arith.constant 0 : i32
    %c0_i32_1 = arith.constant 0 : i32
    %c0_i32_2 = arith.constant 0 : i32
    return %get3A_0, %c0_i32, %c0_i32_1 : i32, i32, i32
  }
  func.func @transform_6(%arg0: i32, %arg1: memref<32xi32, #tpu.memory_space<smem>>, %arg2: memref<16xi32, #tpu.memory_space<smem>>) -> (i32, i32, i32) {
    %get3A = arith.index_cast %arg0 : i32 to index
    %get3A_0 = memref.load %arg1[%get3A] : memref<32xi32, #tpu.memory_space<smem>>
    %c0_i32 = arith.constant 0 : i32
    %c0_i32_1 = arith.constant 0 : i32
    %c0_i32_2 = arith.constant 0 : i32
    return %get3A_0, %c0_i32, %c0_i32_1 : i32, i32, i32
  }
  func.func @transform_7(%arg0: i32, %arg1: memref<32xi32, #tpu.memory_space<smem>>, %arg2: memref<16xi32, #tpu.memory_space<smem>>) -> (i32, i32, i32) {
    %get3A = arith.index_cast %arg0 : i32 to index
    %get3A_0 = memref.load %arg1[%get3A] : memref<32xi32, #tpu.memory_space<smem>>
    %c0_i32 = arith.constant 0 : i32
    %c0_i32_1 = arith.constant 0 : i32
    %c0_i32_2 = arith.constant 0 : i32
    return %get3A_0, %c0_i32, %c0_i32_1 : i32, i32, i32
  }
  func.func @transform_8(%arg0: i32, %arg1: memref<32xi32, #tpu.memory_space<smem>>, %arg2: memref<16xi32, #tpu.memory_space<smem>>) -> (i32, i32, i32) {
    %get3A = arith.index_cast %arg0 : i32 to index
    %get3A_0 = memref.load %arg1[%get3A] : memref<32xi32, #tpu.memory_space<smem>>
    %c0_i32 = arith.constant 0 : i32
    %c0_i32_1 = arith.constant 0 : i32
    %c0_i32_2 = arith.constant 0 : i32
    return %get3A_0, %c0_i32, %c0_i32_1 : i32, i32, i32
  }
  func.func @transform_9(%arg0: i32, %arg1: memref<32xi32, #tpu.memory_space<smem>>, %arg2: memref<16xi32, #tpu.memory_space<smem>>) -> (i32, i32) {
    %c0_i32 = arith.constant 0 : i32
    %c0_i32_0 = arith.constant 0 : i32
    return %arg0, %c0_i32 : i32, i32
  }
}

</mosaic_0001>

<sc_bundles>
// kernel: kernel.12.cloned.1.call-start
scs
__scs_entry_jumppad:
0x0: {  	(pc) =	sbr.rel $0x88, $3  }
0x1: {  	(tag) =	ssettag $0x0;
	lr =	simm.s32 $0x1  }
0x2: {  	[smem:$0x3F97] =	sst lr;
	_ =	strace $0xD0000000  }
0x3: {  	_ = 	snop  }
0x4: {  	_ = 	snop  }
0x5: {  	_ = 	snop  }
0x6: {  	_ = 	snop  }
0x7: {  	_ = 	snop  }
__scs_overlays_trampoline_lowered:
0x8: {  	[smem:$0x3FA6] =	sst s0  }
0x9: {  	[smem:$0x3FA7] =	sst s1  }
0xa: {  	[smem:$0x3FA8] =	sst s2  }
0xb: {  	[smem:$0x3FA9] =	sst s3  }
0xc: {  	[smem:$0x3FAA] =	sst s4  }
0xd: {  	[smem:$0x3FAB] =	sst s5  }
0xe: {  	[smem:$0x3FAC] =	sst s6  }
0xf: {  	[smem:$0x3FAD] =	sst s7  }
0x10: {  	[smem:$0x3FAE] =	sst s8  }
0x11: {  	[smem:$0x3FAF] =	sst s9;
	s0 =	simm.s32 @!p0 $0x0  }
0x12: {  	s1 =	sld [smem:$0x3F95];
	s0 =	simm.s32 @p0 $0x1  }
0x13: {  	[smem:$0x3FB0] =	sst s0;
	s0 =	simm.s32 @!p1 $0x0  }
0x14: {  	s2 =	sld [smem:$0x3F94];
	s0 =	simm.s32 @p1 $0x1  }
0x15: {  	[smem:$0x3FB1] =	sst s0;
	s0 =	simm.s32 @!p2 $0x0  }
0x16: {  	s3 =	sld [smem:$0x3FDB];
	s0 =	simm.s32 @p2 $0x1  }
0x17: {  	s4 =	simm.s32 $0x1BF5;
	[smem:$0x3FB3] =	sst s0  }
0x18: {  	s0 =	sld [smem:$0x3F96];
	_ =	swait.ge [sflag:s4], $0x0  }
0x19: {  	s7 =	sld [smem:$0x3F97]  }
0x1a: {  	s8 =	sadd.s32 $0xFFFFE003, lr  }
0x1b: {  	s9 =	sadd.s32 $0xFFFFFEF7, lr;
	s5 =	simm.s32 $0xFFFFFFFF;
	p2 =	slt.u32 s8, $0xFFFFF086  }
0x1c: {  	p1 =	slt.u32 s9, $0xF7A;
	s5 =	simm.s32 @!p2 $0x0  }
0x1d: {  	s5 =	simm.s32 @p1 $0x1;
	p0 =	seq.s32 s7, s2  }
0x1e: {  	s7 =	smul.u32 @!p0 $0xF7A, s2;
	p2 =	seq.s32 @!p0 s5, $0x0  }
0x1f: {  	s9 =	smul.u32 $0xF7A, s1;
	s8 =	simm.s32 @!p0 $0x1BF5;
	p2 =	por !p2, p0  }
0x20: {  	[sflag:s8] =	ssyncset.s32 @!p0 $0xFFFFF086;
	s6 =	sadd.s32 @!p0 s3, s7;
	s7 =	simm.s32 @!p0 $0x108  }
0x21: {  	s3 =	sadd.s32 s3, s9;
	s6 =	sadd.s32 @!p0 $0x88, s6;
	s7 =	simm.s32 @p2 $0x1082  }
0x22: {  	[simem:s7], [sflag:s8] =	dma.local @!p0 [hbm:s6], $0xF7A  }
0x23: {  	s9 =	sor.u32 $0xD0000000, s2;
	s6 =	simm.s32 $0x108;
	_ =	swait.ge @!p0 [sflag:s8], $0x0  }
0x24: {  	s3 =	sadd.s32 $0x88, s3;
	s6 =	simm.s32 @!p1 $0x1082;
	[sflag:s4] =	ssyncset.s32 $0xFFFFF086  }
0x25: {  	[simem:s6], [sflag:s4] =	dma.local [hbm:s3], $0xF7A  }
0x26: {  	[smem:$0x3F97] =	sst s1;
	(tag) =	ssettag s2;
	_ =	strace s9  }
0x27: {  	s1 =	sld [smem:$0x3FA7]  }
0x28: {  	s2 =	sld [smem:$0x3FA8]  }
0x29: {  	s4 =	sld [smem:$0x3FAA]  }
0x2a: {  	p0 =	seq.s32 s5, $0x0;
	s5 =	sld [smem:$0x3FAB]  }
0x2b: {  	s6 =	sld [smem:$0x3FAC]  }
0x2c: {  	s7 =	sld [smem:$0x3FAD]  }
0x2d: {  	s3 =	simm.s32 $0x108;
	s8 =	sld [smem:$0x3FAE]  }
0x2e: {  	s3 =	simm.s32 @!p0 $0x1082;
	s9 =	sld [smem:$0x3FAF]  }
0x2f: {  	lr =	sadd.s32 s0, s3;
	s0 =	sld [smem:$0x3FA6]  }
0x30: {  	s3 =	sld [smem:$0x3FA9]  }
0x31: {  	[smem:$0x3FB2] =	sst s10  }
0x32: {  	s10 =	sld [smem:$0x3FB0];
	_ =	sdelay $0x3  }
0x33: {  	p0 =	seq.s32 s10, $0x1;
	s10 =	sld [smem:$0x3FB2];
	_ =	sdelay $0x3  }
0x34: {  	[smem:$0x3FB2] =	sst s10  }
0x35: {  	s10 =	sld [smem:$0x3FB1];
	_ =	sdelay $0x3  }
0x36: {  	p1 =	seq.s32 s10, $0x1;
	s10 =	sld [smem:$0x3FB2];
	_ =	sdelay $0x3  }
0x37: {  	[smem:$0x3FB2] =	sst s10  }
0x38: {  	s10 =	sld [smem:$0x3FB3]  }
0x39: {  	_ = 	snop;
	(pc) =	sbr.ind lr, $3  }
0x3a: {  	_ = 	snop  }
0x3b: {  	_ = 	snop  }
0x3c: {  	p2 =	seq.s32 s10, $0x1;
	s10 =	sld [smem:$0x3FB2]  }
0x3d: {  	_ =	shalt  }
0x3e: {  	_ =	shalt  }
0x3f: {  	_ =	shalt  }
0x40: {  	_ =	shalt  }
0x41: {  	_ =	shalt  }
0x42: {  	_ =	shalt  }
0x43: {  	_ =	shalt  }
0x44: {  	_ =	shalt  }
0x45: {  	_ =	shalt  }
0x46: {  	_ =	shalt  }
0x47: {  	_ =	shalt  }
0x48: {  	_ =	shalt  }
0x49: {  	_ =	shalt  }
0x4a: {  	_ =	shalt  }
0x4b: {  	_ =	shalt  }
0x4c: {  	_ =	shalt  }
0x4d: {  	_ =	shalt  }
0x4e: {  	_ =	shalt  }
0x4f: {  	_ =	shalt  }
0x50: {  	_ =	shalt  }
0x51: {  	_ =	shalt  }
0x52: {  	_ =	shalt  }
0x53: {  	_ =	shalt  }
0x54: {  	_ =	shalt  }
0x55: {  	_ =	shalt  }
0x56: {  	_ =	shalt  }
0x57: {  	_ =	shalt  }
0x58: {  	_ =	shalt  }
0x59: {  	_ =	shalt  }
0x5a: {  	_ =	shalt  }
0x5b: {  	_ =	shalt  }
0x5c: {  	_ =	shalt  }
0x5d: {  	_ =	shalt  }
0x5e: {  	_ =	shalt  }
0x5f: {  	_ =	shalt  }
0x60: {  	_ =	shalt  }
0x61: {  	_ =	shalt  }
0x62: {  	_ =	shalt  }
0x63: {  	_ =	shalt  }
0x64: {  	_ =	shalt  }
0x65: {  	_ =	shalt  }
0x66: {  	_ =	shalt  }
0x67: {  	_ =	shalt  }
0x68: {  	_ =	shalt  }
0x69: {  	_ =	shalt  }
0x6a: {  	_ =	shalt  }
0x6b: {  	_ =	shalt  }
0x6c: {  	_ =	shalt  }
0x6d: {  	_ =	shalt  }
0x6e: {  	_ =	shalt  }
0x6f: {  	_ =	shalt  }
0x70: {  	_ =	shalt  }
0x71: {  	_ =	shalt  }
0x72: {  	_ =	shalt  }
0x73: {  	_ =	shalt  }
0x74: {  	_ =	shalt  }
0x75: {  	_ =	shalt  }
0x76: {  	_ =	shalt  }
0x77: {  	_ =	shalt  }
0x78: {  	_ =	shalt  }
0x79: {  	_ =	shalt  }
0x7a: {  	_ =	shalt  }
0x7b: {  	_ =	shalt  }
0x7c: {  	_ =	shalt  }
0x7d: {  	_ =	shalt  }
0x7e: {  	_ =	shalt  }
0x7f: {  	_ =	shalt  }
0x80: {  	_ =	shalt  }
0x81: {  	_ =	shalt  }
0x82: {  	_ =	shalt  }
0x83: {  	_ =	shalt  }
0x84: {  	_ =	shalt  }
0x85: {  	_ =	shalt  }
0x86: {  	_ =	shalt  }
0x87: {  	_ =	shalt  }
.Lfunc_end0:
.L_simem_size_0:
called_computation.2_lowered:
.L_overlay_start_0:
0x88: {  	s2 =	sld [smem:$0x3FD9]  }
0x89: {  	s3 =	sld [smem:$0x3FFE];
	_ =	sdelay $0x1  }
0x8a: {  	s1 =	srdreg.scid  }
0x8b: {  	s0 =	sand.u32 $0x1, s1  }
0x8c: {  	s14 =	sshll.u32 s0, $0xA;
	s2 =	sadd.s32 s3, s2  }
0x8d: {  	s2 =	sadd.s32 s2, s14  }
0x8e: {  	[smem:$0x3FBE] =	sst s2  }
0x8f: {  	_ = 	snop  }
0x90: {  	s2 =	sld [smem:$0x3FD0];
	_ =	sdelay $0x2  }
0x91: {  	s15 =	simm.s32 $0xA;
	s4 =	simm.s32 $0x10  }
0x92: {  	[smem:s4], [sflag:s15] =	dma.local [hbm:s2], $0x1  }
0x93: {  	_ =	swait.eq [sflag:s15], $0x1  }
0x94: {  	[sflag:s15] =	ssyncset.done $0x0  }
0x95: {  	[sflag:s15] =	ssyncadd.s32 $0xFFFFFFFF  }
0x96: {  	s16 =	sld [smem:$0x11];
	(tm) =	ssettm $0x1  }
0x97: {  	s17 =	sld [smem:$0x3FFB];
	_ =	sdelay $0x3  }
0x98: {  	_ =	strace s17  }
0x99: {  	s3 =	sld [smem:$0x3FFC];
	_ =	sdelay $0x3  }
0x9a: {  	_ =	strace s3  }
0x9b: {  	s3 =	sld [smem:$0x3FFD];
	_ =	sdelay $0x3  }
0x9c: {  	_ =	strace s3  }
0x9d: {  	_ =	strace $0x8FFFFFFF  }
0x9e: {  	s18 =	sld [smem:$0x3FDB];
	_ =	sdelay $0x1  }
0x9f: {  	s19 =	simm.s32 $_scs_section_size  }
0xa0: {  	s5 =	simm.s32 $_size__tile_overlayer_lowered;
	s6 =	simm.s32 $_tile_overlayer_lowered  }
0xa1: {  	s22 =	simm.s32 $0x1BFF;
	s21 =	sshll.u32 s6, $0x1;
	s3 =	sadd.s32 s19, s18  }
0xa2: {  	s7 =	simm.s32 $0x0;
	s20 =	sshll.u32 s5, $0x1;
	s5 =	sadd.s32 s21, s3  }
0xa3: {  	[timem:s7], [sflag:s22] =	dma.local [hbm:s5], s20  }
0xa4: {  	_ =	swait.ge [sflag:s22], s20  }
0xa5: {  	s4 =	ssub.s32 $0x0, s20;
	[sflag:s22] =	ssyncset.done $0x0  }
0xa6: {  	[sflag:s22] =	ssyncadd.s32 s4;
	_ =	sdelay $0x1  }
0xa7: {  	s23 =	simm.s32 $0x1B8B  }
0xa8: {  	_ =	swait.ge [sflag:s23], $0x1  }
0xa9: {  	[sflag:s23] =	ssyncset.done $0x0  }
0xaa: {  	s25 =	simm.s32 $0x1B8E;
	s24 =	sld [smem:$0x3FFE];
	[sflag:s23] =	ssyncadd.s32 $0xFFFFFFFF  }
0xab: {  	s26 =	simm.s32 $execute0_lowered;
	[smem:$0x3FD2] =	sst s25  }
0xac: {  	s5 =	sshll.u32 s26, $0x1;
	_ =	strace $0x8000004C;
	[dreg:$0x1] =	wrdreg $0xFFFFFFFF  }
0xad: {  	s28 =	simm.s32 $_size_execute0_lowered;
	s3 =	sadd.s32 s3, s5;
	[dreg:$0x0] =	wrdreg $0x0  }
0xae: {  	s5 =	sshll.u32 s28, $0x1;
	[dreg:$0x2] =	wrdreg s3  }
0xaf: {  	[dreg:$0x3] =	wrdreg s5  }
0xb0: {  	[dreg:$0x4] =	wrdreg $0xC0  }
0xb1: {  	_ =	task [dreg:s7], $0x5FFFF  }
0xb2: {  	[dreg:$0x1] =	wrdreg $0xFFFFFFFF  }
0xb3: {  	[dreg:$0x0] =	wrdreg $0x60  }
0xb4: {  	[dreg:$0x2] =	wrdreg s16  }
0xb5: {  	[dreg:$0x3] =	wrdreg s24  }
0xb6: {  	[dreg:$0x4] =	wrdreg $0x9  }
0xb7: {  	_ =	task.clear_ibuf [dreg:s7], $0x5FFFF;
	_ =	strace $0x9000004C  }
0xb8: {  	s29 =	simm.s32 $0x9;
	_ =	strace $0x8000004E  }
0xb9: {  	_ =	swait.ge [sflag:s29], $0x1  }
0xba: {  	[sflag:s29] =	ssyncadd.s32 $0xFFFFFFFF  }
0xbb: {  	_ =	strace $0x9000004E  }
0xbc: {  	_ =	sfence  }
0xbd: {  	s30 =	sld [smem:$0x0];
	_ =	sdelay $0x2  }
0xbe: {  	s31 =	sshll.u32 s1, $0xD;
	s1 =	sshrl.u32 s1, $0x2  }
0xbf: {  	s3 =	sand.u32 $0x4000, s31;
	s1 =	sadd.s32 s1, s30  }
0xc0: {  	s0 =	sor.u32 s3, s0;
	s1 =	sshll.u32 s1, $0x11  }
0xc1: {  	s0 =	sor.u32 s1, s0  }
0xc2: {  	s0 =	sadd.s32 $0x8F2B, s0  }
0xc3: {  	[sflag:s0] =	ssyncadd.remote.s32 $0x1  }
0xc4: {  	_ =	sfence.sel $0xFFFF  }
0xc5: {  	[dreg:$0x0] =	wrdreg $0xFFFFFFFF;
	(pc) =	sbr.abs _section_cstart, $3  }
0xc6: {  	[dreg:$0x1] =	wrdreg $0xFFFFFFFF  }
0xc7: {  	_ =	task.clear_ibuf [dreg:s7], $0x2FFFF;
	_ =	strace $0x9FFFFFFF  }
0xc8: {  	(tm) =	ssettm $0x7FFFFFFF  }
0xc9: {  	_ =	shalt  }
tec
execute0_lowered:
.L_overlay_start_1:
0x0: {  	(tag) =	ssettag $0x1  }
0x1: {  	s3 =	rddreg [dreg:$0x0]  }
0x2: {  	s1 =	srdreg.scid;
	s0 =	stileid.u32  }
0x3: {  	s11 =	rddreg [dreg:$0x1];
	s25 =	sand.u32 $0x1, s1;
	s4 =	sshll.u32 s0, $0x1  }
0x4: {  	s2 =	simm.s32 $0x0;
	s1 =	rddreg [dreg:$0x2];
	s12 =	sor.u32 s25, s4  }
0x5: {  	[smem:$0x7FF] =	sst s2;
	s4 =	sshll.u32 s12, $0x7  }
0x6: {  	_ =	strace $0x8000004D;
	s4 =	sadd.s32 s3, s4;
	s3 =	simm.s32 $0x3  }
0x7: {  	[tilespmem:s2], [sflag:$0x3] =	stream.linear.gather [hbm4b:s4+s2], $0x400, $0x38;
	[tilespmem:$0x2400] =	vst v63  }
0x8: {  	_ =	swait.ge [sflag:s3], $0x400  }
0x9: {  	s6 =	simm.s32 $0x20;
	[sflag:s3] =	ssyncset.done $0x0  }
0xa: {  	s7 =	simm.s32 $0x400;
	s5 =	sadd.s32 $0x2A00, s11;
	[sflag:s3] =	ssyncadd.s32 $0xFFFFFC00  }
0xb: {  	[tilespmem:s7], [sflag:$0x1] =	stream.indirect.gather [hbm4b:s5+s6], $0x80, s2, s6, $0xb8;
	[tilespmem:$0x2400] =	vst v63  }
0xc: {  	s8 =	simm.s32 $0x80;
	s9 =	simm.s32 $0x1400;
	s10 =	simm.s32 $0x1  }
0xd: {  	[tilespmem:s9], [sflag:$0x2] =	stream.indirect.gather [hbm4b:s5+s6], $0x80, s8, s6, $0xb8;
	[tilespmem:$0x2400] =	vst v63  }
0xe: {  	s12 =	sshll.u32 s12, $0xC;
	_ =	swait.ge [sflag:s10], $0x1000  }
0xf: {  	s26 =	sadd.s32 s12, s11;
	[sflag:s10] =	ssyncset.done $0x0  }
0x10: {  	s11 =	sadd.s32 $0x42A00, s26;
	[sflag:s10] =	ssyncadd.s32 $0xFFFFF000  }
0x11: {  	[hbm4b:s11+s2] =	stream.linear.scatter [tilespmem:s7], [sflag:$0x3], $0x1000, $0x38;
	[tilespmem:$0x2400] =	vst v63  }
0x12: {  	_ =	swait.ge [sflag:s3], $0x1000  }
0x13: {  	[sflag:s3] =	ssyncset.done $0x0  }
0x14: {  	s13 =	simm.s32 $0x2;
	s12 =	simm.s32 $0x100;
	[sflag:s3] =	ssyncadd.s32 $0xFFFFF000  }
0x15: {  	[tilespmem:s7], [sflag:$0x1] =	stream.indirect.gather [hbm4b:s5+s6], $0x80, s12, s6, $0xb8;
	[tilespmem:$0x2400] =	vst v63  }
0x16: {  	_ =	swait.ge [sflag:s13], $0x1000  }
0x17: {  	[sflag:s13] =	ssyncset.done $0x0  }
0x18: {  	s14 =	sadd.s32 $0x42C00, s26;
	[sflag:s13] =	ssyncadd.s32 $0xFFFFF000  }
0x19: {  	[hbm4b:s14+s2] =	stream.linear.scatter [tilespmem:s9], [sflag:$0x3], $0x1000, $0x38;
	[tilespmem:$0x2400] =	vst v63  }
0x1a: {  	_ =	swait.ge [sflag:s3], $0x1000  }
0x1b: {  	[sflag:s3] =	ssyncset.done $0x0  }
0x1c: {  	s15 =	simm.s32 $0x180;
	[sflag:s3] =	ssyncadd.s32 $0xFFFFF000  }
0x1d: {  	[tilespmem:s9], [sflag:$0x2] =	stream.indirect.gather [hbm4b:s5+s6], $0x80, s15, s6, $0xb8;
	[tilespmem:$0x2400] =	vst v63  }
0x1e: {  	_ =	swait.ge [sflag:s10], $0x1000  }
0x1f: {  	[sflag:s10] =	ssyncset.done $0x0  }
0x20: {  	s16 =	sadd.s32 $0x42E00, s26;
	[sflag:s10] =	ssyncadd.s32 $0xFFFFF000  }
0x21: {  	[hbm4b:s16+s2] =	stream.linear.scatter [tilespmem:s7], [sflag:$0x3], $0x1000, $0x38;
	[tilespmem:$0x2400] =	vst v63  }
0x22: {  	_ =	swait.ge [sflag:s3], $0x1000  }
0x23: {  	[sflag:s3] =	ssyncset.done $0x0  }
0x24: {  	s17 =	simm.s32 $0x200;
	[sflag:s3] =	ssyncadd.s32 $0xFFFFF000  }
0x25: {  	[tilespmem:s7], [sflag:$0x1] =	stream.indirect.gather [hbm4b:s5+s6], $0x80, s17, s6, $0xb8;
	[tilespmem:$0x2400] =	vst v63  }
0x26: {  	_ =	swait.ge [sflag:s13], $0x1000  }
0x27: {  	[sflag:s13] =	ssyncset.done $0x0  }
0x28: {  	s18 =	sadd.s32 $0x43000, s26;
	[sflag:s13] =	ssyncadd.s32 $0xFFFFF000  }
0x29: {  	[hbm4b:s18+s2] =	stream.linear.scatter [tilespmem:s9], [sflag:$0x3], $0x1000, $0x38;
	[tilespmem:$0x2400] =	vst v63  }
0x2a: {  	_ =	swait.ge [sflag:s3], $0x1000  }
0x2b: {  	[sflag:s3] =	ssyncset.done $0x0  }
0x2c: {  	s19 =	simm.s32 $0x280;
	[sflag:s3] =	ssyncadd.s32 $0xFFFFF000  }
0x2d: {  	[tilespmem:s9], [sflag:$0x2] =	stream.indirect.gather [hbm4b:s5+s6], $0x80, s19, s6, $0xb8;
	[tilespmem:$0x2400] =	vst v63  }
0x2e: {  	_ =	swait.ge [sflag:s10], $0x1000  }
0x2f: {  	[sflag:s10] =	ssyncset.done $0x0  }
0x30: {  	s20 =	sadd.s32 $0x43200, s26;
	[sflag:s10] =	ssyncadd.s32 $0xFFFFF000  }
0x31: {  	[hbm4b:s20+s2] =	stream.linear.scatter [tilespmem:s7], [sflag:$0x3], $0x1000, $0x38;
	[tilespmem:$0x2400] =	vst v63  }
0x32: {  	_ =	swait.ge [sflag:s3], $0x1000  }
0x33: {  	[sflag:s3] =	ssyncset.done $0x0  }
0x34: {  	s21 =	simm.s32 $0x300;
	[sflag:s3] =	ssyncadd.s32 $0xFFFFF000  }
0x35: {  	[tilespmem:s7], [sflag:$0x1] =	stream.indirect.gather [hbm4b:s5+s6], $0x80, s21, s6, $0xb8;
	[tilespmem:$0x2400] =	vst v63  }
0x36: {  	_ =	swait.ge [sflag:s13], $0x1000  }
0x37: {  	[sflag:s13] =	ssyncset.done $0x0  }
0x38: {  	s22 =	sadd.s32 $0x43400, s26;
	[sflag:s13] =	ssyncadd.s32 $0xFFFFF000  }
0x39: {  	[hbm4b:s22+s2] =	stream.linear.scatter [tilespmem:s9], [sflag:$0x3], $0x1000, $0x38;
	[tilespmem:$0x2400] =	vst v63  }
0x3a: {  	_ =	swait.ge [sflag:s3], $0x1000  }
0x3b: {  	[sflag:s3] =	ssyncset.done $0x0  }
0x3c: {  	s23 =	simm.s32 $0x380;
	[sflag:s3] =	ssyncadd.s32 $0xFFFFF000  }
0x3d: {  	[tilespmem:s9], [sflag:$0x2] =	stream.indirect.gather [hbm4b:s5+s6], $0x80, s23, s6, $0xb8;
	[tilespmem:$0x2400] =	vst v63  }
0x3e: {  	_ =	swait.ge [sflag:s10], $0x1000  }
0x3f: {  	[sflag:s10] =	ssyncset.done $0x0  }
0x40: {  	s25 =	ssub.s32 $0x2, s25;
	s24 =	sadd.s32 $0x43600, s26;
	[sflag:s10] =	ssyncadd.s32 $0xFFFFF000  }
0x41: {  	[hbm4b:s24+s2] =	stream.linear.scatter [tilespmem:s7], [sflag:$0x3], $0x1000, $0x38;
	[tilespmem:$0x2400] =	vst v63  }
0x42: {  	s28 =	sshrl.u32 s25, $0x1;
	_ =	swait.ge [sflag:s3], $0x1000  }
0x43: {  	s28 =	ssub.s32 s25, s28;
	[sflag:s3] =	ssyncset.done $0x0  }
0x44: {  	s31 =	smax.u32 s28, $0x1;
	[sflag:s3] =	ssyncadd.s32 $0xFFFFF000  }
0x45: {  	p0 =	sne.s32 s31, $0x1;
	_ =	swait.ge [sflag:s13], $0x1000  }
.Ltmp0:
0x46: {  	[sflag:s13] =	ssyncset.done $0x0;
	(pc) =	sbr.rel @!p0 .LBB2_2-.Ltmp0, $4  }
0x47: {  	s25 =	sadd.s32 $0x43800, s26;
	[sflag:s13] =	ssyncadd.s32 $0xFFFFF000  }
0x48: {  	[hbm4b:s25+s2] =	stream.linear.scatter [tilespmem:s9], [sflag:$0x3], $0x1000, $0x38;
	[tilespmem:$0x2400] =	vst v63  }
0x49: {  	_ =	swait.ge [sflag:s3], $0x1000  }
0x4a: {  	s26 =	sadd.s32 $0xFFFFFFFF, s31;
	[sflag:s3] =	ssyncset.done $0x0  }
.LBB2_1:
0x4b: {  	p0 =	sne.s32 s26, $0x1;
	s26 =	sadd.s32 $0xFFFFFFFF, s26;
	[sflag:s3] =	ssyncadd.s32 $0xFFFFF000  }
0x4c: {  	[tilespmem:s2], [sflag:$0x3] =	stream.linear.gather [hbm4b:s4+s2], $0x400, $0x38;
	[tilespmem:$0x2400] =	vst v63  }
0x4d: {  	_ =	swait.ge [sflag:s3], $0x400  }
0x4e: {  	[sflag:s3] =	ssyncset.done $0x0  }
0x4f: {  	[sflag:s3] =	ssyncadd.s32 $0xFFFFFC00  }
0x50: {  	[tilespmem:s7], [sflag:$0x1] =	stream.indirect.gather [hbm4b:s5+s6], $0x80, s2, s6, $0xb8;
	[tilespmem:$0x2400] =	vst v63  }
0x51: {  	_ = 	snop  }
0x52: {  	[tilespmem:s9], [sflag:$0x2] =	stream.indirect.gather [hbm4b:s5+s6], $0x80, s8, s6, $0xb8;
	[tilespmem:$0x2400] =	vst v63  }
0x53: {  	_ =	swait.ge [sflag:s10], $0x1000  }
0x54: {  	[sflag:s10] =	ssyncset.done $0x0  }
0x55: {  	[sflag:s10] =	ssyncadd.s32 $0xFFFFF000  }
0x56: {  	[hbm4b:s11+s2] =	stream.linear.scatter [tilespmem:s7], [sflag:$0x3], $0x1000, $0x38;
	[tilespmem:$0x2400] =	vst v63  }
0x57: {  	_ =	swait.ge [sflag:s3], $0x1000  }
0x58: {  	[sflag:s3] =	ssyncset.done $0x0  }
0x59: {  	[sflag:s3] =	ssyncadd.s32 $0xFFFFF000  }
0x5a: {  	[tilespmem:s7], [sflag:$0x1] =	stream.indirect.gather [hbm4b:s5+s6], $0x80, s12, s6, $0xb8;
	[tilespmem:$0x2400] =	vst v63  }
0x5b: {  	_ =	swait.ge [sflag:s13], $0x1000  }
0x5c: {  	[sflag:s13] =	ssyncset.done $0x0  }
0x5d: {  	[sflag:s13] =	ssyncadd.s32 $0xFFFFF000  }
0x5e: {  	[hbm4b:s14+s2] =	stream.linear.scatter [tilespmem:s9], [sflag:$0x3], $0x1000, $0x38;
	[tilespmem:$0x2400] =	vst v63  }
0x5f: {  	_ =	swait.ge [sflag:s3], $0x1000  }
0x60: {  	[sflag:s3] =	ssyncset.done $0x0  }
0x61: {  	[sflag:s3] =	ssyncadd.s32 $0xFFFFF000  }
0x62: {  	[tilespmem:s9], [sflag:$0x2] =	stream.indirect.gather [hbm4b:s5+s6], $0x80, s15, s6, $0xb8;
	[tilespmem:$0x2400] =	vst v63  }
0x63: {  	_ =	swait.ge [sflag:s10], $0x1000  }
0x64: {  	[sflag:s10] =	ssyncset.done $0x0  }
0x65: {  	[sflag:s10] =	ssyncadd.s32 $0xFFFFF000  }
0x66: {  	[hbm4b:s16+s2] =	stream.linear.scatter [tilespmem:s7], [sflag:$0x3], $0x1000, $0x38;
	[tilespmem:$0x2400] =	vst v63  }
0x67: {  	_ =	swait.ge [sflag:s3], $0x1000  }
0x68: {  	[sflag:s3] =	ssyncset.done $0x0  }
0x69: {  	[sflag:s3] =	ssyncadd.s32 $0xFFFFF000  }
0x6a: {  	[tilespmem:s7], [sflag:$0x1] =	stream.indirect.gather [hbm4b:s5+s6], $0x80, s17, s6, $0xb8;
	[tilespmem:$0x2400] =	vst v63  }
0x6b: {  	_ =	swait.ge [sflag:s13], $0x1000  }
0x6c: {  	[sflag:s13] =	ssyncset.done $0x0  }
0x6d: {  	[sflag:s13] =	ssyncadd.s32 $0xFFFFF000  }
0x6e: {  	[hbm4b:s18+s2] =	stream.linear.scatter [tilespmem:s9], [sflag:$0x3], $0x1000, $0x38;
	[tilespmem:$0x2400] =	vst v63  }
0x6f: {  	_ =	swait.ge [sflag:s3], $0x1000  }
0x70: {  	[sflag:s3] =	ssyncset.done $0x0  }
0x71: {  	[sflag:s3] =	ssyncadd.s32 $0xFFFFF000  }
0x72: {  	[tilespmem:s9], [sflag:$0x2] =	stream.indirect.gather [hbm4b:s5+s6], $0x80, s19, s6, $0xb8;
	[tilespmem:$0x2400] =	vst v63  }
0x73: {  	_ =	swait.ge [sflag:s10], $0x1000  }
0x74: {  	[sflag:s10] =	ssyncset.done $0x0  }
0x75: {  	[sflag:s10] =	ssyncadd.s32 $0xFFFFF000  }
0x76: {  	[hbm4b:s20+s2] =	stream.linear.scatter [tilespmem:s7], [sflag:$0x3], $0x1000, $0x38;
	[tilespmem:$0x2400] =	vst v63  }
0x77: {  	_ =	swait.ge [sflag:s3], $0x1000  }
0x78: {  	[sflag:s3] =	ssyncset.done $0x0  }
0x79: {  	[sflag:s3] =	ssyncadd.s32 $0xFFFFF000  }
0x7a: {  	[tilespmem:s7], [sflag:$0x1] =	stream.indirect.gather [hbm4b:s5+s6], $0x80, s21, s6, $0xb8;
	[tilespmem:$0x2400] =	vst v63  }
0x7b: {  	_ =	swait.ge [sflag:s13], $0x1000  }
0x7c: {  	[sflag:s13] =	ssyncset.done $0x0  }
0x7d: {  	[sflag:s13] =	ssyncadd.s32 $0xFFFFF000  }
0x7e: {  	[hbm4b:s22+s2] =	stream.linear.scatter [tilespmem:s9], [sflag:$0x3], $0x1000, $0x38;
	[tilespmem:$0x2400] =	vst v63  }
0x7f: {  	_ =	swait.ge [sflag:s3], $0x1000  }
0x80: {  	[sflag:s3] =	ssyncset.done $0x0  }
0x81: {  	[sflag:s3] =	ssyncadd.s32 $0xFFFFF000  }
0x82: {  	[tilespmem:s9], [sflag:$0x2] =	stream.indirect.gather [hbm4b:s5+s6], $0x80, s23, s6, $0xb8;
	[tilespmem:$0x2400] =	vst v63  }
0x83: {  	_ =	swait.ge [sflag:s10], $0x1000  }
0x84: {  	[sflag:s10] =	ssyncset.done $0x0  }
0x85: {  	[sflag:s10] =	ssyncadd.s32 $0xFFFFF000  }
0x86: {  	[hbm4b:s24+s2] =	stream.linear.scatter [tilespmem:s7], [sflag:$0x3], $0x1000, $0x38;
	[tilespmem:$0x2400] =	vst v63  }
0x87: {  	_ =	swait.ge [sflag:s3], $0x1000  }
0x88: {  	[sflag:s3] =	ssyncset.done $0x0  }
0x89: {  	[sflag:s3] =	ssyncadd.s32 $0xFFFFF000  }
0x8a: {  	_ =	swait.ge [sflag:s13], $0x1000  }
.Ltmp1:
0x8b: {  	[sflag:s13] =	ssyncset.done $0x0;
	(pc) =	sbr.rel @p0 .LBB2_1-.Ltmp1, $4  }
0x8c: {  	[sflag:s13] =	ssyncadd.s32 $0xFFFFF000  }
0x8d: {  	[hbm4b:s25+s2] =	stream.linear.scatter [tilespmem:s9], [sflag:$0x3], $0x1000, $0x38;
	[tilespmem:$0x2400] =	vst v63  }
0x8e: {  	_ =	swait.ge [sflag:s3], $0x1000  }
0x8f: {  	[sflag:s3] =	ssyncset.done $0x0  }
.LBB2_2:
0x90: {  	[sflag:s3] =	ssyncadd.s32 $0xFFFFF000  }
0x91: {  	_ =	sfence.sel $0x180000  }
0x92: {  	[bflag:$0x0] =	sbarrier.arrive $0xFFFF  }
0x93: {  	p0 =	sne.s32 s0, $0x0;
	_ =	strace $0x9000004D  }
0x94: {  	s0 =	sadd.s32 @!p0 $0x100000, s1;
	[bflag:$0x2] =	sbarrier.arrive $0xFFFF  }
0x95: {  	[sflag:s0] =	ssyncadd.tile.s32 @!p0 $0x1;
	_ =	shalt  }
.Lfunc_end2:
_tile_overlayer_lowered:
.L_overlay_start_2:
0x96: {  	(tag) =	ssettag $0x2  }
0x97: {  	s0 =	rddreg [dreg:$0x0];
	s2 =	stileid.u32  }
0x98: {  	s1 =	rddreg [dreg:$0x1];
	p0 =	sne.s32 s2, $0x0  }
0x99: {  	s3 =	rddreg [dreg:$0x2];
	[bflag:$0x3] =	sbarrier.arrive $0xFFFF;
	s2 =	simm.s32 @!p0 $0x1C03  }
0x9a: {  	[timem:s3], [sflag:s2] =	dma.local @!p0 [hbm:s0], s1  }
0x9b: {  	s0 =	simm.s32 @!p0 $0x3  }
0x9c: {  	_ =	swait.ge @!p0 [sflag:s0], s1  }
0x9d: {  	s1 =	ssub.s32 @!p0 $0x0, s1;
	[sflag:s0] =	ssyncset.done @!p0 $0x0  }
0x9e: {  	[sflag:s0] =	ssyncadd.s32 @!p0 s1  }
0x9f: {  	[bflag:$0x3] =	sbarrier.arrive $0xFFFF  }
0xa0: {  	_ =	shalt  }

// kernel: kernel.6.cloned.1.call-start
scs
__scs_entry_jumppad:
0x0: {  	(pc) =	sbr.rel $0x88, $3  }
0x1: {  	(tag) =	ssettag $0x0;
	lr =	simm.s32 $0x1  }
0x2: {  	[smem:$0x3F97] =	sst lr;
	_ =	strace $0xD0000000  }
0x3: {  	_ = 	snop  }
0x4: {  	_ = 	snop  }
0x5: {  	_ = 	snop  }
0x6: {  	_ = 	snop  }
0x7: {  	_ = 	snop  }
__scs_overlays_trampoline_lowered:
0x8: {  	[smem:$0x3FA6] =	sst s0  }
0x9: {  	[smem:$0x3FA7] =	sst s1  }
0xa: {  	[smem:$0x3FA8] =	sst s2  }
0xb: {  	[smem:$0x3FA9] =	sst s3  }
0xc: {  	[smem:$0x3FAA] =	sst s4  }
0xd: {  	[smem:$0x3FAB] =	sst s5  }
0xe: {  	[smem:$0x3FAC] =	sst s6  }
0xf: {  	[smem:$0x3FAD] =	sst s7  }
0x10: {  	[smem:$0x3FAE] =	sst s8  }
0x11: {  	[smem:$0x3FAF] =	sst s9;
	s0 =	simm.s32 @!p0 $0x0  }
0x12: {  	s1 =	sld [smem:$0x3F95];
	s0 =	simm.s32 @p0 $0x1  }
0x13: {  	[smem:$0x3FB0] =	sst s0;
	s0 =	simm.s32 @!p1 $0x0  }
0x14: {  	s2 =	sld [smem:$0x3F94];
	s0 =	simm.s32 @p1 $0x1  }
0x15: {  	[smem:$0x3FB1] =	sst s0;
	s0 =	simm.s32 @!p2 $0x0  }
0x16: {  	s3 =	sld [smem:$0x3FDB];
	s0 =	simm.s32 @p2 $0x1  }
0x17: {  	s4 =	simm.s32 $0x1BF5;
	[smem:$0x3FB3] =	sst s0  }
0x18: {  	s0 =	sld [smem:$0x3F96];
	_ =	swait.ge [sflag:s4], $0x0  }
0x19: {  	s7 =	sld [smem:$0x3F97]  }
0x1a: {  	s8 =	sadd.s32 $0xFFFFE003, lr  }
0x1b: {  	s9 =	sadd.s32 $0xFFFFFEF7, lr;
	s5 =	simm.s32 $0xFFFFFFFF;
	p2 =	slt.u32 s8, $0xFFFFF086  }
0x1c: {  	p1 =	slt.u32 s9, $0xF7A;
	s5 =	simm.s32 @!p2 $0x0  }
0x1d: {  	s5 =	simm.s32 @p1 $0x1;
	p0 =	seq.s32 s7, s2  }
0x1e: {  	s7 =	smul.u32 @!p0 $0xF7A, s2;
	p2 =	seq.s32 @!p0 s5, $0x0  }
0x1f: {  	s9 =	smul.u32 $0xF7A, s1;
	s8 =	simm.s32 @!p0 $0x1BF5;
	p2 =	por !p2, p0  }
0x20: {  	[sflag:s8] =	ssyncset.s32 @!p0 $0xFFFFF086;
	s6 =	sadd.s32 @!p0 s3, s7;
	s7 =	simm.s32 @!p0 $0x108  }
0x21: {  	s3 =	sadd.s32 s3, s9;
	s6 =	sadd.s32 @!p0 $0x88, s6;
	s7 =	simm.s32 @p2 $0x1082  }
0x22: {  	[simem:s7], [sflag:s8] =	dma.local @!p0 [hbm:s6], $0xF7A  }
0x23: {  	s9 =	sor.u32 $0xD0000000, s2;
	s6 =	simm.s32 $0x108;
	_ =	swait.ge @!p0 [sflag:s8], $0x0  }
0x24: {  	s3 =	sadd.s32 $0x88, s3;
	s6 =	simm.s32 @!p1 $0x1082;
	[sflag:s4] =	ssyncset.s32 $0xFFFFF086  }
0x25: {  	[simem:s6], [sflag:s4] =	dma.local [hbm:s3], $0xF7A  }
0x26: {  	[smem:$0x3F97] =	sst s1;
	(tag) =	ssettag s2;
	_ =	strace s9  }
0x27: {  	s1 =	sld [smem:$0x3FA7]  }
0x28: {  	s2 =	sld [smem:$0x3FA8]  }
0x29: {  	s4 =	sld [smem:$0x3FAA]  }
0x2a: {  	p0 =	seq.s32 s5, $0x0;
	s5 =	sld [smem:$0x3FAB]  }
0x2b: {  	s6 =	sld [smem:$0x3FAC]  }
0x2c: {  	s7 =	sld [smem:$0x3FAD]  }
0x2d: {  	s3 =	simm.s32 $0x108;
	s8 =	sld [smem:$0x3FAE]  }
0x2e: {  	s3 =	simm.s32 @!p0 $0x1082;
	s9 =	sld [smem:$0x3FAF]  }
0x2f: {  	lr =	sadd.s32 s0, s3;
	s0 =	sld [smem:$0x3FA6]  }
0x30: {  	s3 =	sld [smem:$0x3FA9]  }
0x31: {  	[smem:$0x3FB2] =	sst s10  }
0x32: {  	s10 =	sld [smem:$0x3FB0];
	_ =	sdelay $0x3  }
0x33: {  	p0 =	seq.s32 s10, $0x1;
	s10 =	sld [smem:$0x3FB2];
	_ =	sdelay $0x3  }
0x34: {  	[smem:$0x3FB2] =	sst s10  }
0x35: {  	s10 =	sld [smem:$0x3FB1];
	_ =	sdelay $0x3  }
0x36: {  	p1 =	seq.s32 s10, $0x1;
	s10 =	sld [smem:$0x3FB2];
	_ =	sdelay $0x3  }
0x37: {  	[smem:$0x3FB2] =	sst s10  }
0x38: {  	s10 =	sld [smem:$0x3FB3]  }
0x39: {  	_ = 	snop;
	(pc) =	sbr.ind lr, $3  }
0x3a: {  	_ = 	snop  }
0x3b: {  	_ = 	snop  }
0x3c: {  	p2 =	seq.s32 s10, $0x1;
	s10 =	sld [smem:$0x3FB2]  }
0x3d: {  	_ =	shalt  }
0x3e: {  	_ =	shalt  }
0x3f: {  	_ =	shalt  }
0x40: {  	_ =	shalt  }
0x41: {  	_ =	shalt  }
0x42: {  	_ =	shalt  }
0x43: {  	_ =	shalt  }
0x44: {  	_ =	shalt  }
0x45: {  	_ =	shalt  }
0x46: {  	_ =	shalt  }
0x47: {  	_ =	shalt  }
0x48: {  	_ =	shalt  }
0x49: {  	_ =	shalt  }
0x4a: {  	_ =	shalt  }
0x4b: {  	_ =	shalt  }
0x4c: {  	_ =	shalt  }
0x4d: {  	_ =	shalt  }
0x4e: {  	_ =	shalt  }
0x4f: {  	_ =	shalt  }
0x50: {  	_ =	shalt  }
0x51: {  	_ =	shalt  }
0x52: {  	_ =	shalt  }
0x53: {  	_ =	shalt  }
0x54: {  	_ =	shalt  }
0x55: {  	_ =	shalt  }
0x56: {  	_ =	shalt  }
0x57: {  	_ =	shalt  }
0x58: {  	_ =	shalt  }
0x59: {  	_ =	shalt  }
0x5a: {  	_ =	shalt  }
0x5b: {  	_ =	shalt  }
0x5c: {  	_ =	shalt  }
0x5d: {  	_ =	shalt  }
0x5e: {  	_ =	shalt  }
0x5f: {  	_ =	shalt  }
0x60: {  	_ =	shalt  }
0x61: {  	_ =	shalt  }
0x62: {  	_ =	shalt  }
0x63: {  	_ =	shalt  }
0x64: {  	_ =	shalt  }
0x65: {  	_ =	shalt  }
0x66: {  	_ =	shalt  }
0x67: {  	_ =	shalt  }
0x68: {  	_ =	shalt  }
0x69: {  	_ =	shalt  }
0x6a: {  	_ =	shalt  }
0x6b: {  	_ =	shalt  }
0x6c: {  	_ =	shalt  }
0x6d: {  	_ =	shalt  }
0x6e: {  	_ =	shalt  }
0x6f: {  	_ =	shalt  }
0x70: {  	_ =	shalt  }
0x71: {  	_ =	shalt  }
0x72: {  	_ =	shalt  }
0x73: {  	_ =	shalt  }
0x74: {  	_ =	shalt  }
0x75: {  	_ =	shalt  }
0x76: {  	_ =	shalt  }
0x77: {  	_ =	shalt  }
0x78: {  	_ =	shalt  }
0x79: {  	_ =	shalt  }
0x7a: {  	_ =	shalt  }
0x7b: {  	_ =	shalt  }
0x7c: {  	_ =	shalt  }
0x7d: {  	_ =	shalt  }
0x7e: {  	_ =	shalt  }
0x7f: {  	_ =	shalt  }
0x80: {  	_ =	shalt  }
0x81: {  	_ =	shalt  }
0x82: {  	_ =	shalt  }
0x83: {  	_ =	shalt  }
0x84: {  	_ =	shalt  }
0x85: {  	_ =	shalt  }
0x86: {  	_ =	shalt  }
0x87: {  	_ =	shalt  }
.Lfunc_end0:
.L_simem_size_0:
called_computation_lowered:
.L_overlay_start_0:
0x88: {  	s2 =	sld [smem:$0x3FD9]  }
0x89: {  	s3 =	sld [smem:$0x3FFE];
	_ =	sdelay $0x1  }
0x8a: {  	s1 =	srdreg.scid  }
0x8b: {  	s0 =	sand.u32 $0x1, s1  }
0x8c: {  	s14 =	sshll.u32 s0, $0xA;
	s2 =	sadd.s32 s3, s2  }
0x8d: {  	s2 =	sadd.s32 s2, s14  }
0x8e: {  	[smem:$0x3FBE] =	sst s2  }
0x8f: {  	_ = 	snop  }
0x90: {  	s2 =	sld [smem:$0x3FD0];
	_ =	sdelay $0x2  }
0x91: {  	s4 =	simm.s32 $0xA;
	s5 =	simm.s32 $0x10;
	s15 =	sld [smem:$0x3FC8]  }
0x92: {  	[smem:s5], [sflag:s4] =	dma.local [hbm:s2], $0x1  }
0x93: {  	_ =	swait.eq [sflag:s4], $0x1  }
0x94: {  	[sflag:s4] =	ssyncset.done $0x0  }
0x95: {  	[sflag:s4] =	ssyncadd.s32 $0xFFFFFFFF  }
0x96: {  	s16 =	sld [smem:$0x10];
	(tm) =	ssettm $0x1  }
0x97: {  	s17 =	sld [smem:$0x3FFB];
	_ =	sdelay $0x3  }
0x98: {  	_ =	strace s17  }
0x99: {  	s4 =	sld [smem:$0x3FFC];
	_ =	sdelay $0x3  }
0x9a: {  	_ =	strace s4  }
0x9b: {  	s4 =	sld [smem:$0x3FFD];
	_ =	sdelay $0x3  }
0x9c: {  	_ =	strace s4  }
0x9d: {  	_ =	strace $0x8FFFFFFF  }
0x9e: {  	s18 =	sld [smem:$0x3FDB];
	_ =	sdelay $0x1  }
0x9f: {  	s19 =	simm.s32 $_scs_section_size  }
0xa0: {  	s6 =	simm.s32 $_size__tile_overlayer_lowered;
	s7 =	simm.s32 $_tile_overlayer_lowered  }
0xa1: {  	s22 =	simm.s32 $0x1BFF;
	s21 =	sshll.u32 s7, $0x1;
	s4 =	sadd.s32 s19, s18  }
0xa2: {  	s8 =	simm.s32 $0x0;
	s20 =	sshll.u32 s6, $0x1;
	s6 =	sadd.s32 s21, s4  }
0xa3: {  	[timem:s8], [sflag:s22] =	dma.local [hbm:s6], s20  }
0xa4: {  	_ =	swait.ge [sflag:s22], s20  }
0xa5: {  	s5 =	ssub.s32 $0x0, s20;
	[sflag:s22] =	ssyncset.done $0x0  }
0xa6: {  	[sflag:s22] =	ssyncadd.s32 s5;
	_ =	sdelay $0x1  }
0xa7: {  	s23 =	simm.s32 $0x1B8B  }
0xa8: {  	_ =	swait.ge [sflag:s23], $0x1  }
0xa9: {  	[sflag:s23] =	ssyncset.done $0x0  }
0xaa: {  	s25 =	simm.s32 $0x1B8E;
	s24 =	sld [smem:$0x3FFE];
	[sflag:s23] =	ssyncadd.s32 $0xFFFFFFFF  }
0xab: {  	s26 =	simm.s32 $execute0_lowered;
	[smem:$0x3FD2] =	sst s25  }
0xac: {  	s6 =	sshll.u32 s26, $0x1;
	_ =	strace $0x80000046;
	[dreg:$0x1] =	wrdreg $0xFFFFFFFF  }
0xad: {  	s28 =	simm.s32 $_size_execute0_lowered;
	s4 =	sadd.s32 s4, s6;
	[dreg:$0x0] =	wrdreg $0x0  }
0xae: {  	s6 =	sshll.u32 s28, $0x1;
	[dreg:$0x2] =	wrdreg s4  }
0xaf: {  	[dreg:$0x3] =	wrdreg s6  }
0xb0: {  	[dreg:$0x4] =	wrdreg $0xC0  }
0xb1: {  	_ =	task [dreg:s8], $0x5FFFF  }
0xb2: {  	[dreg:$0x1] =	wrdreg $0xFFFFFFFF  }
0xb3: {  	[dreg:$0x0] =	wrdreg $0x60  }
0xb4: {  	[dreg:$0x2] =	wrdreg s15  }
0xb5: {  	[dreg:$0x3] =	wrdreg s24  }
0xb6: {  	[dreg:$0x4] =	wrdreg s16  }
0xb7: {  	[dreg:$0x5] =	wrdreg $0x9  }
0xb8: {  	_ =	task.clear_ibuf [dreg:s8], $0x6FFFF;
	_ =	strace $0x90000046  }
0xb9: {  	s29 =	simm.s32 $0x9;
	_ =	strace $0x80000048  }
0xba: {  	_ =	swait.ge [sflag:s29], $0x1  }
0xbb: {  	[sflag:s29] =	ssyncadd.s32 $0xFFFFFFFF  }
0xbc: {  	_ =	strace $0x90000048  }
0xbd: {  	_ =	sfence  }
0xbe: {  	s30 =	sld [smem:$0x0];
	_ =	sdelay $0x2  }
0xbf: {  	s31 =	sshll.u32 s1, $0xD;
	s1 =	sshrl.u32 s1, $0x2  }
0xc0: {  	s3 =	sand.u32 $0x4000, s31;
	s1 =	sadd.s32 s1, s30  }
0xc1: {  	s0 =	sor.u32 s3, s0;
	s1 =	sshll.u32 s1, $0x11  }
0xc2: {  	s0 =	sor.u32 s1, s0  }
0xc3: {  	s0 =	sadd.s32 $0x8F2B, s0  }
0xc4: {  	[sflag:s0] =	ssyncadd.remote.s32 $0x1  }
0xc5: {  	_ =	sfence.sel $0xFFFF  }
0xc6: {  	[dreg:$0x0] =	wrdreg $0xFFFFFFFF;
	(pc) =	sbr.abs _section_cstart, $3  }
0xc7: {  	[dreg:$0x1] =	wrdreg $0xFFFFFFFF  }
0xc8: {  	_ =	task.clear_ibuf [dreg:s8], $0x2FFFF;
	_ =	strace $0x9FFFFFFF  }
0xc9: {  	(tm) =	ssettm $0x7FFFFFFF  }
tec
execute0_lowered:
.L_overlay_start_1:
0x0: {  	(tag) =	ssettag $0x1  }
0x1: {  	s3 =	rddreg [dreg:$0x0]  }
0x2: {  	s1 =	srdreg.scid;
	s4 =	rddreg [dreg:$0x1]  }
0x3: {  	s0 =	stileid.u32;
	s6 =	rddreg [dreg:$0x2];
	s2 =	simm.s32 $0x0  }
0x4: {  	s11 =	simm.s32 $0x200;
	s12 =	simm.s32 $0x0;
	s5 =	sand.u32 $0x1, s1  }
0x5: {  	s26 =	sshll.u32 s0, $0x1;
	s1 =	rddreg [dreg:$0x3];
	s8 =	sshrl.u32 s0, $0x2  }
0x6: {  	[smem:$0x7FF] =	sst s2;
	s7 =	sor.u32 s5, s26;
	s10 =	sshll.u32 s8, $0xA  }
0x7: {  	_ =	strace $0x80000047;
	s28 =	ssub.s32 $0x2, s5;
	s29 =	sshll.u32 s8, $0xB  }
0x8: {  	s9 =	sshll.u32 s7, $0x7;
	s30 =	sshrl.u32 s28, $0x1;
	s7 =	sshll.u32 s7, $0x5  }
0x9: {  	vm0 =	vmmov $0x1;
	v1 =	vimm.s32 $0x0;
	s9 =	sand.u32 $0x380, s9;
	s8 =	ssub.s32 s28, s30;
	s3 =	sadd.s32 s3, s7  }
0xa: {  	v1 =	vsel vm0, $0xFFFFFFFF, v1;
	s7 =	simm.s32 $0x1;
	s10 =	sor.u32 s10, s9;
	s5 =	sor.u32 s29, s9  }
0xb: {  	vm15 =	vmmov $0x7fff;
	[tilespmem:$0x1FFE0] =	vst v1;
	v1 =	vimm.s32 $0x0;
	s9 =	simm.s32 $0x400;
	s10 =	sshrl.u32 s10, $0x3;
	s31 =	sshrl.u32 s5, $0x3  }
0xc: {  	v1 =	vsel vm15, $0xFFFFFFFF, v1;
	s10 =	sadd.s32 s10, s4;
	s4 =	sadd.s32 s6, s31;
	s6 =	smax.u32 s8, $0x1  }
0xd: {  	v0 =	vimm.s32 $0x0;
	[tilespmem:$0x1FFF0] =	vst v1;
	s8 =	simm.s32 $0x80;
	s5 =	sadd.s32 $0x2A00, s10;
	s10 =	simm.s32 $0x100  }
.LBB2_1:
0xe: {  	[tilespmem:s2], [sflag:$0x1] =	stream.linear.gather [hbm4b:s3+s2], $0x100, $0x38;
	[tilespmem:$0x280] =	vst v63  }
0xf: {  	_ =	swait.ge [sflag:s7], $0x100  }
0x10: {  	[sflag:s7] =	ssyncset.done $0x0  }
0x11: {  	s13 =	simm.s32 $0x0;
	[sflag:s7] =	ssyncadd.s32 $0xFFFFFF00  }
0x12: {  	v4 =	vld [tilespmem:s13+$0x0];
	_ =	sdelay $0x4  }
0x13: {  	vm4 =	veq.s32 v4, $0x0  }
0x14: {  	vm0 =	veq.s32 v4, $0x1;
	v1 =	vsel vm4, $0x1, v0  }
0x15: {  	vm7 =	veq.s32 v4, $0x2;
	v2 =	vsel vm0, $0x1, v0;
	(xrf0) =	vadd.scan.msk.s32 $0xffff, v1  }
0x16: {  	vm6 =	veq.s32 v4, $0x3;
	v1 =	vsel vm7, $0x1, v0;
	(xrf0) =	vadd.scan.msk.s32 $0xffff, v2  }
0x17: {  	vm9 =	veq.s32 v4, $0x4;
	v15 =	vsel vm6, $0x1, v0;
	(xrf0) =	vadd.scan.msk.s32 $0xffff, v1  }
0x18: {  	(xrf0) =	vadd.scan.msk.s32 $0xffff, v15;
	v15 =	vsel vm9, $0x1, v0  }
0x19: {  	v5 =	vadd.s32 $0xFFFFFFFF, v0;
	vm2 =	veq.s32 v4, $0x5  }
0x1a: {  	v7 =	vbroadcast v5, $0x0;
	v16 =	vsel vm2, $0x1, v0  }
0x1b: {  	v9 =	vbroadcast v5, $0x1;
	(xrf0) =	vadd.scan.msk.s32 $0xffff, v15;
	v15, _, _ =	vpop (xrf0)  }
0x1c: {  	v10 =	vbroadcast v5, $0x2;
	v7 =	vadd.s32 v15, v7;
	v15, _, _ =	vpop (xrf0)  }
0x1d: {  	v12 =	vbroadcast v5, $0x3;
	(xrf0) =	vadd.scan.msk.s32 $0xffff, v16;
	v7 =	vnsel vm4, $0x0, v7;
	v9 =	vadd.s32 v15, v9;
	v16, _, _ =	vpop (xrf0)  }
0x1e: {  	v7 =	vsel vm0, v9, v7;
	v10 =	vadd.s32 v16, v10;
	v16, _, _ =	vpop (xrf0)  }
0x1f: {  	v13 =	vbroadcast v5, $0x4;
	v7 =	vsel vm7, v10, v7;
	v10 =	vadd.s32 v16, v12;
	v12 =	vld [tilespmem:$0x1FFE0]  }
0x20: {  	v14 =	vbroadcast v5, $0x5;
	v22 =	vbroadcast v5, $0x6  }
0x21: {  	vm11 =	veq.s32 v4, $0xE;
	vm5 =	veq.s32 v4, $0xF;
	v17 =	vmpcnt.ones.xlane vm4  }
0x22: {  	vm1 =	veq.s32 v4, $0xB;
	vm12 =	veq.s32 v4, $0xC;
	vm8 =	veq.s32 v4, $0xD  }
0x23: {  	vm3 =	veq.s32 v4, $0x8;
	v15 =	vmpcnt.ones.xlane vm0;
	v9 =	vmpcnt.ones.xlane vm7  }
0x24: {  	vm7 =	veq.s32 v4, $0x9;
	v16 =	vmpcnt.ones.xlane vm6;
	vm0 =	vnez.u8 v12  }
0x25: {  	v7 =	vsel vm6, v10, v7;
	vm6 =	veq.s32 v4, $0xA;
	v12 =	vnsel vm0, $0x0, v17;
	v17, _, _ =	vpop (xrf0)  }
0x26: {  	vm0 =	vcmask $0x308;
	v10 =	vadd.s32 v0, v12;
	v12 =	vadd.s32 v17, v13  }
0x27: {  	v13 =	vsel vm0, $0x0, v15;
	v15 =	vmpcnt.ones.xlane vm9;
	vm0 =	vcmask $0x70C  }
0x28: {  	v17, _, _ =	vpop (xrf0);
	v7 =	vsel vm9, v12, v7;
	vm9 =	veq.s32 v4, $0x6;
	v10 =	vadd.s32 v13, v10  }
0x29: {  	v12 =	vadd.s32 v17, v14;
	v9 =	vsel vm0, $0x0, v9;
	v13 =	vmpcnt.ones.xlane vm2  }
0x2a: {  	vm0 =	vcmask $0xB10;
	v23 =	vsel vm2, v12, v7;
	vm2 =	veq.s32 v4, $0x7  }
0x2b: {  	v4 =	vadd.s32 v9, v10;
	v7 =	vsel vm0, $0x0, v16;
	vm0 =	vcmask $0xF14  }
0x2c: {  	v4 =	vadd.s32 v7, v4;
	v7 =	vsel vm0, $0x0, v15;
	vm0 =	vcmask $0x1318  }
0x2d: {  	v9 =	vmpcnt.ones.xlane vm9;
	v4 =	vadd.s32 v7, v4;
	v7 =	vsel vm0, $0x0, v13  }
0x2e: {  	v10 =	vmpcnt.ones.xlane vm2;
	vm0 =	vcmask $0x171C;
	v4 =	vadd.s32 v7, v4  }
0x2f: {  	v7 =	vsel vm0, $0x0, v9;
	v9 =	vmpcnt.ones.xlane vm3;
	vm0 =	vcmask $0x1B20  }
0x30: {  	v4 =	vadd.s32 v7, v4;
	v7 =	vsel vm0, $0x0, v10;
	vm0 =	vcmask $0x1F24  }
0x31: {  	v10 =	vmpcnt.ones.xlane vm7;
	v4 =	vadd.s32 v7, v4;
	v7 =	vsel vm0, $0x0, v9  }
0x32: {  	v9 =	vmpcnt.ones.xlane vm6;
	vm0 =	vcmask $0x2328;
	v4 =	vadd.s32 v7, v4  }
0x33: {  	v7 =	vsel vm0, $0x0, v10;
	v10 =	vmpcnt.ones.xlane vm1;
	vm0 =	vcmask $0x272C  }
0x34: {  	v4 =	vadd.s32 v7, v4;
	v7 =	vsel vm0, $0x0, v9;
	vm0 =	vcmask $0x2B30  }
0x35: {  	v9 =	vmpcnt.ones.xlane vm12;
	v4 =	vadd.s32 v7, v4;
	v7 =	vsel vm0, $0x0, v10  }
0x36: {  	v10 =	vmpcnt.ones.xlane vm8;
	vm0 =	vcmask $0x2F34;
	v4 =	vadd.s32 v7, v4  }
0x37: {  	v7 =	vsel vm0, $0x0, v9;
	v9 =	vmpcnt.ones.xlane vm11;
	vm0 =	vcmask $0x3338  }
0x38: {  	v4 =	vadd.s32 v7, v4;
	v7 =	vsel vm0, $0x0, v10;
	vm0 =	vcmask $0x373C  }
0x39: {  	v11 =	vbroadcast v5, $0x7;
	v4 =	vadd.s32 v7, v4;
	v7 =	vsel vm0, $0x0, v9  }
0x3a: {  	v8 =	vbroadcast v5, $0x8;
	v6 =	vbroadcast v5, $0x9;
	v4 =	vadd.s32 v7, v4;
	v7 =	vld [tilespmem:$0x1FFF0]  }
0x3b: {  	v3 =	vbroadcast v5, $0xA;
	vm10 =	vmmov vm3;
	v18 =	vsel vm1, $0x1, v0  }
0x3c: {  	v19 =	vsel vm12, $0x1, v0;
	v28 =	vsel vm8, $0x1, v0;
	vm15 =	vmmov vm11  }
0x3d: {  	v25 =	vsel vm11, $0x1, v0;
	v2 =	vbroadcast v5, $0xB;
	v1 =	vbroadcast v5, $0xC  }
0x3e: {  	vm13 =	vmmov vm7;
	v12 =	vmpcnt.ones.xlane vm5;
	vm4 =	vmmov vm9  }
0x3f: {  	v16 =	vsel vm6, $0x1, v0;
	vm14 =	vmmov vm2;
	vm0 =	vnez.u8 v7  }
0x40: {  	v13 =	vsel vm2, $0x1, v0;
	v7 =	vsel vm0, $0x0, v12;
	v12 =	vsel vm9, $0x1, v0  }
0x41: {  	v10 =	vbroadcast v5, $0xD;
	v9 =	vbroadcast v5, $0xE;
	v4 =	vadd.s32 v7, v4;
	(xrf0) =	vadd.scan.msk.s32 $0xffff, v12  }
0x42: {  	v7 =	vbroadcast v5, $0xF;
	v12 =	vsel vm3, $0x1, v0;
	v5 =	vadd.s32 $0xFFFFFFFF, v4;
	(xrf0) =	vadd.scan.msk.s32 $0xffff, v13  }
0x43: {  	vm2 =	vmmov vm5;
	v13 =	vsel vm7, $0x1, v0;
	v21 =	vbroadcast v5, $0x0;
	(xrf0) =	vadd.scan.msk.s32 $0xffff, v12  }
0x44: {  	vm7 =	vmmov vm6;
	v20 =	vbroadcast v5, $0x1;
	v17 =	vbroadcast v5, $0x2;
	(xrf0) =	vadd.scan.msk.s32 $0xffff, v13  }
0x45: {  	vm6 =	vmmov vm1;
	v15 =	vbroadcast v5, $0x3;
	v14 =	vbroadcast v5, $0x4;
	(xrf0) =	vadd.scan.msk.s32 $0xffff, v16  }
0x46: {  	vm1 =	vmmov vm12;
	v12 =	vbroadcast v5, $0x5;
	v13 =	vbroadcast v5, $0x6;
	(xrf0) =	vadd.scan.msk.s32 $0xffff, v18  }
0x47: {  	vm12 =	vmmov vm8;
	v16 =	vbroadcast v5, $0x7;
	v18 =	vbroadcast v5, $0x8;
	v24, _, _ =	vpop (xrf0);
	(xrf0) =	vadd.scan.msk.s32 $0xffff, v19  }
0x48: {  	s15 =	simm.s32 $0x40;
	s14 =	simm.s32 $0x80;
	v19 =	vbroadcast v5, $0x9;
	v26 =	vadd.s32 v24, v22;
	v24 =	vsel vm5, $0x1, v0;
	v27, _, _ =	vpop (xrf0);
	(xrf0) =	vadd.scan.msk.s32 $0xffff, v28  }
.LBB2_2:
0x49: {  	v28 =	vsel vm4, v26, v23;
	v29 =	vadd.s32 v27, v11;
	v26, _, _ =	vpop (xrf0);
	(xrf0) =	vadd.scan.msk.s32 $0xffff, v25  }
0x4a: {  	v27 =	vsel vm14, v29, v28;
	v28 =	vadd.s32 v26, v8;
	v23, _, _ =	vpop (xrf0);
	(xrf0) =	vadd.scan.msk.s32 $0xffff, v24  }
0x4b: {  	v26 =	vsel vm10, v28, v27;
	v27 =	vadd.s32 v23, v6;
	v11, _, _ =	vpop (xrf0)  }
0x4c: {  	s16 =	sshra.s32 s15, $0x2;
	v26 =	vsel vm13, v27, v26;
	v27 =	vadd.s32 v11, v3;
	v8, _, _ =	vpop (xrf0)  }
0x4d: {  	v22 =	vbroadcast v5, $0xA;
	v29 =	vld [tilespmem:s16+$0x0];
	v26 =	vsel vm7, v27, v26;
	v2 =	vadd.s32 v8, v2;
	v6, _, _ =	vpop (xrf0)  }
0x4e: {  	v25 =	vbroadcast v5, $0xB;
	v26 =	vsel vm6, v2, v26;
	v1 =	vadd.s32 v6, v1;
	v3, _, _ =	vpop (xrf0)  }
0x4f: {  	v24 =	vbroadcast v5, $0xC;
	v26 =	vsel vm1, v1, v26;
	v27 =	vadd.s32 v3, v10;
	v6, _, _ =	vpop (xrf0)  }
0x50: {  	v3 =	vmov v22;
	v22 =	vsel vm12, v27, v26;
	v6 =	vadd.s32 v6, v9;
	v8, _, _ =	vpop (xrf0)  }
0x51: {  	v23 =	vbroadcast v5, $0xD;
	v6 =	vsel vm15, v6, v22;
	v22 =	vadd.s32 v8, v7  }
0x52: {  	v11 =	vbroadcast v5, $0xE;
	v5 =	vbroadcast v5, $0xF;
	vm0 =	veq.s32 v29, $0xE  }
0x53: {  	vm5 =	veq.s32 v29, $0xC;
	vm3 =	veq.s32 v29, $0x4;
	v1 =	vmovc v24;
	v24 =	vmovc v14;
	v14 =	vimm.s32 $0x0  }
0x54: {  	vm9 =	veq.s32 v29, $0x8;
	v6 =	vsel vm2, v22, v6;
	v22 =	vmovc v13;
	v13 =	vsel vm3, $0xFFFFFFFF, v14  }
0x55: {  	vm7 =	veq.s32 v29, $0x9;
	vm6 =	veq.s32 v29, $0xA;
	vm14 =	veq.s32 v29, $0x6;
	[tilespmem:$0x1FFB0] =	vst v13;
	v13 =	vld [tilespmem:$0x1FFE0]  }
0x56: {  	vm10 =	veq.s32 v29, $0x7;
	vm8 =	veq.s32 v29, $0x1;
	vm4 =	veq.s32 v29, $0x5  }
0x57: {  	vm1 =	veq.s32 v29, $0x2;
	vm13 =	veq.s32 v29, $0x3;
	v9 =	vmovc v11;
	v11 =	vimm.s32 $0x0  }
0x58: {  	v10 =	vmovc v23;
	v23 =	vmovc v12;
	vm12 =	veq.s32 v29, $0x0;
	v12 =	vmpcnt.ones.xlane vm8;
	v8 =	vimm.s32 $0x0  }
0x59: {  	v7 =	vmovc v5;
	v5 =	vmpcnt.ones.xlane vm12;
	v8 =	vsel vm0, $0xFFFFFFFF, v8;
	vm0 =	veq.s32 v29, $0xF  }
0x5a: {  	[tilespmem:$0x1FF80] =	vst v8;
	v8 =	vsel vm0, $0xFFFFFFFF, v11;
	v11 =	vmovc v16;
	v16 =	vimm.s32 $0x0;
	vm0 =	vnez.u8 v13  }
0x5b: {  	vm2 =	veq.s32 v29, $0xB;
	v26 =	vmovc v15;
	v15 =	vsel vm1, $0xFFFFFFFF, v16;
	v5 =	vnsel vm0, $0x0, v5  }
0x5c: {  	v13 =	vmpcnt.ones.xlane vm1;
	vm1 =	vcmask $0x308;
	v4 =	vadd.s32 v4, v5  }
0x5d: {  	v5 =	vsel vm1, $0x0, v12;
	v12 =	vmpcnt.ones.xlane vm13;
	vm1 =	vcmask $0x70C  }
0x5e: {  	v4 =	vadd.s32 v5, v4;
	v5 =	vsel vm1, $0x0, v13;
	vm1 =	vcmask $0xB10  }
0x5f: {  	v13 =	vmpcnt.ones.xlane vm3;
	v4 =	vadd.s32 v5, v4;
	v5 =	vsel vm1, $0x0, v12  }
0x60: {  	v12 =	vmpcnt.ones.xlane vm4;
	vm1 =	vcmask $0xF14;
	v4 =	vadd.s32 v5, v4  }
0x61: {  	v5 =	vsel vm1, $0x0, v13;
	v13 =	vmpcnt.ones.xlane vm14;
	vm1 =	vcmask $0x1318  }
0x62: {  	v4 =	vadd.s32 v5, v4;
	v5 =	vsel vm1, $0x0, v12;
	vm1 =	vcmask $0x171C  }
0x63: {  	v12 =	vmpcnt.ones.xlane vm10;
	v4 =	vadd.s32 v5, v4;
	v5 =	vsel vm1, $0x0, v13  }
0x64: {  	v13 =	vmpcnt.ones.xlane vm9;
	vm1 =	vcmask $0x1B20;
	v4 =	vadd.s32 v5, v4  }
0x65: {  	v5 =	vsel vm1, $0x0, v12;
	v12 =	vmpcnt.ones.xlane vm7;
	vm1 =	vcmask $0x1F24  }
0x66: {  	v4 =	vadd.s32 v5, v4;
	v5 =	vsel vm1, $0x0, v13;
	vm1 =	vcmask $0x2328  }
0x67: {  	v13 =	vmpcnt.ones.xlane vm6;
	v4 =	vadd.s32 v5, v4;
	v5 =	vsel vm1, $0x0, v12  }
0x68: {  	v12 =	vmpcnt.ones.xlane vm2;
	vm1 =	vcmask $0x272C;
	v4 =	vadd.s32 v5, v4  }
0x69: {  	v5 =	vsel vm1, $0x0, v13;
	v13 =	vmpcnt.ones.xlane vm5;
	vm1 =	vcmask $0x2B30  }
0x6a: {  	v4 =	vadd.s32 v5, v4;
	v5 =	vsel vm1, $0x0, v12;
	vm1 =	vcmask $0x2F34  }
0x6b: {  	v4 =	vadd.s32 v5, v4;
	v5 =	vsel vm1, $0x0, v13;
	v13 =	vld [tilespmem:$0x1FF80];
	_ =	sdelay $0x3  }
0x6c: {  	vm15 =	veq.s32 v29, $0xD  }
0x6d: {  	v12 =	vmpcnt.ones.xlane vm15;
	vm11 =	vnez.u8 v13  }
0x6e: {  	[tilespmem:$0x1FF90] =	vst v8;
	vm1 =	vcmask $0x3338;
	v13 =	vmpcnt.ones.xlane vm11  }
0x6f: {  	v4 =	vadd.s32 v5, v4;
	v5 =	vsel vm1, $0x0, v12;
	v12 =	vld [tilespmem:$0x1FF90];
	vm1 =	vcmask $0x373C  }
0x70: {  	v4 =	vadd.s32 v5, v4;
	v5 =	vsel vm1, $0x0, v13  }
0x71: {  	v4 =	vadd.s32 v5, v4;
	v5 =	vld [tilespmem:$0x1FFF0];
	_ =	sdelay $0x2  }
0x72: {  	vm0 =	vnez.u8 v12  }
0x73: {  	v14 =	vimm.s32 $0x0;
	v12 =	vmpcnt.ones.xlane vm0  }
0x74: {  	[tilespmem:$0x1FFA0] =	vst v15;
	v14 =	vsel vm4, $0xFFFFFFFF, v14;
	vm1 =	vnez.u8 v5  }
0x75: {  	[tilespmem:$0x1FFD0] =	vst v14;
	v14 =	vsel vm12, $0x1, v0;
	v5 =	vsel vm1, $0x0, v12;
	v12 =	vld [tilespmem:$0x1FFA0]  }
0x76: {  	(xrf0) =	vadd.scan.msk.s32 $0xffff, v14;
	v13 =	vsel vm8, $0x1, v0  }
0x77: {  	(xrf0) =	vadd.scan.msk.s32 $0xffff, v13;
	v13 =	vld [tilespmem:$0x1FFB0]  }
0x78: {  	v8 =	vmov v18;
	v18 =	vimm.s32 $0x0  }
0x79: {  	v2 =	vmov v25;
	v25 =	vmov v17;
	v17 =	vsel vm8, $0xFFFFFFFF, v18  }
0x7a: {  	v14 =	vsel vm13, $0x1, v0;
	vm8 =	vmmov vm9;
	vm9 =	vnez.u8 v12  }
0x7b: {  	vm3 =	vmmov vm5;
	vm5 =	vmmov vm15;
	v12 =	vsel vm9, $0x1, v0  }
0x7c: {  	vm15 =	vmmov vm12;
	vm12 =	vmmov vm3;
	vm3 =	vnez.u8 v13;
	(xrf0) =	vadd.scan.msk.s32 $0xffff, v12  }
0x7d: {  	v16 =	vsel vm4, $0x1, v0;
	v13 =	vsel vm3, $0x1, v0;
	(xrf0) =	vadd.scan.msk.s32 $0xffff, v14  }
0x7e: {  	v18 =	vsel vm14, $0x1, v0;
	(xrf0) =	vadd.scan.msk.s32 $0xffff, v13  }
0x7f: {  	(xrf0) =	vadd.scan.msk.s32 $0xffff, v16  }
0x80: {  	[tilespmem:s13+$0x100] =	vst v6;
	v6 =	vmov v19;
	v19 =	vsel vm10, $0x1, v0;
	v16, _, _ =	vpop (xrf0);
	(xrf0) =	vadd.scan.msk.s32 $0xffff, v18  }
0x81: {  	[tilespmem:$0x1FFC0] =	vst v17;
	v29 =	vsel vm8, $0x1, v0;
	v18, _, _ =	vpop (xrf0);
	(xrf0) =	vadd.scan.msk.s32 $0xffff, v19  }
0x82: {  	v30 =	vsel vm7, $0x1, v0;
	v33, _, _ =	vpop (xrf0);
	(xrf0) =	vadd.scan.msk.s32 $0xffff, v29;
	v29 =	vld [tilespmem:$0x1FFC0]  }
0x83: {  	v31 =	vsel vm6, $0x1, v0;
	vm1 =	vmmov vm2;
	vm2 =	vmmov vm13  }
0x84: {  	v27 =	vmovc v21;
	vm13 =	vmmov vm7;
	vm7 =	vmmov vm6;
	vm6 =	vmmov vm1  }
0x85: {  	v32 =	vsel vm1, $0x1, v0;
	vm1 =	vmmov vm12;
	v16 =	vadd.s32 v16, v27  }
0x86: {  	v28 =	vmovc v20;
	v27 =	vsel vm12, $0x1, v0;
	vm12 =	vmmov vm5;
	v19 =	vnsel vm15, $0x0, v16  }
0x87: {  	v18 =	vadd.s32 v18, v28;
	v28 =	vsel vm5, $0x1, v0;
	vm5 =	vnez.u8 v29  }
0x88: {  	v4 =	vadd.s32 v5, v4;
	v18 =	vsel vm5, v18, v19;
	v19 =	vadd.s32 v33, v25;
	v25, _, _ =	vpop (xrf0);
	(xrf0) =	vadd.scan.msk.s32 $0xffff, v30  }
0x89: {  	vm4 =	vmmov vm14;
	vm14 =	vmmov vm10;
	v5 =	vadd.s32 $0xFFFFFFFF, v4;
	v29, _, _ =	vpop (xrf0);
	(xrf0) =	vadd.scan.msk.s32 $0xffff, v31  }
0x8a: {  	v21 =	vbroadcast v5, $0x0;
	v20 =	vbroadcast v5, $0x1;
	v24 =	vadd.s32 v29, v24;
	v29, _, _ =	vpop (xrf0);
	(xrf0) =	vadd.scan.msk.s32 $0xffff, v32  }
0x8b: {  	v17 =	vbroadcast v5, $0x2;
	v15 =	vbroadcast v5, $0x3;
	v62 =	vadd.s32 v25, v26;
	v26, _, _ =	vpop (xrf0);
	(xrf0) =	vadd.scan.msk.s32 $0xffff, v27;
	v27 =	vld [tilespmem:$0x1FFD0]  }
0x8c: {  	p0 =	sne.s32 s14, $0x3C0;
	vm10 =	vmmov vm8;
	v12 =	vbroadcast v5, $0x5;
	v14 =	vbroadcast v5, $0x4  }
.Ltmp0:
0x8d: {  	v13 =	vbroadcast v5, $0x6;
	v16 =	vbroadcast v5, $0x7;
	v19 =	vsel vm9, v19, v18;
	(pc) =	sbr.rel @p0 .LBB2_2-.Ltmp0, $4  }
0x8e: {  	vm15 =	vmmov vm11;
	v25 =	vsel vm11, $0x1, v0;
	v63 =	vsel vm2, v62, v19  }
0x8f: {  	v18 =	vbroadcast v5, $0x8;
	v19 =	vbroadcast v5, $0x9;
	v24 =	vsel vm3, v24, v63  }
0x90: {  	v23 =	vadd.s32 v29, v23;
	v26 =	vadd.s32 v26, v22;
	vm2 =	vnez.u8 v27  }
0x91: {  	s15 =	smov.u32 s14;
	s14 =	sadd.s32 $0x40, s14;
	s13 =	smov.u32 s16;
	v27, _, _ =	vpop (xrf0);
	(xrf0) =	vadd.scan.msk.s32 $0xffff, v28;
	v23 =	vsel vm2, v23, v24;
	vm2 =	vmmov vm0;
	v24 =	vsel vm0, $0x1, v0  }
0x92: {  	s14 =	sshra.s32 s15, $0x2;
	v23 =	vsel vm4, v26, v23;
	v11 =	vadd.s32 v27, v11;
	v31, _, _ =	vpop (xrf0)  }
0x93: {  	v22 =	vld [tilespmem:s14+$0x0];
	v11 =	vsel vm14, v11, v23;
	v8 =	vadd.s32 v31, v8;
	v32, _, _ =	vpop (xrf0)  }
0x94: {  	v8 =	vsel vm10, v8, v11;
	v6 =	vadd.s32 v32, v6;
	v33, _, _ =	vpop (xrf0)  }
0x95: {  	v6 =	vsel vm13, v6, v8;
	v3 =	vadd.s32 v33, v3;
	v34, _, _ =	vpop (xrf0)  }
0x96: {  	v29 =	vbroadcast v5, $0xB;
	v3 =	vsel vm7, v3, v6;
	v2 =	vadd.s32 v34, v2;
	v35, _, _ =	vpop (xrf0)  }
0x97: {  	v30 =	vbroadcast v5, $0xC;
	v2 =	vsel vm6, v2, v3;
	v1 =	vadd.s32 v35, v1  }
0x98: {  	vm6 =	vcmask $0x171C;
	vm3 =	veq.s32 v22, $0x0;
	vm9 =	veq.s32 v22, $0x1  }
0x99: {  	(xrf0) =	vadd.scan.msk.s32 $0xffff, v25;
	v1 =	vsel vm1, v1, v2;
	vm8 =	veq.s32 v22, $0x2;
	vm5 =	veq.s32 v22, $0x3  }
0x9a: {  	(xrf0) =	vadd.scan.msk.s32 $0xffff, v24;
	vm0 =	veq.s32 v22, $0x6;
	vm10 =	veq.s32 v22, $0x5;
	vm11 =	veq.s32 v22, $0x7  }
0x9b: {  	vm13 =	veq.s32 v22, $0x9;
	vm14 =	veq.s32 v22, $0xA;
	vm7 =	veq.s32 v22, $0xC  }
0x9c: {  	v36 =	vsel vm3, $0x1, v0;
	v3, _, _ =	vpop (xrf0);
	v38 =	vsel vm8, $0x1, v0;
	v39 =	vsel vm10, $0x1, v0  }
0x9d: {  	v40 =	vsel vm0, $0x1, v0;
	v2 =	vadd.s32 v3, v10;
	v3 =	vsel vm9, $0x1, v0  }
0x9e: {  	v42 =	vsel vm11, $0x1, v0;
	v43 =	vmpcnt.ones.xlane vm9;
	v45 =	vmpcnt.ones.xlane vm8;
	(xrf0) =	vadd.scan.msk.s32 $0xffff, v36  }
0x9f: {  	v48 =	vsel vm13, $0x1, v0;
	v50 =	vmpcnt.ones.xlane vm5;
	v53 =	vsel vm14, $0x1, v0;
	v37, _, _ =	vpop (xrf0);
	(xrf0) =	vadd.scan.msk.s32 $0xffff, v3  }
0xa0: {  	v55 =	vmpcnt.ones.xlane vm10;
	v1 =	vsel vm12, v2, v1;
	v2 =	vadd.s32 v37, v9;
	v3, _, _ =	vpop (xrf0)  }
0xa1: {  	v1 =	vsel vm15, v2, v1;
	(xrf0) =	vadd.scan.msk.s32 $0xffff, v38;
	v2 =	vadd.s32 v3, v7;
	v3 =	vsel vm5, $0x1, v0  }
0xa2: {  	v62 =	vmpcnt.ones.xlane vm0;
	v63 =	vmpcnt.ones.xlane vm11;
	vm15 =	veq.s32 v22, $0x4  }
0xa3: {  	v26 =	vmpcnt.ones.xlane vm13;
	v1 =	vsel vm2, v2, v1;
	(xrf0) =	vadd.scan.msk.s32 $0xffff, v3;
	v2 =	vsel vm15, $0x1, v0  }
0xa4: {  	v32 =	vld [tilespmem:$0x1FFE0];
	v27 =	vsel vm7, $0x1, v0;
	v33 =	vmpcnt.ones.xlane vm14;
	vm12 =	veq.s32 v22, $0x8;
	(xrf0) =	vadd.scan.msk.s32 $0xffff, v2;
	v3, _, _ =	vpop (xrf0)  }
0xa5: {  	v46 =	vsel vm12, $0x1, v0;
	v23 =	vmpcnt.ones.xlane vm12;
	(xrf0) =	vadd.scan.msk.s32 $0xffff, v39;
	v2 =	vadd.s32 v3, v21;
	v41, _, _ =	vpop (xrf0)  }
0xa6: {  	v52 =	vmpcnt.ones.xlane vm15;
	(xrf0) =	vadd.scan.msk.s32 $0xffff, v40;
	v2 =	vnsel vm3, $0x0, v2;
	v6 =	vadd.s32 v41, v20  }
0xa7: {  	v3 =	vmpcnt.ones.xlane vm3;
	v21 =	vbroadcast v5, $0xA;
	(xrf0) =	vadd.scan.msk.s32 $0xffff, v42;
	v44, _, _ =	vpop (xrf0);
	v2 =	vsel vm9, v6, v2  }
0xa8: {  	v6 =	vadd.s32 v44, v17;
	(xrf0) =	vadd.scan.msk.s32 $0xffff, v46;
	vm9 =	vcmask $0x308;
	v46 =	vsel vm6, $0x0, v62  }
0xa9: {  	v47, _, _ =	vpop (xrf0);
	v2 =	vsel vm8, v6, v2;
	vm8 =	vnez.u8 v32;
	v34 =	vsel vm9, $0x0, v43  }
0xaa: {  	v43 =	vbroadcast v5, $0xD;
	vm9 =	vcmask $0x2328;
	v49 =	vadd.s32 v47, v15  }
0xab: {  	v51, _, _ =	vpop (xrf0);
	v3 =	vnsel vm8, $0x0, v3;
	vm8 =	vcmask $0x1F24;
	v2 =	vsel vm5, v49, v2  }
0xac: {  	(xrf0) =	vadd.scan.msk.s32 $0xffff, v48;
	v6 =	vadd.s32 v51, v14;
	v54, _, _ =	vpop (xrf0);
	v3 =	vadd.s32 v4, v3;
	v49 =	vbroadcast v5, $0xE  }
0xad: {  	(xrf0) =	vadd.scan.msk.s32 $0xffff, v53;
	v2 =	vsel vm15, v6, v2;
	v56 =	vadd.s32 v54, v12;
	v57, _, _ =	vpop (xrf0);
	vm15 =	veq.s32 v22, $0xB  }
0xae: {  	v3 =	vadd.s32 v34, v3;
	v2 =	vsel vm10, v56, v2;
	v58 =	vadd.s32 v57, v13  }
0xaf: {  	v59, _, _ =	vpop (xrf0);
	v60 =	vsel vm15, $0x1, v0;
	vm10 =	vcmask $0x70C;
	v37 =	vmpcnt.ones.xlane vm15  }
0xb0: {  	v2 =	vsel vm0, v58, v2;
	v61 =	vadd.s32 v59, v16;
	(xrf0) =	vadd.scan.msk.s32 $0xffff, v60;
	vm0 =	veq.s32 v22, $0xD  }
0xb1: {  	v20, _, _ =	vpop (xrf0);
	v36 =	vsel vm10, $0x0, v45;
	v45 =	vmpcnt.ones.xlane vm7;
	vm10 =	vcmask $0x272C  }
0xb2: {  	v2 =	vsel vm11, v61, v2;
	v11 =	vadd.s32 v20, v18;
	v24, _, _ =	vpop (xrf0);
	v38 =	vsel vm0, $0x1, v0  }
0xb3: {  	vm11 =	veq.s32 v22, $0xE;
	v3 =	vadd.s32 v36, v3;
	v53 =	vmpcnt.ones.xlane vm0;
	v28, _, _ =	vpop (xrf0);
	(xrf0) =	vadd.scan.msk.s32 $0xffff, v27  }
0xb4: {  	v2 =	vsel vm12, v11, v2;
	v25 =	vadd.s32 v24, v19;
	vm12 =	vcmask $0xB10  }
0xb5: {  	v41 =	vsel vm11, $0x1, v0;
	v56 =	vmpcnt.ones.xlane vm11;
	v2 =	vsel vm13, v25, v2  }
0xb6: {  	v31 =	vadd.s32 v28, v21;
	v39 =	vsel vm12, $0x0, v50;
	vm13 =	vcmask $0xF14;
	v35, _, _ =	vpop (xrf0);
	(xrf0) =	vadd.scan.msk.s32 $0xffff, v38  }
0xb7: {  	v50 =	vsel vm8, $0x0, v23;
	vm12 =	vcmask $0x2F34;
	v2 =	vsel vm14, v31, v2;
	(xrf0) =	vadd.scan.msk.s32 $0xffff, v41  }
0xb8: {  	v3 =	vadd.s32 v39, v3;
	v40 =	vsel vm13, $0x0, v52;
	vm14 =	vcmask $0x1318  }
0xb9: {  	v52 =	vsel vm9, $0x0, v26;
	v3 =	vadd.s32 v40, v3;
	v7 =	vadd.s32 v35, v29;
	v42, _, _ =	vpop (xrf0)  }
0xba: {  	v6 =	vsel vm14, $0x0, v55;
	v2 =	vsel vm15, v7, v2;
	v44 =	vadd.s32 v42, v30  }
0xbb: {  	v3 =	vadd.s32 v6, v3;
	v2 =	vsel vm7, v44, v2;
	vm7 =	vcmask $0x1B20  }
0xbc: {  	v55 =	vsel vm10, $0x0, v33;
	v3 =	vadd.s32 v46, v3;
	v47 =	vsel vm7, $0x0, v63;
	v51, _, _ =	vpop (xrf0)  }
0xbd: {  	vm15 =	veq.s32 v22, $0xF;
	v3 =	vadd.s32 v47, v3;
	v6 =	vadd.s32 v51, v43;
	v54, _, _ =	vpop (xrf0)  }
0xbe: {  	v3 =	vadd.s32 v50, v3;
	v2 =	vsel vm0, v6, v2;
	v4 =	vadd.s32 v54, v49  }
0xbf: {  	v3 =	vadd.s32 v52, v3;
	v2 =	vsel vm11, v4, v2;
	vm11 =	vcmask $0x2B30  }
0xc0: {  	v48 =	vsel vm15, $0x1, v0;
	v3 =	vadd.s32 v55, v3;
	v57 =	vsel vm11, $0x0, v37  }
0xc1: {  	v59 =	vsel vm12, $0x0, v45;
	vm13 =	vcmask $0x3338;
	(xrf0) =	vadd.scan.msk.s32 $0xffff, v48;
	v3 =	vadd.s32 v57, v3  }
0xc2: {  	v60 =	vsel vm13, $0x0, v53;
	vm14 =	vcmask $0x373C;
	v3 =	vadd.s32 v59, v3  }
0xc3: {  	v63 =	vsel vm14, $0x0, v56;
	v3 =	vadd.s32 v60, v3  }
0xc4: {  	[tilespmem:s13+$0x100] =	vst v1;
	v1 =	vadd.s32 v63, v3;
	v3 =	vld [tilespmem:$0x1FFF0];
	_ =	sdelay $0x1  }
0xc5: {  	v58 =	vbroadcast v5, $0xF  }
0xc6: {  	v62, _, _ =	vpop (xrf0)  }
0xc7: {  	v61 =	vmpcnt.ones.xlane vm15;
	v5 =	vadd.s32 v62, v58  }
0xc8: {  	v2 =	vsel vm15, v5, v2;
	vm15 =	vnez.u8 v3  }
0xc9: {  	v3 =	vsel vm15, $0x0, v61  }
0xca: {  	[tilespmem:s14+$0x100] =	vst v2;
	v1 =	vadd.s32 v3, v1  }
0xcb: {  	[tilespmem:$0x200] =	vst v1  }
0xcc: {  	[hbm4b:s4+s8] =	stream.strided.scatter [tilespmem:s10], [sflag:$0x1], $0x100, s9, s8, $0x38;
	[tilespmem:$0x280] =	vst v63  }
0xcd: {  	s12 =	sadd.s32 $0x1, s12;
	_ =	swait.ge [sflag:s7], $0x100  }
0xce: {  	p0 =	sne.s32 s12, s6;
	[sflag:s7] =	ssyncset.done $0x0  }
.Ltmp1:
0xcf: {  	[sflag:s7] =	ssyncadd.s32 $0xFFFFFF00;
	(pc) =	sbr.rel @p0 .LBB2_1-.Ltmp1, $4  }
0xd0: {  	[hbm4b:s5+s2] =	stream.linear.scatter [tilespmem:s11], [sflag:$0x1], $0x80, $0x38;
	[tilespmem:$0x280] =	vst v63  }
0xd1: {  	_ =	swait.ge [sflag:s7], $0x80  }
0xd2: {  	[sflag:s7] =	ssyncset.done $0x0  }
0xd3: {  	[sflag:s7] =	ssyncadd.s32 $0xFFFFFF80  }
0xd4: {  	_ =	sfence.sel $0x180000  }
0xd5: {  	[bflag:$0x0] =	sbarrier.arrive $0xFFFF  }
0xd6: {  	p0 =	sne.s32 s0, $0x0;
	_ =	strace $0x90000047  }
0xd7: {  	s0 =	sadd.s32 @!p0 $0x100000, s1;
	[bflag:$0x2] =	sbarrier.arrive $0xFFFF  }
0xd8: {  	[sflag:s0] =	ssyncadd.tile.s32 @!p0 $0x1;
	_ =	shalt  }
.Lfunc_end2:
_tile_overlayer_lowered:
.L_overlay_start_2:
0xd9: {  	(tag) =	ssettag $0x2  }
0xda: {  	s0 =	rddreg [dreg:$0x0];
	s2 =	stileid.u32  }
0xdb: {  	s1 =	rddreg [dreg:$0x1];
	p0 =	sne.s32 s2, $0x0  }
0xdc: {  	s3 =	rddreg [dreg:$0x2];
	[bflag:$0x3] =	sbarrier.arrive $0xFFFF;
	s2 =	simm.s32 @!p0 $0x1C01  }
0xdd: {  	[timem:s3], [sflag:s2] =	dma.local @!p0 [hbm:s0], s1  }
0xde: {  	s0 =	simm.s32 @!p0 $0x1  }
0xdf: {  	_ =	swait.ge @!p0 [sflag:s0], s1  }
0xe0: {  	s1 =	ssub.s32 @!p0 $0x0, s1;
	[sflag:s0] =	ssyncset.done @!p0 $0x0  }
0xe1: {  	[sflag:s0] =	ssyncadd.s32 @!p0 s1  }
0xe2: {  	[bflag:$0x3] =	sbarrier.arrive $0xFFFF  }
0xe3: {  	_ =	shalt  }

// kernel: kernel.9.cloned.1.call-start
scs
__scs_entry_jumppad:
0x0: {  	(pc) =	sbr.rel $0x88, $3  }
0x1: {  	(tag) =	ssettag $0x0;
	lr =	simm.s32 $0x1  }
0x2: {  	[smem:$0x3F97] =	sst lr;
	_ =	strace $0xD0000000  }
0x3: {  	_ = 	snop  }
0x4: {  	_ = 	snop  }
0x5: {  	_ = 	snop  }
0x6: {  	_ = 	snop  }
0x7: {  	_ = 	snop  }
__scs_overlays_trampoline_lowered:
0x8: {  	[smem:$0x3FA6] =	sst s0  }
0x9: {  	[smem:$0x3FA7] =	sst s1  }
0xa: {  	[smem:$0x3FA8] =	sst s2  }
0xb: {  	[smem:$0x3FA9] =	sst s3  }
0xc: {  	[smem:$0x3FAA] =	sst s4  }
0xd: {  	[smem:$0x3FAB] =	sst s5  }
0xe: {  	[smem:$0x3FAC] =	sst s6  }
0xf: {  	[smem:$0x3FAD] =	sst s7  }
0x10: {  	[smem:$0x3FAE] =	sst s8  }
0x11: {  	[smem:$0x3FAF] =	sst s9;
	s0 =	simm.s32 @!p0 $0x0  }
0x12: {  	s1 =	sld [smem:$0x3F95];
	s0 =	simm.s32 @p0 $0x1  }
0x13: {  	[smem:$0x3FB0] =	sst s0;
	s0 =	simm.s32 @!p1 $0x0  }
0x14: {  	s2 =	sld [smem:$0x3F94];
	s0 =	simm.s32 @p1 $0x1  }
0x15: {  	[smem:$0x3FB1] =	sst s0;
	s0 =	simm.s32 @!p2 $0x0  }
0x16: {  	s3 =	sld [smem:$0x3FDB];
	s0 =	simm.s32 @p2 $0x1  }
0x17: {  	s4 =	simm.s32 $0x1BF5;
	[smem:$0x3FB3] =	sst s0  }
0x18: {  	s0 =	sld [smem:$0x3F96];
	_ =	swait.ge [sflag:s4], $0x0  }
0x19: {  	s7 =	sld [smem:$0x3F97]  }
0x1a: {  	s8 =	sadd.s32 $0xFFFFE003, lr  }
0x1b: {  	s9 =	sadd.s32 $0xFFFFFEF7, lr;
	s5 =	simm.s32 $0xFFFFFFFF;
	p2 =	slt.u32 s8, $0xFFFFF086  }
0x1c: {  	p1 =	slt.u32 s9, $0xF7A;
	s5 =	simm.s32 @!p2 $0x0  }
0x1d: {  	s5 =	simm.s32 @p1 $0x1;
	p0 =	seq.s32 s7, s2  }
0x1e: {  	s7 =	smul.u32 @!p0 $0xF7A, s2;
	p2 =	seq.s32 @!p0 s5, $0x0  }
0x1f: {  	s9 =	smul.u32 $0xF7A, s1;
	s8 =	simm.s32 @!p0 $0x1BF5;
	p2 =	por !p2, p0  }
0x20: {  	[sflag:s8] =	ssyncset.s32 @!p0 $0xFFFFF086;
	s6 =	sadd.s32 @!p0 s3, s7;
	s7 =	simm.s32 @!p0 $0x108  }
0x21: {  	s3 =	sadd.s32 s3, s9;
	s6 =	sadd.s32 @!p0 $0x88, s6;
	s7 =	simm.s32 @p2 $0x1082  }
0x22: {  	[simem:s7], [sflag:s8] =	dma.local @!p0 [hbm:s6], $0xF7A  }
0x23: {  	s9 =	sor.u32 $0xD0000000, s2;
	s6 =	simm.s32 $0x108;
	_ =	swait.ge @!p0 [sflag:s8], $0x0  }
0x24: {  	s3 =	sadd.s32 $0x88, s3;
	s6 =	simm.s32 @!p1 $0x1082;
	[sflag:s4] =	ssyncset.s32 $0xFFFFF086  }
0x25: {  	[simem:s6], [sflag:s4] =	dma.local [hbm:s3], $0xF7A  }
0x26: {  	[smem:$0x3F97] =	sst s1;
	(tag) =	ssettag s2;
	_ =	strace s9  }
0x27: {  	s1 =	sld [smem:$0x3FA7]  }
0x28: {  	s2 =	sld [smem:$0x3FA8]  }
0x29: {  	s4 =	sld [smem:$0x3FAA]  }
0x2a: {  	p0 =	seq.s32 s5, $0x0;
	s5 =	sld [smem:$0x3FAB]  }
0x2b: {  	s6 =	sld [smem:$0x3FAC]  }
0x2c: {  	s7 =	sld [smem:$0x3FAD]  }
0x2d: {  	s3 =	simm.s32 $0x108;
	s8 =	sld [smem:$0x3FAE]  }
0x2e: {  	s3 =	simm.s32 @!p0 $0x1082;
	s9 =	sld [smem:$0x3FAF]  }
0x2f: {  	lr =	sadd.s32 s0, s3;
	s0 =	sld [smem:$0x3FA6]  }
0x30: {  	s3 =	sld [smem:$0x3FA9]  }
0x31: {  	[smem:$0x3FB2] =	sst s10  }
0x32: {  	s10 =	sld [smem:$0x3FB0];
	_ =	sdelay $0x3  }
0x33: {  	p0 =	seq.s32 s10, $0x1;
	s10 =	sld [smem:$0x3FB2];
	_ =	sdelay $0x3  }
0x34: {  	[smem:$0x3FB2] =	sst s10  }
0x35: {  	s10 =	sld [smem:$0x3FB1];
	_ =	sdelay $0x3  }
0x36: {  	p1 =	seq.s32 s10, $0x1;
	s10 =	sld [smem:$0x3FB2];
	_ =	sdelay $0x3  }
0x37: {  	[smem:$0x3FB2] =	sst s10  }
0x38: {  	s10 =	sld [smem:$0x3FB3]  }
0x39: {  	_ = 	snop;
	(pc) =	sbr.ind lr, $3  }
0x3a: {  	_ = 	snop  }
0x3b: {  	_ = 	snop  }
0x3c: {  	p2 =	seq.s32 s10, $0x1;
	s10 =	sld [smem:$0x3FB2]  }
0x3d: {  	_ =	shalt  }
0x3e: {  	_ =	shalt  }
0x3f: {  	_ =	shalt  }
0x40: {  	_ =	shalt  }
0x41: {  	_ =	shalt  }
0x42: {  	_ =	shalt  }
0x43: {  	_ =	shalt  }
0x44: {  	_ =	shalt  }
0x45: {  	_ =	shalt  }
0x46: {  	_ =	shalt  }
0x47: {  	_ =	shalt  }
0x48: {  	_ =	shalt  }
0x49: {  	_ =	shalt  }
0x4a: {  	_ =	shalt  }
0x4b: {  	_ =	shalt  }
0x4c: {  	_ =	shalt  }
0x4d: {  	_ =	shalt  }
0x4e: {  	_ =	shalt  }
0x4f: {  	_ =	shalt  }
0x50: {  	_ =	shalt  }
0x51: {  	_ =	shalt  }
0x52: {  	_ =	shalt  }
0x53: {  	_ =	shalt  }
0x54: {  	_ =	shalt  }
0x55: {  	_ =	shalt  }
0x56: {  	_ =	shalt  }
0x57: {  	_ =	shalt  }
0x58: {  	_ =	shalt  }
0x59: {  	_ =	shalt  }
0x5a: {  	_ =	shalt  }
0x5b: {  	_ =	shalt  }
0x5c: {  	_ =	shalt  }
0x5d: {  	_ =	shalt  }
0x5e: {  	_ =	shalt  }
0x5f: {  	_ =	shalt  }
0x60: {  	_ =	shalt  }
0x61: {  	_ =	shalt  }
0x62: {  	_ =	shalt  }
0x63: {  	_ =	shalt  }
0x64: {  	_ =	shalt  }
0x65: {  	_ =	shalt  }
0x66: {  	_ =	shalt  }
0x67: {  	_ =	shalt  }
0x68: {  	_ =	shalt  }
0x69: {  	_ =	shalt  }
0x6a: {  	_ =	shalt  }
0x6b: {  	_ =	shalt  }
0x6c: {  	_ =	shalt  }
0x6d: {  	_ =	shalt  }
0x6e: {  	_ =	shalt  }
0x6f: {  	_ =	shalt  }
0x70: {  	_ =	shalt  }
0x71: {  	_ =	shalt  }
0x72: {  	_ =	shalt  }
0x73: {  	_ =	shalt  }
0x74: {  	_ =	shalt  }
0x75: {  	_ =	shalt  }
0x76: {  	_ =	shalt  }
0x77: {  	_ =	shalt  }
0x78: {  	_ =	shalt  }
0x79: {  	_ =	shalt  }
0x7a: {  	_ =	shalt  }
0x7b: {  	_ =	shalt  }
0x7c: {  	_ =	shalt  }
0x7d: {  	_ =	shalt  }
0x7e: {  	_ =	shalt  }
0x7f: {  	_ =	shalt  }
0x80: {  	_ =	shalt  }
0x81: {  	_ =	shalt  }
0x82: {  	_ =	shalt  }
0x83: {  	_ =	shalt  }
0x84: {  	_ =	shalt  }
0x85: {  	_ =	shalt  }
0x86: {  	_ =	shalt  }
0x87: {  	_ =	shalt  }
.Lfunc_end0:
.L_simem_size_0:
called_computation.1_lowered:
.L_overlay_start_0:
0x88: {  	s2 =	sld [smem:$0x3FD9]  }
0x89: {  	s3 =	sld [smem:$0x3FFE];
	_ =	sdelay $0x1  }
0x8a: {  	s1 =	srdreg.scid  }
0x8b: {  	s0 =	sand.u32 $0x1, s1  }
0x8c: {  	s14 =	sshll.u32 s0, $0xA;
	s2 =	sadd.s32 s3, s2  }
0x8d: {  	s2 =	sadd.s32 s2, s14  }
0x8e: {  	[smem:$0x3FBE] =	sst s2  }
0x8f: {  	_ = 	snop  }
0x90: {  	s2 =	sld [smem:$0x3FD0];
	_ =	sdelay $0x1  }
0x91: {  	s15 =	sld [smem:$0x3FC9]  }
0x92: {  	s5 =	simm.s32 $0xA;
	s6 =	simm.s32 $0x10;
	s4 =	sld [smem:$0x3FC8]  }
0x93: {  	[smem:s6], [sflag:s5] =	dma.local [hbm:s2], $0x1  }
0x94: {  	_ =	swait.eq [sflag:s5], $0x1  }
0x95: {  	[sflag:s5] =	ssyncset.done $0x0  }
0x96: {  	s16 =	sld [smem:$0x10];
	[sflag:s5] =	ssyncadd.s32 $0xFFFFFFFF  }
0x97: {  	s17 =	sld [smem:$0x11];
	(tm) =	ssettm $0x1  }
0x98: {  	s18 =	sld [smem:$0x3FFB];
	_ =	sdelay $0x3  }
0x99: {  	_ =	strace s18  }
0x9a: {  	s6 =	sld [smem:$0x3FFC];
	_ =	sdelay $0x3  }
0x9b: {  	_ =	strace s6  }
0x9c: {  	s6 =	sld [smem:$0x3FFD];
	_ =	sdelay $0x3  }
0x9d: {  	_ =	strace s6  }
0x9e: {  	_ =	strace $0x8FFFFFFF  }
0x9f: {  	s19 =	sld [smem:$0x3FDB];
	_ =	sdelay $0x1  }
0xa0: {  	s7 =	simm.s32 $_scs_section_size  }
0xa1: {  	s8 =	simm.s32 $_size__tile_overlayer_lowered;
	s9 =	simm.s32 $_tile_overlayer_lowered  }
0xa2: {  	s22 =	simm.s32 $0x1BFF;
	s21 =	sshll.u32 s9, $0x1;
	s6 =	sadd.s32 s7, s19  }
0xa3: {  	s10 =	simm.s32 $0x0;
	s20 =	sshll.u32 s8, $0x1;
	s8 =	sadd.s32 s21, s6  }
0xa4: {  	[timem:s10], [sflag:s22] =	dma.local [hbm:s8], s20  }
0xa5: {  	_ =	swait.ge [sflag:s22], s20  }
0xa6: {  	s7 =	ssub.s32 $0x0, s20;
	[sflag:s22] =	ssyncset.done $0x0  }
0xa7: {  	[sflag:s22] =	ssyncadd.s32 s7;
	_ =	sdelay $0x1  }
0xa8: {  	s23 =	simm.s32 $0x1B8B  }
0xa9: {  	_ =	swait.ge [sflag:s23], $0x1  }
0xaa: {  	[sflag:s23] =	ssyncset.done $0x0  }
0xab: {  	s25 =	simm.s32 $0x1B8E;
	s24 =	sld [smem:$0x3FFE];
	[sflag:s23] =	ssyncadd.s32 $0xFFFFFFFF  }
0xac: {  	s26 =	simm.s32 $execute0_lowered;
	[smem:$0x3FD2] =	sst s25  }
0xad: {  	s8 =	sshll.u32 s26, $0x1;
	_ =	strace $0x80000049;
	[dreg:$0x1] =	wrdreg $0xFFFFFFFF  }
0xae: {  	s28 =	simm.s32 $_size_execute0_lowered;
	s6 =	sadd.s32 s6, s8;
	[dreg:$0x0] =	wrdreg $0x0  }
0xaf: {  	s8 =	sshll.u32 s28, $0x1;
	[dreg:$0x2] =	wrdreg s6  }
0xb0: {  	[dreg:$0x3] =	wrdreg s8  }
0xb1: {  	[dreg:$0x4] =	wrdreg $0xC0  }
0xb2: {  	_ =	task [dreg:s10], $0x5FFFF  }
0xb3: {  	[dreg:$0x1] =	wrdreg $0xFFFFFFFF  }
0xb4: {  	[dreg:$0x0] =	wrdreg $0x60  }
0xb5: {  	[dreg:$0x2] =	wrdreg s4  }
0xb6: {  	[dreg:$0x3] =	wrdreg s24  }
0xb7: {  	[dreg:$0x4] =	wrdreg s16  }
0xb8: {  	[dreg:$0x5] =	wrdreg s15  }
0xb9: {  	[dreg:$0x6] =	wrdreg s17  }
0xba: {  	[dreg:$0x7] =	wrdreg $0x9  }
0xbb: {  	_ =	task.clear_ibuf [dreg:s10], $0x8FFFF;
	_ =	strace $0x90000049  }
0xbc: {  	s29 =	simm.s32 $0x9;
	_ =	strace $0x8000004B  }
0xbd: {  	_ =	swait.ge [sflag:s29], $0x1  }
0xbe: {  	[sflag:s29] =	ssyncadd.s32 $0xFFFFFFFF  }
0xbf: {  	_ =	strace $0x9000004B  }
0xc0: {  	_ =	sfence  }
0xc1: {  	s30 =	sld [smem:$0x0];
	_ =	sdelay $0x2  }
0xc2: {  	s31 =	sshll.u32 s1, $0xD;
	s1 =	sshrl.u32 s1, $0x2  }
0xc3: {  	s3 =	sand.u32 $0x4000, s31;
	s1 =	sadd.s32 s1, s30  }
0xc4: {  	s0 =	sor.u32 s3, s0;
	s1 =	sshll.u32 s1, $0x11  }
0xc5: {  	s0 =	sor.u32 s1, s0  }
0xc6: {  	s0 =	sadd.s32 $0x8F2B, s0  }
0xc7: {  	[sflag:s0] =	ssyncadd.remote.s32 $0x1  }
0xc8: {  	_ =	sfence.sel $0xFFFF  }
0xc9: {  	[dreg:$0x0] =	wrdreg $0xFFFFFFFF;
	(pc) =	sbr.abs _section_cstart, $3  }
0xca: {  	[dreg:$0x1] =	wrdreg $0xFFFFFFFF  }
0xcb: {  	_ =	task.clear_ibuf [dreg:s10], $0x2FFFF;
	_ =	strace $0x9FFFFFFF  }
0xcc: {  	(tm) =	ssettm $0x7FFFFFFF  }
0xcd: {  	_ =	shalt  }
tec
execute0_lowered:
.L_overlay_start_1:
0x0: {  	(tag) =	ssettag $0x1  }
0x1: {  	s0 =	rddreg [dreg:$0x0]  }
0x2: {  	s1 =	rddreg [dreg:$0x1]  }
0x3: {  	s3 =	rddreg [dreg:$0x2]  }
0x4: {  	s5 =	rddreg [dreg:$0x3]  }
0x5: {  	s6 =	rddreg [dreg:$0x4];
	s2 =	simm.s32 $0x0  }
0x6: {  	s4 =	srdreg.scid;
	s9 =	stileid.u32;
	s31 =	simm.s32 $0x1500  }
0x7: {  	[smem:$0x7FF] =	sst s2;
	s7 =	sadd.s32 $0x2A00, s1;
	s14 =	sand.u32 $0x1, s4  }
0x8: {  	s8 =	sshll.u32 s9, $0x1;
	s4 =	sadd.s32 $0x3000, s1;
	s10 =	sadd.s32 $0x2C00, s1  }
0x9: {  	s15 =	sshll.u32 s9, $0x9;
	_ =	strace $0x8000004A;
	[dreg:$0x6] =	wrdreg s7  }
0xa: {  	s13 =	sadd.s32 $0x2E00, s1;
	[dreg:$0x7] =	wrdreg s10;
	s12 =	sor.u32 s14, s8  }
0xb: {  	s7 =	ssub.s32 $0x2, s14;
	s8 =	sand.u32 $0x1800, s15;
	[dreg:$0x9] =	wrdreg s13  }
0xc: {  	s13 =	sadd.s32 $0x3100, s1;
	s14 =	sadd.s32 $0x3200, s1;
	s15 =	sadd.s32 $0x3300, s1  }
0xd: {  	s1 =	simm.s32 $0x0;
	s16 =	sshll.u32 s12, $0x7;
	s18 =	sshll.u32 s12, $0x5  }
0xe: {  	s17 =	sshrl.u32 s7, $0x1;
	[dreg:$0x8] =	wrdreg s12;
	s0 =	sadd.s32 s0, s18  }
0xf: {  	s19 =	sshll.u32 s12, $0xF;
	s22 =	sadd.s32 s6, s16;
	[dreg:$0xa] =	wrdreg s0  }
0x10: {  	p0 =	seq.s32 s12, $0x0;
	s21 =	sadd.s32 s5, s19;
	[dreg:$0xd] =	wrdreg s22  }
0x11: {  	p1 =	sne.s32 s12, $0x0;
	s23 =	sadd.s32 $0x1000, s21;
	[dreg:$0xc] =	wrdreg s21  }
0x12: {  	s12 =	simm.s32 $0x4;
	s24 =	sadd.s32 $0x2000, s21;
	[dreg:$0xe] =	wrdreg s23  }
0x13: {  	s11 =	sand.u32 $0x380, s16;
	s25 =	sadd.s32 $0x3000, s21;
	[dreg:$0xf] =	wrdreg s24  }
0x14: {  	s7 =	ssub.s32 s7, s17;
	s26 =	sadd.s32 $0x4000, s21;
	[dreg:$0x10] =	wrdreg s25  }
0x15: {  	s19 =	simm.s32 $0x3;
	s28 =	sadd.s32 $0x5000, s21;
	[dreg:$0x11] =	wrdreg s26  }
.Ltmp0:
0x16: {  	s29 =	sadd.s32 $0x6000, s21;
	[dreg:$0x12] =	wrdreg s28;
	(pc) =	sbr.rel .LBB2_1-.Ltmp0, $4  }
0x17: {  	v7 =	vlaneseq.u32;
	v1 =	vimm.s32 $0x0;
	s8 =	sor.u32 s8, s11;
	s0 =	sadd.s32 $0x7000, s21;
	[dreg:$0x13] =	wrdreg s29  }
0x18: {  	vm0 =	vmmov $0xffff;
	v0 =	vmul.u32 $0x200, v7;
	v6 =	vshrl.u32 v7, $0x3;
	s30 =	smax.u32 s7, $0x1;
	s8 =	sshrl.u32 s8, $0x3;
	[dreg:$0x14] =	wrdreg s0  }
0x19: {  	v5 =	vand.u32 $0x7, v7;
	v7 =	vor.u32 $0x8, v7;
	v6 =	vmul.u32 $0x8, v6;
	[dreg:$0x15] =	wrdreg s30;
	s0 =	simm.s32 $0x5;
	s20 =	sadd.s32 s3, s8  }
0x1a: {  	v2 =	vor.u32 $0x1, v0;
	v3 =	vor.u32 $0x2001, v0;
	v4 =	vor.u32 $0x2000, v0;
	s23 =	simm.s32 $0x2;
	[dreg:$0xb] =	wrdreg s20;
	s20 =	simm.s32 $0x1  }
.LBB2_7:
0x1b: {  	s17 =	rddreg [dreg:$0xc]  }
0x1c: {  	[tilespmem:s31], [sflag:$0x3] =	stream.linear.gather [hbm4b:s17+s2], $0x8000, $0x38;
	[tilespmem:$0x11780] =	vst v63  }
0x1d: {  	s11 =	rddreg [dreg:$0xe];
	s0 =	simm.s32 $0x9500  }
0x1e: {  	[tilespmem:s0], [sflag:$0x4] =	stream.linear.gather [hbm4b:s11+s2], $0x8000, $0x38;
	[tilespmem:$0x11780] =	vst v63  }
0x1f: {  	_ =	swait.ge [sflag:s19], $0x8000  }
0x20: {  	[sflag:s19] =	ssyncset.done $0x0  }
0x21: {  	[sflag:s19] =	ssyncadd.s32 $0xFFFF8000  }
0x22: {  	v8 =	vld [tilespmem:$0x1000];
	_ =	sdelay $0x4  }
0x23: {  	v9 =	vshll.u32 v8, $0x3  }
0x24: {  	v8 =	vand.u32 $0x7, v8;
	v9 =	vand.u32 $0xFFFFFFC0, v9  }
0x25: {  	v8 =	vor.u32 v8, v9  }
0x26: {  	v9 =	vperm.xlane v8, v5;
	_ =	sdelay $0x1  }
0x27: {  	v9 =	vadd.s32 v6, v9;
	_ =	sdelay $0x4  }
0x28: {  	[hbm4b:s4+s2] =	stream.indirect_vreg.scatter [tilespmem:s31], [sflag:$0x1], $0x80, v9, vm0, $0xb8;
	[tilespmem:$0x11780] =	vst v63  }
0x29: {  	s1 =	simm.s32 $0x1D00;
	v8 =	vperm.xlane v8, v7  }
0x2a: {  	[hbm4b:s13+s2] =	stream.indirect_vreg.scatter [tilespmem:s1], [sflag:$0x1], $0x80, v9, vm0, $0xb8;
	[tilespmem:$0x11780] =	vst v63  }
0x2b: {  	s16 =	simm.s32 $0x2500;
	v8 =	vadd.s32 v6, v8  }
0x2c: {  	[hbm4b:s14+s2] =	stream.indirect_vreg.scatter [tilespmem:s16], [sflag:$0x1], $0x80, v9, vm0, $0xb8;
	[tilespmem:$0x11780] =	vst v63  }
0x2d: {  	s17 =	simm.s32 $0x2D00  }
0x2e: {  	[hbm4b:s15+s2] =	stream.indirect_vreg.scatter [tilespmem:s17], [sflag:$0x1], $0x80, v9, vm0, $0xb8;
	[tilespmem:$0x11780] =	vst v63  }
0x2f: {  	s18 =	simm.s32 $0x3500  }
0x30: {  	[hbm4b:s4+s2] =	stream.indirect_vreg.scatter [tilespmem:s18], [sflag:$0x1], $0x80, v8, vm0, $0xb8;
	[tilespmem:$0x11780] =	vst v63  }
0x31: {  	s21 =	simm.s32 $0x3D00  }
0x32: {  	[hbm4b:s13+s2] =	stream.indirect_vreg.scatter [tilespmem:s21], [sflag:$0x1], $0x80, v8, vm0, $0xb8;
	[tilespmem:$0x11780] =	vst v63  }
0x33: {  	s22 =	simm.s32 $0x4500  }
0x34: {  	[hbm4b:s14+s2] =	stream.indirect_vreg.scatter [tilespmem:s22], [sflag:$0x1], $0x80, v8, vm0, $0xb8;
	[tilespmem:$0x11780] =	vst v63  }
0x35: {  	s24 =	simm.s32 $0x4D00  }
0x36: {  	[hbm4b:s15+s2] =	stream.indirect_vreg.scatter [tilespmem:s24], [sflag:$0x1], $0x80, v8, vm0, $0xb8;
	[tilespmem:$0x11780] =	vst v63  }
0x37: {  	v8 =	vld [tilespmem:$0x1010];
	_ =	sdelay $0x4  }
0x38: {  	v49 =	vshll.u32 v8, $0x3  }
0x39: {  	v8 =	vand.u32 $0x7, v8;
	v9 =	vand.u32 $0xFFFFFFC0, v49  }
0x3a: {  	v8 =	vor.u32 v8, v9  }
0x3b: {  	v9 =	vperm.xlane v8, v5;
	_ =	sdelay $0x1  }
0x3c: {  	v9 =	vadd.s32 v6, v9;
	_ =	sdelay $0x3  }
0x3d: {  	s25 =	simm.s32 $0x5500  }
0x3e: {  	[hbm4b:s4+s2] =	stream.indirect_vreg.scatter [tilespmem:s25], [sflag:$0x1], $0x80, v9, vm0, $0xb8;
	[tilespmem:$0x11780] =	vst v63  }
0x3f: {  	s26 =	simm.s32 $0x5D00;
	v8 =	vperm.xlane v8, v7  }
0x40: {  	[hbm4b:s13+s2] =	stream.indirect_vreg.scatter [tilespmem:s26], [sflag:$0x1], $0x80, v9, vm0, $0xb8;
	[tilespmem:$0x11780] =	vst v63  }
0x41: {  	s28 =	simm.s32 $0x6500;
	v8 =	vadd.s32 v6, v8  }
0x42: {  	[hbm4b:s14+s2] =	stream.indirect_vreg.scatter [tilespmem:s28], [sflag:$0x1], $0x80, v9, vm0, $0xb8;
	[tilespmem:$0x11780] =	vst v63  }
0x43: {  	s29 =	simm.s32 $0x6D00  }
0x44: {  	[hbm4b:s15+s2] =	stream.indirect_vreg.scatter [tilespmem:s29], [sflag:$0x1], $0x80, v9, vm0, $0xb8;
	[tilespmem:$0x11780] =	vst v63  }
0x45: {  	s30 =	simm.s32 $0x7500  }
0x46: {  	[hbm4b:s4+s2] =	stream.indirect_vreg.scatter [tilespmem:s30], [sflag:$0x1], $0x80, v8, vm0, $0xb8;
	[tilespmem:$0x11780] =	vst v63  }
0x47: {  	s5 =	simm.s32 $0x7D00  }
0x48: {  	[hbm4b:s13+s2] =	stream.indirect_vreg.scatter [tilespmem:s5], [sflag:$0x1], $0x80, v8, vm0, $0xb8;
	[tilespmem:$0x11780] =	vst v63  }
0x49: {  	s6 =	simm.s32 $0x8500  }
0x4a: {  	[hbm4b:s14+s2] =	stream.indirect_vreg.scatter [tilespmem:s6], [sflag:$0x1], $0x80, v8, vm0, $0xb8;
	[tilespmem:$0x11780] =	vst v63  }
0x4b: {  	s7 =	simm.s32 $0x8D00  }
0x4c: {  	[hbm4b:s15+s2] =	stream.indirect_vreg.scatter [tilespmem:s7], [sflag:$0x1], $0x80, v8, vm0, $0xb8;
	[tilespmem:$0x11780] =	vst v63  }
0x4d: {  	_ =	swait.ge [sflag:s20], $0x8000  }
0x4e: {  	[sflag:s20] =	ssyncset.done $0x0  }
0x4f: {  	s16 =	rddreg [dreg:$0xf];
	[sflag:s20] =	ssyncadd.s32 $0xFFFF8000  }
0x50: {  	[tilespmem:s31], [sflag:$0x3] =	stream.linear.gather [hbm4b:s16+s2], $0x8000, $0x38;
	[tilespmem:$0x11780] =	vst v63  }
0x51: {  	_ =	swait.ge [sflag:s12], $0x8000  }
0x52: {  	[sflag:s12] =	ssyncset.done $0x0  }
0x53: {  	[sflag:s12] =	ssyncadd.s32 $0xFFFF8000  }
0x54: {  	v8 =	vld [tilespmem:$0x1080];
	_ =	sdelay $0x4  }
0x55: {  	v50 =	vshll.u32 v8, $0x3  }
0x56: {  	v8 =	vand.u32 $0x7, v8;
	v9 =	vand.u32 $0xFFFFFFC0, v50  }
0x57: {  	v8 =	vor.u32 v8, v9  }
0x58: {  	v9 =	vperm.xlane v8, v5;
	_ =	sdelay $0x1  }
0x59: {  	v9 =	vadd.s32 v6, v9;
	_ =	sdelay $0x4  }
0x5a: {  	[hbm4b:s4+s2] =	stream.indirect_vreg.scatter [tilespmem:s0], [sflag:$0x2], $0x80, v9, vm0, $0xb8;
	[tilespmem:$0x11780] =	vst v63  }
0x5b: {  	s21 =	simm.s32 $0x9D00;
	v8 =	vperm.xlane v8, v7  }
0x5c: {  	[hbm4b:s13+s2] =	stream.indirect_vreg.scatter [tilespmem:s21], [sflag:$0x2], $0x80, v9, vm0, $0xb8;
	[tilespmem:$0x11780] =	vst v63  }
0x5d: {  	s22 =	simm.s32 $0xA500;
	v8 =	vadd.s32 v6, v8  }
0x5e: {  	[hbm4b:s14+s2] =	stream.indirect_vreg.scatter [tilespmem:s22], [sflag:$0x2], $0x80, v9, vm0, $0xb8;
	[tilespmem:$0x11780] =	vst v63  }
0x5f: {  	s24 =	simm.s32 $0xAD00  }
0x60: {  	[hbm4b:s15+s2] =	stream.indirect_vreg.scatter [tilespmem:s24], [sflag:$0x2], $0x80, v9, vm0, $0xb8;
	[tilespmem:$0x11780] =	vst v63  }
0x61: {  	s25 =	simm.s32 $0xB500  }
0x62: {  	[hbm4b:s4+s2] =	stream.indirect_vreg.scatter [tilespmem:s25], [sflag:$0x2], $0x80, v8, vm0, $0xb8;
	[tilespmem:$0x11780] =	vst v63  }
0x63: {  	s26 =	simm.s32 $0xBD00  }
0x64: {  	[hbm4b:s13+s2] =	stream.indirect_vreg.scatter [tilespmem:s26], [sflag:$0x2], $0x80, v8, vm0, $0xb8;
	[tilespmem:$0x11780] =	vst v63  }
0x65: {  	s28 =	simm.s32 $0xC500  }
0x66: {  	[hbm4b:s14+s2] =	stream.indirect_vreg.scatter [tilespmem:s28], [sflag:$0x2], $0x80, v8, vm0, $0xb8;
	[tilespmem:$0x11780] =	vst v63  }
0x67: {  	s29 =	simm.s32 $0xCD00  }
0x68: {  	[hbm4b:s15+s2] =	stream.indirect_vreg.scatter [tilespmem:s29], [sflag:$0x2], $0x80, v8, vm0, $0xb8;
	[tilespmem:$0x11780] =	vst v63  }
0x69: {  	v8 =	vld [tilespmem:$0x1090];
	_ =	sdelay $0x4  }
0x6a: {  	v51 =	vshll.u32 v8, $0x3  }
0x6b: {  	v8 =	vand.u32 $0x7, v8;
	v9 =	vand.u32 $0xFFFFFFC0, v51  }
0x6c: {  	v8 =	vor.u32 v8, v9  }
0x6d: {  	v9 =	vperm.xlane v8, v5;
	_ =	sdelay $0x1  }
0x6e: {  	v9 =	vadd.s32 v6, v9;
	_ =	sdelay $0x3  }
0x6f: {  	s30 =	simm.s32 $0xD500  }
0x70: {  	[hbm4b:s4+s2] =	stream.indirect_vreg.scatter [tilespmem:s30], [sflag:$0x2], $0x80, v9, vm0, $0xb8;
	[tilespmem:$0x11780] =	vst v63  }
0x71: {  	s5 =	simm.s32 $0xDD00;
	v8 =	vperm.xlane v8, v7  }
0x72: {  	[hbm4b:s13+s2] =	stream.indirect_vreg.scatter [tilespmem:s5], [sflag:$0x2], $0x80, v9, vm0, $0xb8;
	[tilespmem:$0x11780] =	vst v63  }
0x73: {  	s6 =	simm.s32 $0xE500;
	v8 =	vadd.s32 v6, v8  }
0x74: {  	[hbm4b:s14+s2] =	stream.indirect_vreg.scatter [tilespmem:s6], [sflag:$0x2], $0x80, v9, vm0, $0xb8;
	[tilespmem:$0x11780] =	vst v63  }
0x75: {  	s7 =	simm.s32 $0xED00  }
0x76: {  	[hbm4b:s15+s2] =	stream.indirect_vreg.scatter [tilespmem:s7], [sflag:$0x2], $0x80, v9, vm0, $0xb8;
	[tilespmem:$0x11780] =	vst v63  }
0x77: {  	s17 =	simm.s32 $0xF500  }
0x78: {  	[hbm4b:s4+s2] =	stream.indirect_vreg.scatter [tilespmem:s17], [sflag:$0x2], $0x80, v8, vm0, $0xb8;
	[tilespmem:$0x11780] =	vst v63  }
0x79: {  	s22 =	simm.s32 $0xFD00  }
0x7a: {  	[hbm4b:s13+s2] =	stream.indirect_vreg.scatter [tilespmem:s22], [sflag:$0x2], $0x80, v8, vm0, $0xb8;
	[tilespmem:$0x11780] =	vst v63  }
0x7b: {  	s24 =	simm.s32 $0x10500  }
0x7c: {  	[hbm4b:s14+s2] =	stream.indirect_vreg.scatter [tilespmem:s24], [sflag:$0x2], $0x80, v8, vm0, $0xb8;
	[tilespmem:$0x11780] =	vst v63  }
0x7d: {  	s25 =	simm.s32 $0x10D00  }
0x7e: {  	[hbm4b:s15+s2] =	stream.indirect_vreg.scatter [tilespmem:s25], [sflag:$0x2], $0x80, v8, vm0, $0xb8;
	[tilespmem:$0x11780] =	vst v63  }
0x7f: {  	_ =	swait.ge [sflag:s23], $0x8000  }
0x80: {  	[sflag:s23] =	ssyncset.done $0x0  }
0x81: {  	s28 =	rddreg [dreg:$0x10];
	[sflag:s23] =	ssyncadd.s32 $0xFFFF8000  }
0x82: {  	[tilespmem:s0], [sflag:$0x4] =	stream.linear.gather [hbm4b:s28+s2], $0x8000, $0x38;
	[tilespmem:$0x11780] =	vst v63  }
0x83: {  	_ =	swait.ge [sflag:s19], $0x8000  }
0x84: {  	[sflag:s19] =	ssyncset.done $0x0  }
0x85: {  	[sflag:s19] =	ssyncadd.s32 $0xFFFF8000  }
0x86: {  	v8 =	vld [tilespmem:$0x1100];
	_ =	sdelay $0x4  }
0x87: {  	v52 =	vshll.u32 v8, $0x3  }
0x88: {  	v8 =	vand.u32 $0x7, v8;
	v9 =	vand.u32 $0xFFFFFFC0, v52  }
0x89: {  	v8 =	vor.u32 v8, v9  }
0x8a: {  	v9 =	vperm.xlane v8, v5;
	_ =	sdelay $0x1  }
0x8b: {  	v9 =	vadd.s32 v6, v9;
	_ =	sdelay $0x4  }
0x8c: {  	[hbm4b:s4+s2] =	stream.indirect_vreg.scatter [tilespmem:s31], [sflag:$0x1], $0x80, v9, vm0, $0xb8;
	[tilespmem:$0x11780] =	vst v63  }
0x8d: {  	s3 =	simm.s32 $0x1D00;
	v8 =	vperm.xlane v8, v7  }
0x8e: {  	[hbm4b:s13+s2] =	stream.indirect_vreg.scatter [tilespmem:s3], [sflag:$0x1], $0x80, v9, vm0, $0xb8;
	[tilespmem:$0x11780] =	vst v63  }
0x8f: {  	s1 =	simm.s32 $0x2500;
	v8 =	vadd.s32 v6, v8  }
0x90: {  	[hbm4b:s14+s2] =	stream.indirect_vreg.scatter [tilespmem:s1], [sflag:$0x1], $0x80, v9, vm0, $0xb8;
	[tilespmem:$0x11780] =	vst v63  }
0x91: {  	s3 =	simm.s32 $0x2D00  }
0x92: {  	[hbm4b:s15+s2] =	stream.indirect_vreg.scatter [tilespmem:s3], [sflag:$0x1], $0x80, v9, vm0, $0xb8;
	[tilespmem:$0x11780] =	vst v63  }
0x93: {  	s5 =	simm.s32 $0x3500  }
0x94: {  	[hbm4b:s4+s2] =	stream.indirect_vreg.scatter [tilespmem:s5], [sflag:$0x1], $0x80, v8, vm0, $0xb8;
	[tilespmem:$0x11780] =	vst v63  }
0x95: {  	s6 =	simm.s32 $0x3D00  }
0x96: {  	[hbm4b:s13+s2] =	stream.indirect_vreg.scatter [tilespmem:s6], [sflag:$0x1], $0x80, v8, vm0, $0xb8;
	[tilespmem:$0x11780] =	vst v63  }
0x97: {  	s7 =	simm.s32 $0x4500  }
0x98: {  	[hbm4b:s14+s2] =	stream.indirect_vreg.scatter [tilespmem:s7], [sflag:$0x1], $0x80, v8, vm0, $0xb8;
	[tilespmem:$0x11780] =	vst v63  }
0x99: {  	s8 =	simm.s32 $0x4D00  }
0x9a: {  	[hbm4b:s15+s2] =	stream.indirect_vreg.scatter [tilespmem:s8], [sflag:$0x1], $0x80, v8, vm0, $0xb8;
	[tilespmem:$0x11780] =	vst v63  }
0x9b: {  	v8 =	vld [tilespmem:$0x1110];
	_ =	sdelay $0x4  }
0x9c: {  	v53 =	vshll.u32 v8, $0x3  }
0x9d: {  	v8 =	vand.u32 $0x7, v8;
	v9 =	vand.u32 $0xFFFFFFC0, v53  }
0x9e: {  	v8 =	vor.u32 v8, v9  }
0x9f: {  	v9 =	vperm.xlane v8, v5;
	_ =	sdelay $0x1  }
0xa0: {  	v9 =	vadd.s32 v6, v9;
	_ =	sdelay $0x3  }
0xa1: {  	s9 =	simm.s32 $0x5500  }
0xa2: {  	[hbm4b:s4+s2] =	stream.indirect_vreg.scatter [tilespmem:s9], [sflag:$0x1], $0x80, v9, vm0, $0xb8;
	[tilespmem:$0x11780] =	vst v63  }
0xa3: {  	s11 =	simm.s32 $0x5D00;
	v8 =	vperm.xlane v8, v7  }
0xa4: {  	[hbm4b:s13+s2] =	stream.indirect_vreg.scatter [tilespmem:s11], [sflag:$0x1], $0x80, v9, vm0, $0xb8;
	[tilespmem:$0x11780] =	vst v63  }
0xa5: {  	s8 =	simm.s32 $0x6500;
	v8 =	vadd.s32 v6, v8  }
0xa6: {  	[hbm4b:s14+s2] =	stream.indirect_vreg.scatter [tilespmem:s8], [sflag:$0x1], $0x80, v9, vm0, $0xb8;
	[tilespmem:$0x11780] =	vst v63  }
0xa7: {  	s9 =	simm.s32 $0x6D00  }
0xa8: {  	[hbm4b:s15+s2] =	stream.indirect_vreg.scatter [tilespmem:s9], [sflag:$0x1], $0x80, v9, vm0, $0xb8;
	[tilespmem:$0x11780] =	vst v63  }
0xa9: {  	s10 =	simm.s32 $0x7500  }
0xaa: {  	[hbm4b:s4+s2] =	stream.indirect_vreg.scatter [tilespmem:s10], [sflag:$0x1], $0x80, v8, vm0, $0xb8;
	[tilespmem:$0x11780] =	vst v63  }
0xab: {  	s10 =	simm.s32 $0x7D00  }
0xac: {  	[hbm4b:s13+s2] =	stream.indirect_vreg.scatter [tilespmem:s10], [sflag:$0x1], $0x80, v8, vm0, $0xb8;
	[tilespmem:$0x11780] =	vst v63  }
0xad: {  	s11 =	simm.s32 $0x8500  }
0xae: {  	[hbm4b:s14+s2] =	stream.indirect_vreg.scatter [tilespmem:s11], [sflag:$0x1], $0x80, v8, vm0, $0xb8;
	[tilespmem:$0x11780] =	vst v63  }
0xaf: {  	s18 =	simm.s32 $0x8D00  }
0xb0: {  	[hbm4b:s15+s2] =	stream.indirect_vreg.scatter [tilespmem:s18], [sflag:$0x1], $0x80, v8, vm0, $0xb8;
	[tilespmem:$0x11780] =	vst v63  }
0xb1: {  	_ =	swait.ge [sflag:s20], $0x8000  }
0xb2: {  	[sflag:s20] =	ssyncset.done $0x0  }
0xb3: {  	s29 =	rddreg [dreg:$0x11];
	[sflag:s20] =	ssyncadd.s32 $0xFFFF8000  }
0xb4: {  	[tilespmem:s31], [sflag:$0x3] =	stream.linear.gather [hbm4b:s29+s2], $0x8000, $0x38;
	[tilespmem:$0x11780] =	vst v63  }
0xb5: {  	_ =	swait.ge [sflag:s12], $0x8000  }
0xb6: {  	[sflag:s12] =	ssyncset.done $0x0  }
0xb7: {  	[sflag:s12] =	ssyncadd.s32 $0xFFFF8000  }
0xb8: {  	v8 =	vld [tilespmem:$0x1180];
	_ =	sdelay $0x4  }
0xb9: {  	v54 =	vshll.u32 v8, $0x3  }
0xba: {  	v8 =	vand.u32 $0x7, v8;
	v9 =	vand.u32 $0xFFFFFFC0, v54  }
0xbb: {  	v8 =	vor.u32 v8, v9  }
0xbc: {  	v9 =	vperm.xlane v8, v5;
	_ =	sdelay $0x1  }
0xbd: {  	v9 =	vadd.s32 v6, v9;
	_ =	sdelay $0x4  }
0xbe: {  	[hbm4b:s4+s2] =	stream.indirect_vreg.scatter [tilespmem:s0], [sflag:$0x2], $0x80, v9, vm0, $0xb8;
	[tilespmem:$0x11780] =	vst v63  }
0xbf: {  	s21 =	simm.s32 $0x9D00;
	v8 =	vperm.xlane v8, v7  }
0xc0: {  	[hbm4b:s13+s2] =	stream.indirect_vreg.scatter [tilespmem:s21], [sflag:$0x2], $0x80, v9, vm0, $0xb8;
	[tilespmem:$0x11780] =	vst v63  }
0xc1: {  	s16 =	simm.s32 $0xA500;
	v8 =	vadd.s32 v6, v8  }
0xc2: {  	[hbm4b:s14+s2] =	stream.indirect_vreg.scatter [tilespmem:s16], [sflag:$0x2], $0x80, v9, vm0, $0xb8;
	[tilespmem:$0x11780] =	vst v63  }
0xc3: {  	s18 =	simm.s32 $0xAD00  }
0xc4: {  	[hbm4b:s15+s2] =	stream.indirect_vreg.scatter [tilespmem:s18], [sflag:$0x2], $0x80, v9, vm0, $0xb8;
	[tilespmem:$0x11780] =	vst v63  }
0xc5: {  	s28 =	simm.s32 $0xB500  }
0xc6: {  	[hbm4b:s4+s2] =	stream.indirect_vreg.scatter [tilespmem:s28], [sflag:$0x2], $0x80, v8, vm0, $0xb8;
	[tilespmem:$0x11780] =	vst v63  }
0xc7: {  	s24 =	simm.s32 $0xBD00  }
0xc8: {  	[hbm4b:s13+s2] =	stream.indirect_vreg.scatter [tilespmem:s24], [sflag:$0x2], $0x80, v8, vm0, $0xb8;
	[tilespmem:$0x11780] =	vst v63  }
0xc9: {  	s25 =	simm.s32 $0xC500  }
0xca: {  	[hbm4b:s14+s2] =	stream.indirect_vreg.scatter [tilespmem:s25], [sflag:$0x2], $0x80, v8, vm0, $0xb8;
	[tilespmem:$0x11780] =	vst v63  }
0xcb: {  	s26 =	simm.s32 $0xCD00  }
0xcc: {  	[hbm4b:s15+s2] =	stream.indirect_vreg.scatter [tilespmem:s26], [sflag:$0x2], $0x80, v8, vm0, $0xb8;
	[tilespmem:$0x11780] =	vst v63  }
0xcd: {  	v8 =	vld [tilespmem:$0x1190];
	_ =	sdelay $0x4  }
0xce: {  	v55 =	vshll.u32 v8, $0x3  }
0xcf: {  	v8 =	vand.u32 $0x7, v8;
	v9 =	vand.u32 $0xFFFFFFC0, v55  }
0xd0: {  	v8 =	vor.u32 v8, v9  }
0xd1: {  	v9 =	vperm.xlane v8, v5;
	_ =	sdelay $0x1  }
0xd2: {  	v9 =	vadd.s32 v6, v9;
	_ =	sdelay $0x3  }
0xd3: {  	s22 =	simm.s32 $0xD500  }
0xd4: {  	[hbm4b:s4+s2] =	stream.indirect_vreg.scatter [tilespmem:s22], [sflag:$0x2], $0x80, v9, vm0, $0xb8;
	[tilespmem:$0x11780] =	vst v63  }
0xd5: {  	s29 =	simm.s32 $0xDD00;
	v8 =	vperm.xlane v8, v7  }
0xd6: {  	[hbm4b:s13+s2] =	stream.indirect_vreg.scatter [tilespmem:s29], [sflag:$0x2], $0x80, v9, vm0, $0xb8;
	[tilespmem:$0x11780] =	vst v63  }
0xd7: {  	s26 =	simm.s32 $0xE500;
	v8 =	vadd.s32 v6, v8  }
0xd8: {  	[hbm4b:s14+s2] =	stream.indirect_vreg.scatter [tilespmem:s26], [sflag:$0x2], $0x80, v9, vm0, $0xb8;
	[tilespmem:$0x11780] =	vst v63  }
0xd9: {  	s30 =	simm.s32 $0xED00  }
0xda: {  	[hbm4b:s15+s2] =	stream.indirect_vreg.scatter [tilespmem:s30], [sflag:$0x2], $0x80, v9, vm0, $0xb8;
	[tilespmem:$0x11780] =	vst v63  }
0xdb: {  	s21 =	simm.s32 $0xF500  }
0xdc: {  	[hbm4b:s4+s2] =	stream.indirect_vreg.scatter [tilespmem:s21], [sflag:$0x2], $0x80, v8, vm0, $0xb8;
	[tilespmem:$0x11780] =	vst v63  }
0xdd: {  	s30 =	simm.s32 $0xFD00  }
0xde: {  	[hbm4b:s13+s2] =	stream.indirect_vreg.scatter [tilespmem:s30], [sflag:$0x2], $0x80, v8, vm0, $0xb8;
	[tilespmem:$0x11780] =	vst v63  }
0xdf: {  	s16 =	simm.s32 $0x10500  }
0xe0: {  	[hbm4b:s14+s2] =	stream.indirect_vreg.scatter [tilespmem:s16], [sflag:$0x2], $0x80, v8, vm0, $0xb8;
	[tilespmem:$0x11780] =	vst v63  }
0xe1: {  	s17 =	simm.s32 $0x10D00  }
0xe2: {  	[hbm4b:s15+s2] =	stream.indirect_vreg.scatter [tilespmem:s17], [sflag:$0x2], $0x80, v8, vm0, $0xb8;
	[tilespmem:$0x11780] =	vst v63  }
0xe3: {  	_ =	swait.ge [sflag:s23], $0x8000  }
0xe4: {  	[sflag:s23] =	ssyncset.done $0x0  }
0xe5: {  	s17 =	rddreg [dreg:$0x12];
	[sflag:s23] =	ssyncadd.s32 $0xFFFF8000  }
0xe6: {  	[tilespmem:s0], [sflag:$0x4] =	stream.linear.gather [hbm4b:s17+s2], $0x8000, $0x38;
	[tilespmem:$0x11780] =	vst v63  }
0xe7: {  	_ =	swait.ge [sflag:s19], $0x8000  }
0xe8: {  	[sflag:s19] =	ssyncset.done $0x0  }
0xe9: {  	[sflag:s19] =	ssyncadd.s32 $0xFFFF8000  }
0xea: {  	v8 =	vld [tilespmem:$0x1200];
	_ =	sdelay $0x4  }
0xeb: {  	v56 =	vshll.u32 v8, $0x3  }
0xec: {  	v8 =	vand.u32 $0x7, v8;
	v9 =	vand.u32 $0xFFFFFFC0, v56  }
0xed: {  	v8 =	vor.u32 v8, v9  }
0xee: {  	v9 =	vperm.xlane v8, v5;
	_ =	sdelay $0x1  }
0xef: {  	v9 =	vadd.s32 v6, v9;
	_ =	sdelay $0x4  }
0xf0: {  	[hbm4b:s4+s2] =	stream.indirect_vreg.scatter [tilespmem:s31], [sflag:$0x1], $0x80, v9, vm0, $0xb8;
	[tilespmem:$0x11780] =	vst v63  }
0xf1: {  	s17 =	simm.s32 $0x1D00;
	v8 =	vperm.xlane v8, v7  }
0xf2: {  	[hbm4b:s13+s2] =	stream.indirect_vreg.scatter [tilespmem:s17], [sflag:$0x1], $0x80, v9, vm0, $0xb8;
	[tilespmem:$0x11780] =	vst v63  }
0xf3: {  	v8 =	vadd.s32 v6, v8  }
0xf4: {  	[hbm4b:s14+s2] =	stream.indirect_vreg.scatter [tilespmem:s1], [sflag:$0x1], $0x80, v9, vm0, $0xb8;
	[tilespmem:$0x11780] =	vst v63  }
0xf5: {  	_ = 	snop  }
0xf6: {  	[hbm4b:s15+s2] =	stream.indirect_vreg.scatter [tilespmem:s3], [sflag:$0x1], $0x80, v9, vm0, $0xb8;
	[tilespmem:$0x11780] =	vst v63  }
0xf7: {  	_ = 	snop  }
0xf8: {  	[hbm4b:s4+s2] =	stream.indirect_vreg.scatter [tilespmem:s5], [sflag:$0x1], $0x80, v8, vm0, $0xb8;
	[tilespmem:$0x11780] =	vst v63  }
0xf9: {  	_ = 	snop  }
0xfa: {  	[hbm4b:s13+s2] =	stream.indirect_vreg.scatter [tilespmem:s6], [sflag:$0x1], $0x80, v8, vm0, $0xb8;
	[tilespmem:$0x11780] =	vst v63  }
0xfb: {  	_ = 	snop  }
0xfc: {  	[hbm4b:s14+s2] =	stream.indirect_vreg.scatter [tilespmem:s7], [sflag:$0x1], $0x80, v8, vm0, $0xb8;
	[tilespmem:$0x11780] =	vst v63  }
0xfd: {  	s5 =	simm.s32 $0x4D00  }
0xfe: {  	[hbm4b:s15+s2] =	stream.indirect_vreg.scatter [tilespmem:s5], [sflag:$0x1], $0x80, v8, vm0, $0xb8;
	[tilespmem:$0x11780] =	vst v63  }
0xff: {  	v8 =	vld [tilespmem:$0x1210];
	_ =	sdelay $0x4  }
0x100: {  	v57 =	vshll.u32 v8, $0x3  }
0x101: {  	v8 =	vand.u32 $0x7, v8;
	v9 =	vand.u32 $0xFFFFFFC0, v57  }
0x102: {  	v8 =	vor.u32 v8, v9  }
0x103: {  	v9 =	vperm.xlane v8, v5;
	_ =	sdelay $0x1  }
0x104: {  	v9 =	vadd.s32 v6, v9;
	_ =	sdelay $0x3  }
0x105: {  	s6 =	simm.s32 $0x5500  }
0x106: {  	[hbm4b:s4+s2] =	stream.indirect_vreg.scatter [tilespmem:s6], [sflag:$0x1], $0x80, v9, vm0, $0xb8;
	[tilespmem:$0x11780] =	vst v63  }
0x107: {  	s7 =	simm.s32 $0x5D00;
	v8 =	vperm.xlane v8, v7  }
0x108: {  	[hbm4b:s13+s2] =	stream.indirect_vreg.scatter [tilespmem:s7], [sflag:$0x1], $0x80, v9, vm0, $0xb8;
	[tilespmem:$0x11780] =	vst v63  }
0x109: {  	v8 =	vadd.s32 v6, v8  }
0x10a: {  	[hbm4b:s14+s2] =	stream.indirect_vreg.scatter [tilespmem:s8], [sflag:$0x1], $0x80, v9, vm0, $0xb8;
	[tilespmem:$0x11780] =	vst v63  }
0x10b: {  	_ = 	snop  }
0x10c: {  	[hbm4b:s15+s2] =	stream.indirect_vreg.scatter [tilespmem:s9], [sflag:$0x1], $0x80, v9, vm0, $0xb8;
	[tilespmem:$0x11780] =	vst v63  }
0x10d: {  	s1 =	simm.s32 $0x7500  }
0x10e: {  	[hbm4b:s4+s2] =	stream.indirect_vreg.scatter [tilespmem:s1], [sflag:$0x1], $0x80, v8, vm0, $0xb8;
	[tilespmem:$0x11780] =	vst v63  }
0x10f: {  	_ = 	snop  }
0x110: {  	[hbm4b:s13+s2] =	stream.indirect_vreg.scatter [tilespmem:s10], [sflag:$0x1], $0x80, v8, vm0, $0xb8;
	[tilespmem:$0x11780] =	vst v63  }
0x111: {  	_ = 	snop  }
0x112: {  	[hbm4b:s14+s2] =	stream.indirect_vreg.scatter [tilespmem:s11], [sflag:$0x1], $0x80, v8, vm0, $0xb8;
	[tilespmem:$0x11780] =	vst v63  }
0x113: {  	s3 =	simm.s32 $0x8D00  }
0x114: {  	[hbm4b:s15+s2] =	stream.indirect_vreg.scatter [tilespmem:s3], [sflag:$0x1], $0x80, v8, vm0, $0xb8;
	[tilespmem:$0x11780] =	vst v63  }
0x115: {  	_ =	swait.ge [sflag:s20], $0x8000  }
0x116: {  	[sflag:s20] =	ssyncset.done $0x0  }
0x117: {  	s5 =	rddreg [dreg:$0x13];
	[sflag:s20] =	ssyncadd.s32 $0xFFFF8000  }
0x118: {  	[tilespmem:s31], [sflag:$0x3] =	stream.linear.gather [hbm4b:s5+s2], $0x8000, $0x38;
	[tilespmem:$0x11780] =	vst v63  }
0x119: {  	_ =	swait.ge [sflag:s12], $0x8000  }
0x11a: {  	[sflag:s12] =	ssyncset.done $0x0  }
0x11b: {  	[sflag:s12] =	ssyncadd.s32 $0xFFFF8000  }
0x11c: {  	v8 =	vld [tilespmem:$0x1280];
	_ =	sdelay $0x4  }
0x11d: {  	v58 =	vshll.u32 v8, $0x3  }
0x11e: {  	v8 =	vand.u32 $0x7, v8;
	v9 =	vand.u32 $0xFFFFFFC0, v58  }
0x11f: {  	v8 =	vor.u32 v8, v9  }
0x120: {  	v9 =	vperm.xlane v8, v5;
	_ =	sdelay $0x1  }
0x121: {  	v9 =	vadd.s32 v6, v9;
	_ =	sdelay $0x4  }
0x122: {  	[hbm4b:s4+s2] =	stream.indirect_vreg.scatter [tilespmem:s0], [sflag:$0x2], $0x80, v9, vm0, $0xb8;
	[tilespmem:$0x11780] =	vst v63  }
0x123: {  	s6 =	simm.s32 $0x9D00;
	v8 =	vperm.xlane v8, v7  }
0x124: {  	[hbm4b:s13+s2] =	stream.indirect_vreg.scatter [tilespmem:s6], [sflag:$0x2], $0x80, v9, vm0, $0xb8;
	[tilespmem:$0x11780] =	vst v63  }
0x125: {  	s7 =	simm.s32 $0xA500;
	v8 =	vadd.s32 v6, v8  }
0x126: {  	[hbm4b:s14+s2] =	stream.indirect_vreg.scatter [tilespmem:s7], [sflag:$0x2], $0x80, v9, vm0, $0xb8;
	[tilespmem:$0x11780] =	vst v63  }
0x127: {  	_ = 	snop  }
0x128: {  	[hbm4b:s15+s2] =	stream.indirect_vreg.scatter [tilespmem:s18], [sflag:$0x2], $0x80, v9, vm0, $0xb8;
	[tilespmem:$0x11780] =	vst v63  }
0x129: {  	_ = 	snop  }
0x12a: {  	[hbm4b:s4+s2] =	stream.indirect_vreg.scatter [tilespmem:s28], [sflag:$0x2], $0x80, v8, vm0, $0xb8;
	[tilespmem:$0x11780] =	vst v63  }
0x12b: {  	_ = 	snop  }
0x12c: {  	[hbm4b:s13+s2] =	stream.indirect_vreg.scatter [tilespmem:s24], [sflag:$0x2], $0x80, v8, vm0, $0xb8;
	[tilespmem:$0x11780] =	vst v63  }
0x12d: {  	_ = 	snop  }
0x12e: {  	[hbm4b:s14+s2] =	stream.indirect_vreg.scatter [tilespmem:s25], [sflag:$0x2], $0x80, v8, vm0, $0xb8;
	[tilespmem:$0x11780] =	vst v63  }
0x12f: {  	s5 =	simm.s32 $0xCD00  }
0x130: {  	[hbm4b:s15+s2] =	stream.indirect_vreg.scatter [tilespmem:s5], [sflag:$0x2], $0x80, v8, vm0, $0xb8;
	[tilespmem:$0x11780] =	vst v63  }
0x131: {  	v8 =	vld [tilespmem:$0x1290];
	_ =	sdelay $0x4  }
0x132: {  	v59 =	vshll.u32 v8, $0x3  }
0x133: {  	v8 =	vand.u32 $0x7, v8;
	v9 =	vand.u32 $0xFFFFFFC0, v59  }
0x134: {  	v8 =	vor.u32 v8, v9  }
0x135: {  	v9 =	vperm.xlane v8, v5;
	_ =	sdelay $0x1  }
0x136: {  	v9 =	vadd.s32 v6, v9;
	_ =	sdelay $0x4  }
0x137: {  	[hbm4b:s4+s2] =	stream.indirect_vreg.scatter [tilespmem:s22], [sflag:$0x2], $0x80, v9, vm0, $0xb8;
	[tilespmem:$0x11780] =	vst v63  }
0x138: {  	v8 =	vperm.xlane v8, v7  }
0x139: {  	[hbm4b:s13+s2] =	stream.indirect_vreg.scatter [tilespmem:s29], [sflag:$0x2], $0x80, v9, vm0, $0xb8;
	[tilespmem:$0x11780] =	vst v63  }
0x13a: {  	v8 =	vadd.s32 v6, v8  }
0x13b: {  	[hbm4b:s14+s2] =	stream.indirect_vreg.scatter [tilespmem:s26], [sflag:$0x2], $0x80, v9, vm0, $0xb8;
	[tilespmem:$0x11780] =	vst v63  }
0x13c: {  	s3 =	simm.s32 $0xED00  }
0x13d: {  	[hbm4b:s15+s2] =	stream.indirect_vreg.scatter [tilespmem:s3], [sflag:$0x2], $0x80, v9, vm0, $0xb8;
	[tilespmem:$0x11780] =	vst v63  }
0x13e: {  	_ = 	snop  }
0x13f: {  	[hbm4b:s4+s2] =	stream.indirect_vreg.scatter [tilespmem:s21], [sflag:$0x2], $0x80, v8, vm0, $0xb8;
	[tilespmem:$0x11780] =	vst v63  }
0x140: {  	_ = 	snop  }
0x141: {  	[hbm4b:s13+s2] =	stream.indirect_vreg.scatter [tilespmem:s30], [sflag:$0x2], $0x80, v8, vm0, $0xb8;
	[tilespmem:$0x11780] =	vst v63  }
0x142: {  	_ = 	snop  }
0x143: {  	[hbm4b:s14+s2] =	stream.indirect_vreg.scatter [tilespmem:s16], [sflag:$0x2], $0x80, v8, vm0, $0xb8;
	[tilespmem:$0x11780] =	vst v63  }
0x144: {  	s1 =	simm.s32 $0x10D00  }
0x145: {  	[hbm4b:s15+s2] =	stream.indirect_vreg.scatter [tilespmem:s1], [sflag:$0x2], $0x80, v8, vm0, $0xb8;
	[tilespmem:$0x11780] =	vst v63  }
0x146: {  	_ =	swait.ge [sflag:s23], $0x8000  }
0x147: {  	[sflag:s23] =	ssyncset.done $0x0  }
0x148: {  	s17 =	rddreg [dreg:$0x14];
	[sflag:s23] =	ssyncadd.s32 $0xFFFF8000  }
0x149: {  	[tilespmem:s0], [sflag:$0x4] =	stream.linear.gather [hbm4b:s17+s2], $0x8000, $0x38;
	[tilespmem:$0x11780] =	vst v63  }
0x14a: {  	_ =	swait.ge [sflag:s19], $0x8000  }
0x14b: {  	[sflag:s19] =	ssyncset.done $0x0  }
0x14c: {  	[sflag:s19] =	ssyncadd.s32 $0xFFFF8000  }
0x14d: {  	v8 =	vld [tilespmem:$0x1300];
	_ =	sdelay $0x4  }
0x14e: {  	v60 =	vshll.u32 v8, $0x3  }
0x14f: {  	v8 =	vand.u32 $0x7, v8;
	v9 =	vand.u32 $0xFFFFFFC0, v60  }
0x150: {  	v8 =	vor.u32 v8, v9  }
0x151: {  	v9 =	vperm.xlane v8, v5;
	_ =	sdelay $0x1  }
0x152: {  	v9 =	vadd.s32 v6, v9;
	_ =	sdelay $0x4  }
0x153: {  	[hbm4b:s4+s2] =	stream.indirect_vreg.scatter [tilespmem:s31], [sflag:$0x1], $0x80, v9, vm0, $0xb8;
	[tilespmem:$0x11780] =	vst v63  }
0x154: {  	s17 =	simm.s32 $0x1D00;
	v8 =	vperm.xlane v8, v7  }
0x155: {  	[hbm4b:s13+s2] =	stream.indirect_vreg.scatter [tilespmem:s17], [sflag:$0x1], $0x80, v9, vm0, $0xb8;
	[tilespmem:$0x11780] =	vst v63  }
0x156: {  	v8 =	vadd.s32 v6, v8;
	s17 =	simm.s32 $0x2500  }
0x157: {  	[hbm4b:s14+s2] =	stream.indirect_vreg.scatter [tilespmem:s17], [sflag:$0x1], $0x80, v9, vm0, $0xb8;
	[tilespmem:$0x11780] =	vst v63  }
0x158: {  	s17 =	simm.s32 $0x2D00  }
0x159: {  	[hbm4b:s15+s2] =	stream.indirect_vreg.scatter [tilespmem:s17], [sflag:$0x1], $0x80, v9, vm0, $0xb8;
	[tilespmem:$0x11780] =	vst v63  }
0x15a: {  	s17 =	simm.s32 $0x3500  }
0x15b: {  	[hbm4b:s4+s2] =	stream.indirect_vreg.scatter [tilespmem:s17], [sflag:$0x1], $0x80, v8, vm0, $0xb8;
	[tilespmem:$0x11780] =	vst v63  }
0x15c: {  	s17 =	simm.s32 $0x3D00  }
0x15d: {  	[hbm4b:s13+s2] =	stream.indirect_vreg.scatter [tilespmem:s17], [sflag:$0x1], $0x80, v8, vm0, $0xb8;
	[tilespmem:$0x11780] =	vst v63  }
0x15e: {  	s17 =	simm.s32 $0x4500  }
0x15f: {  	[hbm4b:s14+s2] =	stream.indirect_vreg.scatter [tilespmem:s17], [sflag:$0x1], $0x80, v8, vm0, $0xb8;
	[tilespmem:$0x11780] =	vst v63  }
0x160: {  	s17 =	simm.s32 $0x4D00  }
0x161: {  	[hbm4b:s15+s2] =	stream.indirect_vreg.scatter [tilespmem:s17], [sflag:$0x1], $0x80, v8, vm0, $0xb8;
	[tilespmem:$0x11780] =	vst v63  }
0x162: {  	v8 =	vld [tilespmem:$0x1310];
	_ =	sdelay $0x4  }
0x163: {  	v61 =	vshll.u32 v8, $0x3  }
0x164: {  	v8 =	vand.u32 $0x7, v8;
	v9 =	vand.u32 $0xFFFFFFC0, v61  }
0x165: {  	v8 =	vor.u32 v8, v9  }
0x166: {  	v9 =	vperm.xlane v8, v5;
	_ =	sdelay $0x1  }
0x167: {  	v9 =	vadd.s32 v6, v9;
	_ =	sdelay $0x3  }
0x168: {  	s17 =	simm.s32 $0x5500  }
0x169: {  	[hbm4b:s4+s2] =	stream.indirect_vreg.scatter [tilespmem:s17], [sflag:$0x1], $0x80, v9, vm0, $0xb8;
	[tilespmem:$0x11780] =	vst v63  }
0x16a: {  	v8 =	vperm.xlane v8, v7;
	s17 =	simm.s32 $0x5D00  }
0x16b: {  	[hbm4b:s13+s2] =	stream.indirect_vreg.scatter [tilespmem:s17], [sflag:$0x1], $0x80, v9, vm0, $0xb8;
	[tilespmem:$0x11780] =	vst v63  }
0x16c: {  	s8 =	simm.s32 $0x6500;
	v8 =	vadd.s32 v6, v8  }
0x16d: {  	[hbm4b:s14+s2] =	stream.indirect_vreg.scatter [tilespmem:s8], [sflag:$0x1], $0x80, v9, vm0, $0xb8;
	[tilespmem:$0x11780] =	vst v63  }
0x16e: {  	s9 =	simm.s32 $0x6D00  }
0x16f: {  	[hbm4b:s15+s2] =	stream.indirect_vreg.scatter [tilespmem:s9], [sflag:$0x1], $0x80, v9, vm0, $0xb8;
	[tilespmem:$0x11780] =	vst v63  }
0x170: {  	s9 =	simm.s32 $0x7500  }
0x171: {  	[hbm4b:s4+s2] =	stream.indirect_vreg.scatter [tilespmem:s9], [sflag:$0x1], $0x80, v8, vm0, $0xb8;
	[tilespmem:$0x11780] =	vst v63  }
0x172: {  	s10 =	simm.s32 $0x7D00  }
0x173: {  	[hbm4b:s13+s2] =	stream.indirect_vreg.scatter [tilespmem:s10], [sflag:$0x1], $0x80, v8, vm0, $0xb8;
	[tilespmem:$0x11780] =	vst v63  }
0x174: {  	s11 =	simm.s32 $0x8500  }
0x175: {  	[hbm4b:s14+s2] =	stream.indirect_vreg.scatter [tilespmem:s11], [sflag:$0x1], $0x80, v8, vm0, $0xb8;
	[tilespmem:$0x11780] =	vst v63  }
0x176: {  	s17 =	simm.s32 $0x8D00  }
0x177: {  	[hbm4b:s15+s2] =	stream.indirect_vreg.scatter [tilespmem:s17], [sflag:$0x1], $0x80, v8, vm0, $0xb8;
	[tilespmem:$0x11780] =	vst v63  }
0x178: {  	_ =	swait.ge [sflag:s12], $0x8000  }
0x179: {  	[sflag:s12] =	ssyncset.done $0x0  }
0x17a: {  	[sflag:s12] =	ssyncadd.s32 $0xFFFF8000  }
0x17b: {  	v8 =	vld [tilespmem:$0x1380];
	_ =	sdelay $0x4  }
0x17c: {  	v62 =	vshll.u32 v8, $0x3  }
0x17d: {  	v8 =	vand.u32 $0x7, v8;
	v9 =	vand.u32 $0xFFFFFFC0, v62  }
0x17e: {  	v8 =	vor.u32 v8, v9  }
0x17f: {  	v9 =	vperm.xlane v8, v5;
	_ =	sdelay $0x1  }
0x180: {  	v9 =	vadd.s32 v6, v9;
	_ =	sdelay $0x4  }
0x181: {  	[hbm4b:s4+s2] =	stream.indirect_vreg.scatter [tilespmem:s0], [sflag:$0x2], $0x80, v9, vm0, $0xb8;
	[tilespmem:$0x11780] =	vst v63  }
0x182: {  	s6 =	simm.s32 $0x9D00;
	v8 =	vperm.xlane v8, v7  }
0x183: {  	[hbm4b:s13+s2] =	stream.indirect_vreg.scatter [tilespmem:s6], [sflag:$0x2], $0x80, v9, vm0, $0xb8;
	[tilespmem:$0x11780] =	vst v63  }
0x184: {  	s7 =	simm.s32 $0xA500;
	v8 =	vadd.s32 v6, v8  }
0x185: {  	[hbm4b:s14+s2] =	stream.indirect_vreg.scatter [tilespmem:s7], [sflag:$0x2], $0x80, v9, vm0, $0xb8;
	[tilespmem:$0x11780] =	vst v63  }
0x186: {  	s18 =	simm.s32 $0xAD00  }
0x187: {  	[hbm4b:s15+s2] =	stream.indirect_vreg.scatter [tilespmem:s18], [sflag:$0x2], $0x80, v9, vm0, $0xb8;
	[tilespmem:$0x11780] =	vst v63  }
0x188: {  	s28 =	simm.s32 $0xB500  }
0x189: {  	[hbm4b:s4+s2] =	stream.indirect_vreg.scatter [tilespmem:s28], [sflag:$0x2], $0x80, v8, vm0, $0xb8;
	[tilespmem:$0x11780] =	vst v63  }
0x18a: {  	s24 =	simm.s32 $0xBD00  }
0x18b: {  	[hbm4b:s13+s2] =	stream.indirect_vreg.scatter [tilespmem:s24], [sflag:$0x2], $0x80, v8, vm0, $0xb8;
	[tilespmem:$0x11780] =	vst v63  }
0x18c: {  	s25 =	simm.s32 $0xC500  }
0x18d: {  	[hbm4b:s14+s2] =	stream.indirect_vreg.scatter [tilespmem:s25], [sflag:$0x2], $0x80, v8, vm0, $0xb8;
	[tilespmem:$0x11780] =	vst v63  }
0x18e: {  	_ = 	snop  }
0x18f: {  	[hbm4b:s15+s2] =	stream.indirect_vreg.scatter [tilespmem:s5], [sflag:$0x2], $0x80, v8, vm0, $0xb8;
	[tilespmem:$0x11780] =	vst v63  }
0x190: {  	v8 =	vld [tilespmem:$0x1390];
	_ =	sdelay $0x4  }
0x191: {  	v63 =	vshll.u32 v8, $0x3  }
0x192: {  	v8 =	vand.u32 $0x7, v8;
	v9 =	vand.u32 $0xFFFFFFC0, v63  }
0x193: {  	v8 =	vor.u32 v8, v9  }
0x194: {  	v9 =	vperm.xlane v8, v5;
	_ =	sdelay $0x1  }
0x195: {  	v9 =	vadd.s32 v6, v9;
	_ =	sdelay $0x3  }
0x196: {  	s22 =	simm.s32 $0xD500  }
0x197: {  	[hbm4b:s4+s2] =	stream.indirect_vreg.scatter [tilespmem:s22], [sflag:$0x2], $0x80, v9, vm0, $0xb8;
	[tilespmem:$0x11780] =	vst v63  }
0x198: {  	s29 =	simm.s32 $0xDD00;
	v8 =	vperm.xlane v8, v7  }
0x199: {  	[hbm4b:s13+s2] =	stream.indirect_vreg.scatter [tilespmem:s29], [sflag:$0x2], $0x80, v9, vm0, $0xb8;
	[tilespmem:$0x11780] =	vst v63  }
0x19a: {  	s26 =	simm.s32 $0xE500;
	v8 =	vadd.s32 v6, v8  }
0x19b: {  	[hbm4b:s14+s2] =	stream.indirect_vreg.scatter [tilespmem:s26], [sflag:$0x2], $0x80, v9, vm0, $0xb8;
	[tilespmem:$0x11780] =	vst v63  }
0x19c: {  	_ = 	snop  }
0x19d: {  	[hbm4b:s15+s2] =	stream.indirect_vreg.scatter [tilespmem:s3], [sflag:$0x2], $0x80, v9, vm0, $0xb8;
	[tilespmem:$0x11780] =	vst v63  }
0x19e: {  	s21 =	simm.s32 $0xF500  }
0x19f: {  	[hbm4b:s4+s2] =	stream.indirect_vreg.scatter [tilespmem:s21], [sflag:$0x2], $0x80, v8, vm0, $0xb8;
	[tilespmem:$0x11780] =	vst v63  }
0x1a0: {  	s30 =	simm.s32 $0xFD00  }
0x1a1: {  	[hbm4b:s13+s2] =	stream.indirect_vreg.scatter [tilespmem:s30], [sflag:$0x2], $0x80, v8, vm0, $0xb8;
	[tilespmem:$0x11780] =	vst v63  }
0x1a2: {  	s16 =	simm.s32 $0x10500  }
0x1a3: {  	[hbm4b:s14+s2] =	stream.indirect_vreg.scatter [tilespmem:s16], [sflag:$0x2], $0x80, v8, vm0, $0xb8;
	[tilespmem:$0x11780] =	vst v63  }
0x1a4: {  	_ = 	snop  }
0x1a5: {  	[hbm4b:s15+s2] =	stream.indirect_vreg.scatter [tilespmem:s1], [sflag:$0x2], $0x80, v8, vm0, $0xb8;
	[tilespmem:$0x11780] =	vst v63  }
0x1a6: {  	_ =	swait.ge [sflag:s20], $0x8000  }
0x1a7: {  	[sflag:s20] =	ssyncset.done $0x0  }
0x1a8: {  	[sflag:s20] =	ssyncadd.s32 $0xFFFF8000  }
0x1a9: {  	_ =	swait.ge [sflag:s23], $0x8000  }
0x1aa: {  	s29 =	rddreg [dreg:$0x16]  }
0x1ab: {  	s30 =	rddreg [dreg:$0x15];
	s1 =	sadd.s32 $0x1, s29  }
0x1ac: {  	p2 =	sne.s32 s1, s30  }
.Ltmp1:
0x1ad: {  	_ = 	snop;
	(pc) =	sbr.rel @!p2 .LBB2_8-.Ltmp1, $3  }
0x1ae: {  	_ =	sdelay $0x1  }
0x1af: {  	[sflag:s23] =	ssyncset.done $0x0  }
0x1b0: {  	s0 =	simm.s32 $0x5;
	[sflag:s23] =	ssyncadd.s32 $0xFFFF8000  }
.LBB2_1:
0x1b1: {  	s17 =	rddreg [dreg:$0x6]  }
0x1b2: {  	[tilespmem:s2], [sflag:$0x5] =	stream.linear.gather [hbm4b:s17+s2], $0x1000, $0x38;
	[tilespmem:$0x11780] =	vst v63  }
0x1b3: {  	_ =	swait.ge [sflag:s0], $0x1000  }
0x1b4: {  	[sflag:s0] =	ssyncset.done $0x0  }
0x1b5: {  	s18 =	simm.s32 $0x11500;
	s28 =	rddreg [dreg:$0xa];
	[sflag:s0] =	ssyncadd.s32 $0xFFFFF000  }
0x1b6: {  	[tilespmem:s18], [sflag:$0x5] =	stream.linear.gather [hbm4b:s28+s2], $0x100, $0x38;
	[tilespmem:$0x11780] =	vst v63  }
0x1b7: {  	_ =	swait.ge [sflag:s0], $0x100  }
0x1b8: {  	s30 =	simm.s32 $0x80;
	s21 =	simm.s32 $0x400;
	[sflag:s0] =	ssyncset.done $0x0  }
0x1b9: {  	s22 =	simm.s32 $0x11600;
	s29 =	rddreg [dreg:$0xb];
	[sflag:s0] =	ssyncadd.s32 $0xFFFFFF00  }
0x1ba: {  	[tilespmem:s22], [sflag:$0x5] =	stream.strided.gather [hbm4b:s29+s30], $0x100, s21, s30, $0x38;
	[tilespmem:$0x11780] =	vst v63  }
0x1bb: {  	_ =	swait.ge [sflag:s0], $0x100  }
0x1bc: {  	[sflag:s0] =	ssyncset.done $0x0  }
0x1bd: {  	[sflag:s0] =	ssyncadd.s32 $0xFFFFFF00  }
0x1be: {  	v8 =	vld [tilespmem:$0x0]  }
0x1bf: {  	v9 =	vld [tilespmem:$0x80]  }
0x1c0: {  	v10 =	vld [tilespmem:$0x100]  }
0x1c1: {  	v11 =	vld [tilespmem:$0x180]  }
0x1c2: {  	v12 =	vld [tilespmem:$0x200]  }
0x1c3: {  	v13 =	vld [tilespmem:$0x280]  }
0x1c4: {  	v8 =	vadd.s32 v8, v9;
	v9 =	vld [tilespmem:$0x300]  }
0x1c5: {  	v8 =	vadd.s32 v8, v10;
	v10 =	vld [tilespmem:$0x380]  }
0x1c6: {  	v8 =	vadd.s32 v8, v11;
	v11 =	vld [tilespmem:$0x400]  }
0x1c7: {  	v54 =	vld [tilespmem:$0x480];
	v8 =	vadd.s32 v8, v12  }
0x1c8: {  	v55 =	vld [tilespmem:$0x500];
	v8 =	vadd.s32 v8, v13  }
0x1c9: {  	v8 =	vadd.s32 v8, v9;
	v9 =	vld [tilespmem:$0x580]  }
0x1ca: {  	v8 =	vadd.s32 v8, v10;
	v10 =	vld [tilespmem:$0x600]  }
0x1cb: {  	v8 =	vadd.s32 v8, v11;
	v11 =	vld [tilespmem:$0x680]  }
0x1cc: {  	v56 =	vld [tilespmem:$0x700];
	v8 =	vadd.s32 v8, v54  }
0x1cd: {  	v57 =	vld [tilespmem:$0x780];
	v8 =	vadd.s32 v8, v55  }
0x1ce: {  	v8 =	vadd.s32 v8, v9;
	v9 =	vld [tilespmem:$0x800]  }
0x1cf: {  	v8 =	vadd.s32 v8, v10;
	v10 =	vld [tilespmem:$0x880]  }
0x1d0: {  	v8 =	vadd.s32 v8, v11;
	v11 =	vld [tilespmem:$0x900]  }
0x1d1: {  	v58 =	vld [tilespmem:$0x980];
	v8 =	vadd.s32 v8, v56  }
0x1d2: {  	v59 =	vld [tilespmem:$0xA00];
	v8 =	vadd.s32 v8, v57  }
0x1d3: {  	v8 =	vadd.s32 v8, v9;
	v9 =	vld [tilespmem:$0xA80]  }
0x1d4: {  	v8 =	vadd.s32 v8, v10;
	v10 =	vld [tilespmem:$0xB00]  }
0x1d5: {  	v8 =	vadd.s32 v8, v11;
	v11 =	vld [tilespmem:$0xB80]  }
0x1d6: {  	v60 =	vld [tilespmem:$0xC00];
	v8 =	vadd.s32 v8, v58  }
0x1d7: {  	v61 =	vld [tilespmem:$0xC80];
	v8 =	vadd.s32 v8, v59  }
0x1d8: {  	v8 =	vadd.s32 v8, v9;
	v9 =	vld [tilespmem:$0xD00]  }
0x1d9: {  	v8 =	vadd.s32 v8, v10;
	v10 =	vld [tilespmem:$0xD80]  }
0x1da: {  	v8 =	vadd.s32 v8, v11;
	v11 =	vld [tilespmem:$0xE00]  }
0x1db: {  	v62 =	vld [tilespmem:$0xE80];
	v8 =	vadd.s32 v8, v60  }
0x1dc: {  	v63 =	vld [tilespmem:$0xF00];
	v8 =	vadd.s32 v8, v61  }
0x1dd: {  	v8 =	vadd.s32 v8, v9;
	v9 =	vld [tilespmem:$0xF80]  }
0x1de: {  	v8 =	vadd.s32 v8, v10  }
0x1df: {  	v8 =	vadd.s32 v8, v11  }
0x1e0: {  	v8 =	vadd.s32 v8, v62  }
0x1e1: {  	v8 =	vadd.s32 v8, v63  }
0x1e2: {  	v8 =	vadd.s32 v8, v9  }
0x1e3: {  	v8 =	vadd.s32 $0x1FF, v8  }
0x1e4: {  	v9 =	vshra.s32 v8, $0x1F;
	v10 =	vand.u32 $0x1FF, v8  }
0x1e5: {  	vm1 =	vlt.s32 v8, $0x1;
	v9 =	vshrl.u32 v9, $0x17;
	vm2 =	vne.s32 v10, $0x0  }
0x1e6: {  	v8 =	vadd.s32 v9, v8;
	vm1 =	vmand vm1, vm2  }
0x1e7: {  	v8 =	vshra.s32 v8, $0x9;
	v9 =	vsel vm1, $0xFFFFFFFF, v1  }
0x1e8: {  	v8 =	vadd.s32 v9, v8  }
0x1e9: {  	v9 =	vshll.u32 v8, $0x9  }
0x1ea: {  	(xrf0) =	vadd.scan.msk.s32 $0xffff, v9;
	_ =	sdelay $0x1  }
.Ltmp2:
0x1eb: {  	_ = 	snop;
	(pc) =	sbr.rel @p0 .LBB2_5-.Ltmp2, $2  }
0x1ec: {  	_ =	sdelay $0x2  }
0x1ed: {  	v11 =	vimm.s32 $0x0;
	v10, _, _ =	vpop (xrf0)  }
0x1ee: {  	s17 =	rddreg [dreg:$0x8]  }
0x1ef: {  	p2 =	sne.s32 s17, $0x1  }
.Ltmp3:
0x1f0: {  	_ = 	snop;
	(pc) =	sbr.rel @!p2 .LBB2_4-.Ltmp3, $2  }
0x1f1: {  	_ =	sdelay $0x2  }
0x1f2: {  	v12 =	vld [tilespmem:s2+$0x0];
	v11 =	vimm.s32 $0x0;
	s18 =	simm.s32 $0x0;
	s17 =	sadd.s32 $0xFFFFFFFF, s17  }
.LBB2_3:
0x1f3: {  	p2 =	sne.s32 s17, $0x1  }
.Ltmp4:
0x1f4: {  	_ = 	snop;
	(pc) =	sbr.rel @p2 .LBB2_3-.Ltmp4, $3  }
0x1f5: {  	_ =	sdelay $0x1  }
0x1f6: {  	s17 =	sadd.s32 $0xFFFFFFFF, s17;
	s18 =	sadd.s32 $0x80, s18;
	v11 =	vadd.s32 v11, v12  }
0x1f7: {  	v12 =	vld [tilespmem:s18+$0x0]  }
.LBB2_4:
0x1f8: {  	_ =	sdelay $0x3  }
0x1f9: {  	v11 =	vadd.s32 v11, v12  }
.LBB2_5:
0x1fa: {  	v12 =	vld [tilespmem:$0x11500];
	_ =	sdelay $0x4  }
0x1fb: {  	v9 =	vsub.s32 v10, v9  }
0x1fc: {  	v10 =	vadd.s32 v9, v11;
	v11 =	vld [tilespmem:$0x11600]  }
0x1fd: {  	s3 =	simm.s32 $0x11700;
	[tilespmem:$0x11700] =	vst v10;
	v10 =	vld [tilespmem:$0x11510]  }
0x1fe: {  	v12 =	vld.idx.msk [tilespmem:v12+s3+$0x0], $0xffff;
	_ =	sdelay $0x4  }
0x1ff: {  	v50 =	vld [tilespmem:$0x11610];
	v11 =	vadd.s32 v11, v12  }
0x200: {  	[tilespmem:$0x1000] =	vst v11;
	v11 =	vld [tilespmem:$0x11520]  }
0x201: {  	v10 =	vld.idx.msk [tilespmem:v10+s3+$0x0], $0xffff;
	_ =	sdelay $0x4  }
0x202: {  	v51 =	vld [tilespmem:$0x11620];
	v10 =	vadd.s32 v50, v10  }
0x203: {  	[tilespmem:$0x1010] =	vst v10;
	v10 =	vld [tilespmem:$0x11530]  }
0x204: {  	v11 =	vld.idx.msk [tilespmem:v11+s3+$0x0], $0xffff;
	_ =	sdelay $0x4  }
0x205: {  	v52 =	vld [tilespmem:$0x11630];
	v11 =	vadd.s32 v51, v11  }
0x206: {  	[tilespmem:$0x1080] =	vst v11;
	v11 =	vld [tilespmem:$0x11540]  }
0x207: {  	v10 =	vld.idx.msk [tilespmem:v10+s3+$0x0], $0xffff;
	_ =	sdelay $0x4  }
0x208: {  	v53 =	vld [tilespmem:$0x11640];
	v10 =	vadd.s32 v52, v10  }
0x209: {  	[tilespmem:$0x1090] =	vst v10;
	v10 =	vld [tilespmem:$0x11550]  }
0x20a: {  	v11 =	vld.idx.msk [tilespmem:v11+s3+$0x0], $0xffff;
	_ =	sdelay $0x4  }
0x20b: {  	v54 =	vld [tilespmem:$0x11650];
	v11 =	vadd.s32 v53, v11  }
0x20c: {  	[tilespmem:$0x1100] =	vst v11;
	v11 =	vld [tilespmem:$0x11560]  }
0x20d: {  	v10 =	vld.idx.msk [tilespmem:v10+s3+$0x0], $0xffff;
	_ =	sdelay $0x4  }
0x20e: {  	v55 =	vld [tilespmem:$0x11660];
	v10 =	vadd.s32 v54, v10  }
0x20f: {  	[tilespmem:$0x1110] =	vst v10;
	v10 =	vld [tilespmem:$0x11570]  }
0x210: {  	v11 =	vld.idx.msk [tilespmem:v11+s3+$0x0], $0xffff;
	_ =	sdelay $0x4  }
0x211: {  	v56 =	vld [tilespmem:$0x11670];
	v11 =	vadd.s32 v55, v11  }
0x212: {  	[tilespmem:$0x1180] =	vst v11;
	v11 =	vld [tilespmem:$0x11580]  }
0x213: {  	v10 =	vld.idx.msk [tilespmem:v10+s3+$0x0], $0xffff;
	_ =	sdelay $0x4  }
0x214: {  	v57 =	vld [tilespmem:$0x11680];
	v10 =	vadd.s32 v56, v10  }
0x215: {  	[tilespmem:$0x1190] =	vst v10;
	v10 =	vld [tilespmem:$0x11590]  }
0x216: {  	v11 =	vld.idx.msk [tilespmem:v11+s3+$0x0], $0xffff;
	_ =	sdelay $0x4  }
0x217: {  	v58 =	vld [tilespmem:$0x11690];
	v11 =	vadd.s32 v57, v11  }
0x218: {  	[tilespmem:$0x1200] =	vst v11;
	v11 =	vld [tilespmem:$0x115A0]  }
0x219: {  	v10 =	vld.idx.msk [tilespmem:v10+s3+$0x0], $0xffff;
	_ =	sdelay $0x4  }
0x21a: {  	v59 =	vld [tilespmem:$0x116A0];
	v10 =	vadd.s32 v58, v10  }
0x21b: {  	[tilespmem:$0x1210] =	vst v10;
	v10 =	vld [tilespmem:$0x115B0]  }
0x21c: {  	v11 =	vld.idx.msk [tilespmem:v11+s3+$0x0], $0xffff;
	_ =	sdelay $0x4  }
0x21d: {  	v60 =	vld [tilespmem:$0x116B0];
	v11 =	vadd.s32 v59, v11  }
0x21e: {  	[tilespmem:$0x1280] =	vst v11;
	v11 =	vld [tilespmem:$0x115C0]  }
0x21f: {  	v10 =	vld.idx.msk [tilespmem:v10+s3+$0x0], $0xffff;
	_ =	sdelay $0x4  }
0x220: {  	v61 =	vld [tilespmem:$0x116C0];
	v10 =	vadd.s32 v60, v10  }
0x221: {  	[tilespmem:$0x1290] =	vst v10;
	v10 =	vld [tilespmem:$0x115D0]  }
0x222: {  	v11 =	vld.idx.msk [tilespmem:v11+s3+$0x0], $0xffff;
	_ =	sdelay $0x4  }
0x223: {  	v62 =	vld [tilespmem:$0x116D0];
	v11 =	vadd.s32 v61, v11  }
0x224: {  	[tilespmem:$0x1300] =	vst v11;
	v11 =	vld [tilespmem:$0x115E0]  }
0x225: {  	v10 =	vld.idx.msk [tilespmem:v10+s3+$0x0], $0xffff;
	_ =	sdelay $0x4  }
0x226: {  	v63 =	vld [tilespmem:$0x116E0];
	v10 =	vadd.s32 v62, v10  }
0x227: {  	[tilespmem:$0x1310] =	vst v10;
	v10 =	vld [tilespmem:$0x115F0]  }
0x228: {  	v11 =	vld.idx.msk [tilespmem:v11+s3+$0x0], $0xffff;
	_ =	sdelay $0x4  }
0x229: {  	v11 =	vadd.s32 v63, v11  }
0x22a: {  	[tilespmem:$0x1380] =	vst v11;
	v11 =	vld [tilespmem:$0x116F0]  }
0x22b: {  	v10 =	vld.idx.msk [tilespmem:v10+s3+$0x0], $0xffff;
	_ =	sdelay $0x4  }
0x22c: {  	v10 =	vadd.s32 v11, v10  }
.Ltmp5:
0x22d: {  	s17 =	rddreg [dreg:$0xd];
	s18 =	simm.s32 $0x1000;
	[tilespmem:$0x1390] =	vst v10;
	(pc) =	sbr.rel @p1 .LBB2_7-.Ltmp5, $4  }
0x22e: {  	[hbm4b:s17+s2] =	stream.linear.scatter [tilespmem:s18], [sflag:$0x5], $0x400, $0x38;
	[tilespmem:$0x11780] =	vst v63  }
0x22f: {  	_ =	swait.ge [sflag:s0], $0x400  }
0x230: {  	[sflag:s0] =	ssyncset.done $0x0  }
0x231: {  	[dreg:$0x16] =	wrdreg s1;
	[sflag:s0] =	ssyncadd.s32 $0xFFFFFC00  }
0x232: {  	v10 =	vbroadcast v9, $0x0;
	v11 =	vbroadcast v9, $0x2  }
0x233: {  	v12 =	vbroadcast v9, $0x3;
	v14 =	vbroadcast v9, $0x1  }
0x234: {  	v15 =	vbroadcast v9, $0x4;
	v16 =	vbroadcast v9, $0x5  }
0x235: {  	v19 =	vbroadcast v9, $0x6;
	v20 =	vbroadcast v9, $0x7  }
0x236: {  	v24 =	vbroadcast v9, $0x8;
	v25 =	vbroadcast v9, $0x9  }
0x237: {  	v36 =	vbroadcast v9, $0xA;
	v37 =	vbroadcast v9, $0xB  }
0x238: {  	v39 =	vbroadcast v9, $0xC;
	v40 =	vbroadcast v9, $0xD  }
0x239: {  	v42 =	vbroadcast v9, $0xE;
	v43 =	vbroadcast v9, $0xF;
	vm1 =	vlt.s32 v10, v2  }
0x23a: {  	(xrf0) =	vadd.scan.msk.s32 $0xffff, v8;
	vm2 =	vlt.s32 v12, v2;
	v13 =	vsel vm1, $0x1, v1;
	vm1 =	vlt.s32 v11, v2  }
0x23b: {  	v18 =	vsel vm2, $0x1, v1;
	vm2 =	vlt.s32 v16, v2;
	v17 =	vsel vm1, $0x1, v1  }
0x23c: {  	vm1 =	vlt.s32 v15, v2;
	v22 =	vsel vm2, $0x1, v1;
	vm2 =	vlt.s32 v19, v2  }
0x23d: {  	v21 =	vsel vm1, $0x1, v1;
	vm1 =	vgt.s32 v14, v0;
	v35 =	vsel vm2, $0x1, v1  }
0x23e: {  	vm2 =	vlt.s32 v25, v2;
	v23 =	vsel vm1, $0xFFFFFFFF, v1;
	vm1 =	vlt.s32 v20, v2  }
0x23f: {  	v27 =	vsel vm2, $0x1, v1;
	vm2 =	vlt.s32 v37, v2;
	v13 =	vadd.s32 v13, v23  }
0x240: {  	v61, _, _ =	vpop (xrf0);
	v26 =	vsel vm1, $0x1, v1;
	vm1 =	vlt.s32 v24, v2;
	v28 =	vsel vm2, $0x1, v1  }
0x241: {  	vm2 =	vlt.s32 v40, v2;
	v9 =	vbroadcast v61, $0xF;
	v13 =	vadd.s32 v17, v13  }
0x242: {  	v38 =	vsel vm1, $0x1, v1;
	vm1 =	vlt.s32 v36, v2;
	v45 =	vsel vm2, $0x1, v1  }
0x243: {  	vm2 =	vlt.s32 v43, v2;
	v13 =	vadd.s32 v18, v13;
	v41 =	vsel vm1, $0x1, v1  }
0x244: {  	vm1 =	vlt.s32 v39, v2;
	v47 =	vsel vm2, $0x1, v1;
	vm2 =	vgt.s32 v14, v4  }
0x245: {  	v13 =	vadd.s32 v21, v13;
	v44 =	vsel vm1, $0x1, v1;
	vm1 =	vlt.s32 v42, v2  }
0x246: {  	v13 =	vadd.s32 v22, v13;
	v46 =	vsel vm1, $0x1, v1;
	vm1 =	vlt.s32 v10, v3  }
0x247: {  	v13 =	vadd.s32 v35, v13;
	v10 =	vsel vm1, $0x1, v1;
	vm1 =	vlt.s32 v11, v3  }
0x248: {  	v48 =	vsel vm2, $0xFFFFFFFF, v1;
	v13 =	vadd.s32 v26, v13;
	v49 =	vsel vm1, $0x1, v1  }
0x249: {  	vm1 =	vlt.s32 v12, v3;
	v10 =	vadd.s32 v10, v48;
	v13 =	vadd.s32 v38, v13  }
0x24a: {  	v50 =	vsel vm1, $0x1, v1;
	vm1 =	vlt.s32 v15, v3;
	v10 =	vadd.s32 v49, v10  }
0x24b: {  	v13 =	vadd.s32 v27, v13;
	v51 =	vsel vm1, $0x1, v1;
	vm1 =	vlt.s32 v16, v3  }
0x24c: {  	v10 =	vadd.s32 v50, v10;
	v13 =	vadd.s32 v41, v13;
	v52 =	vsel vm1, $0x1, v1  }
0x24d: {  	vm1 =	vlt.s32 v19, v3;
	v10 =	vadd.s32 v51, v10;
	v13 =	vadd.s32 v28, v13  }
0x24e: {  	v53 =	vsel vm1, $0x1, v1;
	vm1 =	vlt.s32 v20, v3;
	v10 =	vadd.s32 v52, v10  }
0x24f: {  	v13 =	vadd.s32 v44, v13;
	v54 =	vsel vm1, $0x1, v1;
	vm1 =	vlt.s32 v24, v3  }
0x250: {  	v10 =	vadd.s32 v53, v10;
	v13 =	vadd.s32 v45, v13;
	v55 =	vsel vm1, $0x1, v1  }
0x251: {  	vm1 =	vlt.s32 v25, v3;
	v10 =	vadd.s32 v54, v10;
	v13 =	vadd.s32 v46, v13  }
0x252: {  	v8 =	vsel vm1, $0x1, v1;
	vm1 =	vlt.s32 v36, v3;
	v10 =	vadd.s32 v55, v10  }
0x253: {  	v56 =	vsel vm1, $0x1, v1;
	vm1 =	vlt.s32 v37, v3;
	v8 =	vadd.s32 v8, v10  }
0x254: {  	v57 =	vsel vm1, $0x1, v1;
	vm1 =	vlt.s32 v39, v3;
	v8 =	vadd.s32 v56, v8  }
0x255: {  	v58 =	vsel vm1, $0x1, v1;
	vm1 =	vlt.s32 v40, v3;
	v8 =	vadd.s32 v57, v8  }
0x256: {  	v59 =	vsel vm1, $0x1, v1;
	vm1 =	vlt.s32 v42, v3;
	v8 =	vadd.s32 v58, v8  }
0x257: {  	v60 =	vsel vm1, $0x1, v1;
	vm1 =	vlt.s32 v43, v3;
	v8 =	vadd.s32 v59, v8  }
0x258: {  	[tilespmem:$0x1480] =	vst v9;
	v62 =	vadd.s32 v47, v13;
	v63 =	vsel vm1, $0x1, v1;
	v8 =	vadd.s32 v60, v8  }
0x259: {  	[tilespmem:$0x1400] =	vst v62;
	v8 =	vadd.s32 v63, v8  }
0x25a: {  	s17 =	rddreg [dreg:$0x7];
	s18 =	simm.s32 $0x1400;
	[tilespmem:$0x1410] =	vst v8  }
0x25b: {  	[hbm4b:s17+s2] =	stream.linear.scatter [tilespmem:s18], [sflag:$0x5], $0x80, $0x38;
	[tilespmem:$0x11780] =	vst v63  }
0x25c: {  	_ =	swait.ge [sflag:s0], $0x80  }
0x25d: {  	s30 =	simm.s32 $0x1480;
	[sflag:s0] =	ssyncset.done $0x0  }
.Ltmp6:
0x25e: {  	s29 =	rddreg [dreg:$0x9];
	[sflag:s0] =	ssyncadd.s32 $0xFFFFFF80;
	(pc) =	sbr.rel .LBB2_7-.Ltmp6, $4  }
0x25f: {  	[hbm4b:s29+s2] =	stream.linear.scatter [tilespmem:s30], [sflag:$0x5], $0x80, $0x38;
	[tilespmem:$0x11780] =	vst v63  }
0x260: {  	_ =	swait.ge [sflag:s0], $0x80  }
0x261: {  	[sflag:s0] =	ssyncset.done $0x0  }
0x262: {  	[sflag:s0] =	ssyncadd.s32 $0xFFFFFF80  }
.LBB2_8:
0x263: {  	_ =	sfence.sel $0x180000  }
0x264: {  	[bflag:$0x0] =	sbarrier.arrive $0xFFFF  }
0x265: {  	_ =	strace $0x9000004A  }
0x266: {  	s0 =	stileid.u32;
	[bflag:$0x2] =	sbarrier.arrive $0xFFFF  }
0x267: {  	p0 =	sne.s32 s0, $0x0;
	s0 =	rddreg [dreg:$0x5]  }
0x268: {  	s0 =	sadd.s32 @!p0 $0x100000, s0  }
0x269: {  	[sflag:s0] =	ssyncadd.tile.s32 @!p0 $0x1;
	_ =	shalt  }
.Lfunc_end2:
_tile_overlayer_lowered:
.L_overlay_start_2:
0x26a: {  	(tag) =	ssettag $0x2  }
0x26b: {  	s0 =	rddreg [dreg:$0x0];
	s2 =	stileid.u32  }
0x26c: {  	s1 =	rddreg [dreg:$0x1];
	p0 =	sne.s32 s2, $0x0  }
0x26d: {  	s3 =	rddreg [dreg:$0x2];
	[bflag:$0x3] =	sbarrier.arrive $0xFFFF;
	s2 =	simm.s32 @!p0 $0x1C05  }
0x26e: {  	[timem:s3], [sflag:s2] =	dma.local @!p0 [hbm:s0], s1  }
0x26f: {  	s0 =	simm.s32 @!p0 $0x5  }
0x270: {  	_ =	swait.ge @!p0 [sflag:s0], s1  }
0x271: {  	s1 =	ssub.s32 @!p0 $0x0, s1;
	[sflag:s0] =	ssyncset.done @!p0 $0x0  }
0x272: {  	[sflag:s0] =	ssyncadd.s32 @!p0 s1  }
0x273: {  	[bflag:$0x3] =	sbarrier.arrive $0xFFFF  }
0x274: {  	_ =	shalt  }

</sc_bundles>
